<compile_context>
chip_gen: v7x
topology: tpu7x:2x2x1
jax: 0.10.2.dev20260603
libtpu: 0.0.44.dev20260713+nightly
codegen_flags: <defaults>
</compile_context>

<pallas_src>
import functools

import jax
import jax.numpy as jnp
from jax import lax
from jax.experimental import pallas as pl
from jax.experimental.pallas import tpu as pltpu
from jax.experimental.pallas import tpu_sc as plsc

N = 10000
E = 320000
D_IN = 128
D_H = 64
D_OUT = 128

N_PAD = 10240
BLK = 2048
GRID = N_PAD // BLK
NC, NS = 2, 16
NW = NC * NS
CHUNK = 128
CPW = 80
E_PAD = NW * CPW * CHUNK
STRIPE = N_PAD // NS
def _tc1_body(x_ref, wrel_ref, wroot_ref, y1_ref, r1_ref):
    xb = x_ref[...]
    y1_ref[...] = lax.dot_general(xb, wrel_ref[...], (((1,), (1,)), ((), ())),
                                  preferred_element_type=jnp.float32)
    r1_ref[...] = lax.dot_general(xb, wroot_ref[...], (((1,), (1,)), ((), ())),
                                  preferred_element_type=jnp.float32)


def _tc1(x, w1_rel, w1_root):
    return pl.pallas_call(
        _tc1_body,
        grid=(GRID,),
        in_specs=[
            pl.BlockSpec((N // GRID, D_IN), lambda i: (i, 0)),
            pl.BlockSpec((D_H, D_IN), lambda i: (0, 0)),
            pl.BlockSpec((D_H, D_IN), lambda i: (0, 0)),
        ],
        out_specs=[
            pl.BlockSpec((N // GRID, D_H), lambda i: (i, 0)),
            pl.BlockSpec((N // GRID, D_H), lambda i: (i, 0)),
        ],
        out_shape=[
            jax.ShapeDtypeStruct((N_PAD, D_H), jnp.float32),
            jax.ShapeDtypeStruct((N_PAD, D_H), jnp.float32),
        ],
    )(x, w1_rel, w1_root)


def _tc2_body(acc_ref, r1_ref, b1_ref, ms_ref, h_ref):
    a0 = acc_ref[0]
    a1 = acc_ref[1]
    seg = a0[:, :D_H] + a1[:, :D_H]
    deg = a0[:, D_H:D_H + 1] + a1[:, D_H:D_H + 1]
    degc = jnp.maximum(deg, 1.0)
    h = seg / degc + b1_ref[...] + r1_ref[...]
    h_ref[...] = jnp.maximum(h, 0.0) * ms_ref[...]


def _tc2(acc1, r1, b1r, ms_pad):
    return pl.pallas_call(
        _tc2_body,
        grid=(GRID,),
        in_specs=[
            pl.BlockSpec((2, BLK, 128), lambda i: (0, i, 0)),
            pl.BlockSpec((BLK, D_H), lambda i: (i, 0)),
            pl.BlockSpec((1, D_H), lambda i: (0, 0)),
            pl.BlockSpec((BLK, D_H), lambda i: (i, 0)),
        ],
        out_specs=pl.BlockSpec((BLK, D_H), lambda i: (i, 0)),
        out_shape=jax.ShapeDtypeStruct((N_PAD, D_H), jnp.float32),
    )(acc1, r1, b1r, ms_pad)


def _tc3_body(acc_ref, h_ref, wrel_ref, b2_ref, wroot_ref, out_ref):
    seg2 = acc_ref[0][:, :D_H] + acc_ref[1][:, :D_H]
    out = lax.dot_general(seg2, wrel_ref[...], (((1,), (1,)), ((), ())),
                          preferred_element_type=jnp.float32)
    out += lax.dot_general(h_ref[...], wroot_ref[...], (((1,), (1,)), ((), ())),
                           preferred_element_type=jnp.float32)
    out_ref[...] = out + b2_ref[...]


def _tc3(acc2, h, w2_rel, b2r, w2_root):
    return pl.pallas_call(
        _tc3_body,
        grid=(GRID,),
        in_specs=[
            pl.BlockSpec((2, N // GRID, 128), lambda i: (0, i, 0)),
            pl.BlockSpec((N // GRID, D_H), lambda i: (i, 0)),
            pl.BlockSpec((D_OUT, D_H), lambda i: (0, 0)),
            pl.BlockSpec((1, D_OUT), lambda i: (0, 0)),
            pl.BlockSpec((D_OUT, D_H), lambda i: (0, 0)),
        ],
        out_specs=pl.BlockSpec((N // GRID, D_OUT), lambda i: (i, 0)),
        out_shape=jax.ShapeDtypeStruct((N, D_OUT), jnp.float32),
    )(acc2, h, w2_rel, b2r, w2_root)


def _make_sc_seg_sum(with_deg):
    width = D_H
    mesh = plsc.VectorSubcoreMesh(core_axis_name="c", subcore_axis_name="s")
    scratch = [
        pltpu.VMEM((CPW, CHUNK), jnp.int32),
        pltpu.VMEM((CPW, CHUNK), jnp.int32),
        [pltpu.VMEM((CHUNK, width), jnp.float32)] * 4,
        pltpu.VMEM_SHARED((N_PAD, width), jnp.float32),
        [pltpu.SemaphoreType.DMA] * 4,
    ]
    if with_deg:
        scratch += [
            pltpu.VMEM((CHUNK, 16), jnp.float32),
            pltpu.VMEM_SHARED((N_PAD, 16), jnp.float32),
        ]

    @functools.partial(
        pl.kernel,
        mesh=mesh,
        compiler_params=pltpu.CompilerParams(use_tc_tiling_on_sc=False),
        out_type=jax.ShapeDtypeStruct((NC, N_PAD, 128), jnp.float32),
        scratch_types=scratch,
    )
    def seg_sum(table_hbm, src_hbm, dst_hbm, out_hbm,
                src_all, dst_all, rows, acc_sh, gsem, *deg_refs):
        if with_deg:
            ones_v, deg_sh = deg_refs
        c = lax.axis_index("c")
        s = lax.axis_index("s")
        wid = s * NC + c

        def _zero_row(i, carry):
            for jj in range(width // 16):
                rows[0][i, pl.ds(jj * 16, 16)] = jnp.zeros((16,), jnp.float32)
            if with_deg:
                ones_v[i, pl.ds(0, 16)] = jnp.zeros((16,), jnp.float32)
            return carry

        lax.fori_loop(0, CHUNK, _zero_row, 0)
        for k in range(STRIPE // CHUNK):
            pltpu.sync_copy(rows[0], acc_sh.at[pl.ds(s * STRIPE + k * CHUNK, CHUNK)])
            if with_deg:
                pltpu.sync_copy(
                    ones_v, deg_sh.at[pl.ds(s * STRIPE + k * CHUNK, CHUNK)])
        if with_deg:
            def _ones_row(i, carry):
                ones_v[i, pl.ds(0, 16)] = jnp.ones((16,), jnp.float32)
                return carry

            lax.fori_loop(0, CHUNK, _ones_row, 0)

        pltpu.sync_copy(src_hbm.at[pl.ds(wid * CPW, CPW)], src_all)
        pltpu.sync_copy(dst_hbm.at[pl.ds(wid * CPW, CPW)], dst_all)
        plsc.subcore_barrier()

        def _gather(j, b):
            pltpu.async_copy(table_hbm.at[src_all.at[j]], rows[b], gsem[b])

        def _gwait(j, b):
            pltpu.make_async_copy(
                table_hbm.at[src_all.at[j]], rows[b], gsem[b]).wait()

        def _scatter(j, b):
            pltpu.sync_copy(rows[b], acc_sh.at[dst_all.at[j]], add=True)
            if with_deg:
                pltpu.sync_copy(ones_v, deg_sh.at[dst_all.at[j]], add=True)

        def _step(j, b, fire_ahead):
            if fire_ahead:
                _gather(j + 3, (b + 3) % 4)
            _gwait(j, b)
            _scatter(j, b)

        _gather(0, 0)
        _gather(1, 1)
        _gather(2, 2)
        for b in range(4):
            _step(b, b, fire_ahead=True)

        def _quad(q, carry):
            for b in range(4):
                _step(4 * q + b, b, fire_ahead=True)
            return carry

        lax.fori_loop(1, CPW // 4 - 1, _quad, 0)

        for b in range(4):
            _step(CPW - 4 + b, b, fire_ahead=(b < 1))
        plsc.subcore_barrier()

        pltpu.sync_copy(acc_sh.at[pl.ds(s * STRIPE, STRIPE)],
                        out_hbm.at[c, pl.ds(s * STRIPE, STRIPE), pl.ds(0, D_H)])
        if with_deg:
            pltpu.sync_copy(
                deg_sh.at[pl.ds(s * STRIPE, STRIPE)],
                out_hbm.at[c, pl.ds(s * STRIPE, STRIPE), pl.ds(D_H, 16)])

    return seg_sum


_sc_seg1 = _make_sc_seg_sum(with_deg=True)
_sc_seg2 = _make_sc_seg_sum(with_deg=False)


def kernel(x, edge_index, W1_rel, b1_rel, W1_root, W2_rel, b2_rel, W2_root):
    pad_idx = N + jnp.arange(E_PAD - E, dtype=jnp.int32) % (N_PAD - N)
    src = jnp.concatenate([edge_index[0], pad_idx]).reshape(-1, CHUNK)
    dst = jnp.concatenate([edge_index[1], pad_idx]).reshape(-1, CHUNK)

    ms = 2.0 * jax.random.bernoulli(
        jax.random.key(42), 0.5, (N, D_H)).astype(jnp.float32)
    ms_pad = jnp.pad(ms, ((0, N_PAD - N), (0, 0)))

    y1, r1 = _tc1(x, W1_rel, W1_root)
    acc1 = _sc_seg1(y1, src, dst)
    h = _tc2(acc1, r1, b1_rel.reshape(1, D_H), ms_pad)
    acc2 = _sc_seg2(h, src, dst)
    return _tc3(acc2, h, W2_rel, b2_rel.reshape(1, D_OUT), W2_root)

# --- scband reference (transcript-rebuilt; emitter-appended) ---
"""Pipeline reference for scband-rcnet-19533511262269 (READ-ONLY COPY).

The authoritative reference and input builder live on the scoring server;
editing this copy changes nothing except your own understanding.
"""

import jax, jax.numpy as jnp
import numpy as np

N = 10000
E = 320000
D_IN = 128
D_H = 64
D_OUT = 128
DROP_P = 0.5


def setup_inputs(seed: int = 0) -> dict:
    key = jax.random.key(seed)
    ks = jax.random.split(key, 9)
    x = jax.random.normal(ks[0], (N, D_IN), dtype=jnp.float32)
    edge_index = jax.random.randint(ks[1], (2, E), 0, N, dtype=jnp.int32)
    # GraphConv layer 1 (in_dim -> 64, aggr='mean'): lin_rel (with bias) + lin_root (no bias)
    s1 = 1.0 / np.sqrt(D_IN)
    W1_rel = jax.random.uniform(ks[2], (D_H, D_IN), jnp.float32, -s1, s1)
    b1_rel = jax.random.uniform(ks[3], (D_H,), jnp.float32, -s1, s1)
    W1_root = jax.random.uniform(ks[4], (D_H, D_IN), jnp.float32, -s1, s1)
    # GraphConv layer 2 (64 -> out_dim, aggr='add')
    s2 = 1.0 / np.sqrt(D_H)
    W2_rel = jax.random.uniform(ks[5], (D_OUT, D_H), jnp.float32, -s2, s2)
    b2_rel = jax.random.uniform(ks[6], (D_OUT,), jnp.float32, -s2, s2)
    W2_root = jax.random.uniform(ks[7], (D_OUT, D_H), jnp.float32, -s2, s2)
    return {
        "x": x,
        "edge_index": edge_index,
        "W1_rel": W1_rel,
        "b1_rel": b1_rel,
        "W1_root": W1_root,
        "W2_rel": W2_rel,
        "b2_rel": b2_rel,
        "W2_root": W2_root,
    }


def _graph_conv(x, src, dst, W_rel, b_rel, W_root, mean):
    msgs = jnp.take(x, src, axis=0)
    agg = jax.ops.segment_sum(msgs, dst, num_segments=N)
    if mean:
        deg = jax.ops.segment_sum(jnp.ones((E,), x.dtype), dst, num_segments=N)
        agg = agg / jnp.clip(deg, 1.0, None)[:, None]
    return agg @ W_rel.T + b_rel + x @ W_root.T


def reference(x, edge_index, W1_rel, b1_rel, W1_root, W2_rel, b2_rel, W2_root):
    src = edge_index[0]
    dst = edge_index[1]
    h = _graph_conv(x, src, dst, W1_rel, b1_rel, W1_root, mean=True)
    h = jax.nn.relu(h)
    # F.dropout(p=0.5) with default training=True; deterministic fixed-key mask
    mask = jax.random.bernoulli(jax.random.key(42), 1.0 - DROP_P, h.shape)
    h = jnp.where(mask, h / (1.0 - DROP_P), 0.0)
    out = _graph_conv(h, src, dst, W2_rel, b2_rel, W2_root, mean=False)
    return out

if __name__ == "__main__":
    import jax
    _d = setup_inputs()
    print(jax.jit(kernel)(*tuple(_d.values())))

</pallas_src>

<mosaic_0001>
#map = affine_map<(d0, d1) -> (0, 0)>
#map1 = affine_map<(d0, d1) -> (0, 0, 0)>
module attributes {stable_mosaic.version = 14 : i64} {
  func.func @seg_sum(%arg0: i32, %arg1: i32, %arg2: memref<10240x64xf32, #tpu.memory_space<hbm>>, %arg3: memref<2560x128xi32, #tpu.memory_space<hbm>>, %arg4: memref<2560x128xi32, #tpu.memory_space<hbm>>, %arg5: memref<2x10240x128xf32, #tpu.memory_space<hbm>>, %arg6: memref<80x128xi32, #tpu.memory_space<vmem>>, %arg7: memref<80x128xi32, #tpu.memory_space<vmem>>, %arg8: memref<128x64xf32, #tpu.memory_space<vmem>>, %arg9: memref<128x64xf32, #tpu.memory_space<vmem>>, %arg10: memref<128x64xf32, #tpu.memory_space<vmem>>, %arg11: memref<128x64xf32, #tpu.memory_space<vmem>>, %arg12: memref<10240x64xf32, #tpu.memory_space<vmem_shared>>, %arg13: memref<!tpu.dma_semaphore, #tpu.memory_space<semaphore_mem>>, %arg14: memref<!tpu.dma_semaphore, #tpu.memory_space<semaphore_mem>>, %arg15: memref<!tpu.dma_semaphore, #tpu.memory_space<semaphore_mem>>, %arg16: memref<!tpu.dma_semaphore, #tpu.memory_space<semaphore_mem>>, %arg17: memref<128x16xf32, #tpu.memory_space<vmem>>, %arg18: memref<10240x16xf32, #tpu.memory_space<vmem_shared>>) attributes {dimension_semantics = [#tpu.dimension_semantics<core_parallel>, #tpu.dimension_semantics<subcore_parallel>], iteration_bounds = array<i64: 2, 16>, scalar_prefetch = 0 : i64, scratch_operands = 13 : i64, tpu.core_type = #tpu.core_type<sc_vector_subcore>, window_params = [{transform_indices = #map}, {transform_indices = #map}, {transform_indices = #map}, {transform_indices = #map1}]} {
    %mul3A = arith.constant 2 : i32
    %mul3A_0 = arith.muli %arg1, %mul3A : i32
    %add3A = arith.addi %mul3A_0, %arg0 : i32
    %scan3A = arith.constant 0 : i32
    %scan3A_1 = arith.constant 0 : i32
    %scan3A_2 = arith.constant 128 : i32
    %scan3A_3 = arith.addi %scan3A_1, %scan3A_2 : i32
    %scan3A_4 = arith.constant 1 : i32
    scf.for %scan3A_196 = %scan3A_1 to %scan3A_3 step %scan3A_4  : i32 {
      %broadcast_in_dim3A = arith.constant 0.000000e+00 : f32
      %broadcast_in_dim3A_197 = vector.broadcast %broadcast_in_dim3A : f32 to vector<16xf32>
      %swap3A = arith.index_cast %scan3A_196 : i32 to index
      %swap3A_198 = arith.constant 0 : index
      %swap3A_199 = tpu.vector_load %arg8[%swap3A, %swap3A_198] {strides = array<i32>} : memref<128x64xf32, #tpu.memory_space<vmem>>, vector<1x16xf32>,
      %swap3A_200 = vector.shape_cast %swap3A_199 : vector<1x16xf32> to vector<16xf32>
      %swap3A_201 = vector.shape_cast %broadcast_in_dim3A_197 : vector<16xf32> to vector<1x16xf32>
      tpu.vector_store %arg8[%swap3A, %swap3A_198], %swap3A_201 {strides = array<i32>} : memref<128x64xf32, #tpu.memory_space<vmem>>, vector<1x16xf32>,
      %broadcast_in_dim3A_202 = arith.constant 0.000000e+00 : f32
      %broadcast_in_dim3A_203 = vector.broadcast %broadcast_in_dim3A_202 : f32 to vector<16xf32>
      %swap3A_204 = arith.index_cast %scan3A_196 : i32 to index
      %swap3A_205 = arith.constant 16 : index
      %swap3A_206 = tpu.vector_load %arg8[%swap3A_204, %swap3A_205] {strides = array<i32>} : memref<128x64xf32, #tpu.memory_space<vmem>>, vector<1x16xf32>,
      %swap3A_207 = vector.shape_cast %swap3A_206 : vector<1x16xf32> to vector<16xf32>
      %swap3A_208 = vector.shape_cast %broadcast_in_dim3A_203 : vector<16xf32> to vector<1x16xf32>
      tpu.vector_store %arg8[%swap3A_204, %swap3A_205], %swap3A_208 {strides = array<i32>} : memref<128x64xf32, #tpu.memory_space<vmem>>, vector<1x16xf32>,
      %broadcast_in_dim3A_209 = arith.constant 0.000000e+00 : f32
      %broadcast_in_dim3A_210 = vector.broadcast %broadcast_in_dim3A_209 : f32 to vector<16xf32>
      %swap3A_211 = arith.index_cast %scan3A_196 : i32 to index
      %swap3A_212 = arith.constant 32 : index
      %swap3A_213 = tpu.vector_load %arg8[%swap3A_211, %swap3A_212] {strides = array<i32>} : memref<128x64xf32, #tpu.memory_space<vmem>>, vector<1x16xf32>,
      %swap3A_214 = vector.shape_cast %swap3A_213 : vector<1x16xf32> to vector<16xf32>
      %swap3A_215 = vector.shape_cast %broadcast_in_dim3A_210 : vector<16xf32> to vector<1x16xf32>
      tpu.vector_store %arg8[%swap3A_211, %swap3A_212], %swap3A_215 {strides = array<i32>} : memref<128x64xf32, #tpu.memory_space<vmem>>, vector<1x16xf32>,
      %broadcast_in_dim3A_216 = arith.constant 0.000000e+00 : f32
      %broadcast_in_dim3A_217 = vector.broadcast %broadcast_in_dim3A_216 : f32 to vector<16xf32>
      %swap3A_218 = arith.index_cast %scan3A_196 : i32 to index
      %swap3A_219 = arith.constant 48 : index
      %swap3A_220 = tpu.vector_load %arg8[%swap3A_218, %swap3A_219] {strides = array<i32>} : memref<128x64xf32, #tpu.memory_space<vmem>>, vector<1x16xf32>,
      %swap3A_221 = vector.shape_cast %swap3A_220 : vector<1x16xf32> to vector<16xf32>
      %swap3A_222 = vector.shape_cast %broadcast_in_dim3A_217 : vector<16xf32> to vector<1x16xf32>
      tpu.vector_store %arg8[%swap3A_218, %swap3A_219], %swap3A_222 {strides = array<i32>} : memref<128x64xf32, #tpu.memory_space<vmem>>, vector<1x16xf32>,
      %broadcast_in_dim3A_223 = arith.constant 0.000000e+00 : f32
      %broadcast_in_dim3A_224 = vector.broadcast %broadcast_in_dim3A_223 : f32 to vector<16xf32>
      %swap3A_225 = arith.index_cast %scan3A_196 : i32 to index
      %swap3A_226 = arith.constant 0 : index
      %swap3A_227 = tpu.vector_load %arg17[%swap3A_225, %swap3A_226] {strides = array<i32>} : memref<128x16xf32, #tpu.memory_space<vmem>>, vector<1x16xf32>,
      %swap3A_228 = vector.shape_cast %swap3A_227 : vector<1x16xf32> to vector<16xf32>
      %swap3A_229 = vector.shape_cast %broadcast_in_dim3A_224 : vector<16xf32> to vector<1x16xf32>
      tpu.vector_store %arg17[%swap3A_225, %swap3A_226], %swap3A_229 {strides = array<i32>} : memref<128x16xf32, #tpu.memory_space<vmem>>, vector<1x16xf32>,
    }
    %scan3A_5 = arith.constant 128 : i32
    %mul3A_6 = arith.constant 640 : i32
    %mul3A_7 = arith.muli %arg1, %mul3A_6 : i32
    %add3A_8 = arith.constant 0 : i32
    %add3A_9 = arith.addi %mul3A_7, %add3A_8 : i32
    "tpu.region"() ({
      %run_scoped3A_196 = tpu.sem_alloc : memref<!tpu.dma_semaphore, #tpu.memory_space<semaphore_mem>>
      %dma_start3A_197 = arith.constant 0 : i32
      %dma_start3A_198 = tpu.memref_slice %arg12[%add3A_9, %dma_start3A_197] : memref<10240x64xf32, #tpu.memory_space<vmem_shared>> -> memref<128x64xf32, #tpu.memory_space<vmem_shared>>
      %dma_start3A_199 = arith.constant 0 : i32
      %dma_start3A_200 = tpu.memref_slice %arg12[%add3A_9, %dma_start3A_199] : memref<10240x64xf32, #tpu.memory_space<vmem_shared>> -> memref<128x64xf32, #tpu.memory_space<vmem_shared>>
      tpu.enqueue_dma source(%arg8 : memref<128x64xf32, #tpu.memory_space<vmem>>) target(%dma_start3A_200 : memref<128x64xf32, #tpu.memory_space<vmem_shared>>) target_semaphore(%run_scoped3A_196 : memref<!tpu.dma_semaphore, #tpu.memory_space<semaphore_mem>>)
      %dma_wait3A_201 = arith.constant 0 : i32
      %dma_wait3A_202 = tpu.memref_slice %arg12[%add3A_9, %dma_wait3A_201] : memref<10240x64xf32, #tpu.memory_space<vmem_shared>> -> memref<128x64xf32, #tpu.memory_space<vmem_shared>>
      %dma_wait3A_203 = arith.constant 0 : i32
      %dma_wait3A_204 = tpu.memref_slice %arg12[%add3A_9, %dma_wait3A_203] : memref<10240x64xf32, #tpu.memory_space<vmem_shared>> -> memref<128x64xf32, #tpu.memory_space<vmem_shared>>
      tpu.wait_dma2 semaphore(%run_scoped3A_196 : memref<!tpu.dma_semaphore, #tpu.memory_space<semaphore_mem>>) src(%arg8 : memref<128x64xf32, #tpu.memory_space<vmem>>) dst(%dma_wait3A_204 : memref<128x64xf32, #tpu.memory_space<vmem_shared>>)
      tpu.yield
    }) : () -> ()
    %mul3A_10 = arith.constant 640 : i32
    %mul3A_11 = arith.muli %arg1, %mul3A_10 : i32
    %add3A_12 = arith.constant 0 : i32
    %add3A_13 = arith.addi %mul3A_11, %add3A_12 : i32
    "tpu.region"() ({
      %run_scoped3A_196 = tpu.sem_alloc : memref<!tpu.dma_semaphore, #tpu.memory_space<semaphore_mem>>
      %dma_start3A_197 = arith.constant 0 : i32
      %dma_start3A_198 = tpu.memref_slice %arg18[%add3A_13, %dma_start3A_197] : memref<10240x16xf32, #tpu.memory_space<vmem_shared>> -> memref<128x16xf32, #tpu.memory_space<vmem_shared>>
      %dma_start3A_199 = arith.constant 0 : i32
      %dma_start3A_200 = tpu.memref_slice %arg18[%add3A_13, %dma_start3A_199] : memref<10240x16xf32, #tpu.memory_space<vmem_shared>> -> memref<128x16xf32, #tpu.memory_space<vmem_shared>>
      tpu.enqueue_dma source(%arg17 : memref<128x16xf32, #tpu.memory_space<vmem>>) target(%dma_start3A_200 : memref<128x16xf32, #tpu.memory_space<vmem_shared>>) target_semaphore(%run_scoped3A_196 : memref<!tpu.dma_semaphore, #tpu.memory_space<semaphore_mem>>)
      %dma_wait3A_201 = arith.constant 0 : i32
      %dma_wait3A_202 = tpu.memref_slice %arg18[%add3A_13, %dma_wait3A_201] : memref<10240x16xf32, #tpu.memory_space<vmem_shared>> -> memref<128x16xf32, #tpu.memory_space<vmem_shared>>
      %dma_wait3A_203 = arith.constant 0 : i32
      %dma_wait3A_204 = tpu.memref_slice %arg18[%add3A_13, %dma_wait3A_203] : memref<10240x16xf32, #tpu.memory_space<vmem_shared>> -> memref<128x16xf32, #tpu.memory_space<vmem_shared>>
      tpu.wait_dma2 semaphore(%run_scoped3A_196 : memref<!tpu.dma_semaphore, #tpu.memory_space<semaphore_mem>>) src(%arg17 : memref<128x16xf32, #tpu.memory_space<vmem>>) dst(%dma_wait3A_204 : memref<128x16xf32, #tpu.memory_space<vmem_shared>>)
      tpu.yield
    }) : () -> ()
    %mul3A_14 = arith.constant 640 : i32
    %mul3A_15 = arith.muli %arg1, %mul3A_14 : i32
    %add3A_16 = arith.constant 128 : i32
    %add3A_17 = arith.addi %mul3A_15, %add3A_16 : i32
    "tpu.region"() ({
      %run_scoped3A_196 = tpu.sem_alloc : memref<!tpu.dma_semaphore, #tpu.memory_space<semaphore_mem>>
      %dma_start3A_197 = arith.constant 0 : i32
      %dma_start3A_198 = tpu.memref_slice %arg12[%add3A_17, %dma_start3A_197] : memref<10240x64xf32, #tpu.memory_space<vmem_shared>> -> memref<128x64xf32, #tpu.memory_space<vmem_shared>>
      %dma_start3A_199 = arith.constant 0 : i32
      %dma_start3A_200 = tpu.memref_slice %arg12[%add3A_17, %dma_start3A_199] : memref<10240x64xf32, #tpu.memory_space<vmem_shared>> -> memref<128x64xf32, #tpu.memory_space<vmem_shared>>
      tpu.enqueue_dma source(%arg8 : memref<128x64xf32, #tpu.memory_space<vmem>>) target(%dma_start3A_200 : memref<128x64xf32, #tpu.memory_space<vmem_shared>>) target_semaphore(%run_scoped3A_196 : memref<!tpu.dma_semaphore, #tpu.memory_space<semaphore_mem>>)
      %dma_wait3A_201 = arith.constant 0 : i32
      %dma_wait3A_202 = tpu.memref_slice %arg12[%add3A_17, %dma_wait3A_201] : memref<10240x64xf32, #tpu.memory_space<vmem_shared>> -> memref<128x64xf32, #tpu.memory_space<vmem_shared>>
      %dma_wait3A_203 = arith.constant 0 : i32
      %dma_wait3A_204 = tpu.memref_slice %arg12[%add3A_17, %dma_wait3A_203] : memref<10240x64xf32, #tpu.memory_space<vmem_shared>> -> memref<128x64xf32, #tpu.memory_space<vmem_shared>>
      tpu.wait_dma2 semaphore(%run_scoped3A_196 : memref<!tpu.dma_semaphore, #tpu.memory_space<semaphore_mem>>) src(%arg8 : memref<128x64xf32, #tpu.memory_space<vmem>>) dst(%dma_wait3A_204 : memref<128x64xf32, #tpu.memory_space<vmem_shared>>)
      tpu.yield
    }) : () -> ()
    %mul3A_18 = arith.constant 640 : i32
    %mul3A_19 = arith.muli %arg1, %mul3A_18 : i32
    %add3A_20 = arith.constant 128 : i32
    %add3A_21 = arith.addi %mul3A_19, %add3A_20 : i32
    "tpu.region"() ({
      %run_scoped3A_196 = tpu.sem_alloc : memref<!tpu.dma_semaphore, #tpu.memory_space<semaphore_mem>>
      %dma_start3A_197 = arith.constant 0 : i32
      %dma_start3A_198 = tpu.memref_slice %arg18[%add3A_21, %dma_start3A_197] : memref<10240x16xf32, #tpu.memory_space<vmem_shared>> -> memref<128x16xf32, #tpu.memory_space<vmem_shared>>
      %dma_start3A_199 = arith.constant 0 : i32
      %dma_start3A_200 = tpu.memref_slice %arg18[%add3A_21, %dma_start3A_199] : memref<10240x16xf32, #tpu.memory_space<vmem_shared>> -> memref<128x16xf32, #tpu.memory_space<vmem_shared>>
      tpu.enqueue_dma source(%arg17 : memref<128x16xf32, #tpu.memory_space<vmem>>) target(%dma_start3A_200 : memref<128x16xf32, #tpu.memory_space<vmem_shared>>) target_semaphore(%run_scoped3A_196 : memref<!tpu.dma_semaphore, #tpu.memory_space<semaphore_mem>>)
      %dma_wait3A_201 = arith.constant 0 : i32
      %dma_wait3A_202 = tpu.memref_slice %arg18[%add3A_21, %dma_wait3A_201] : memref<10240x16xf32, #tpu.memory_space<vmem_shared>> -> memref<128x16xf32, #tpu.memory_space<vmem_shared>>
      %dma_wait3A_203 = arith.constant 0 : i32
      %dma_wait3A_204 = tpu.memref_slice %arg18[%add3A_21, %dma_wait3A_203] : memref<10240x16xf32, #tpu.memory_space<vmem_shared>> -> memref<128x16xf32, #tpu.memory_space<vmem_shared>>
      tpu.wait_dma2 semaphore(%run_scoped3A_196 : memref<!tpu.dma_semaphore, #tpu.memory_space<semaphore_mem>>) src(%arg17 : memref<128x16xf32, #tpu.memory_space<vmem>>) dst(%dma_wait3A_204 : memref<128x16xf32, #tpu.memory_space<vmem_shared>>)
      tpu.yield
    }) : () -> ()
    %mul3A_22 = arith.constant 640 : i32
    %mul3A_23 = arith.muli %arg1, %mul3A_22 : i32
    %add3A_24 = arith.constant 256 : i32
    %add3A_25 = arith.addi %mul3A_23, %add3A_24 : i32
    "tpu.region"() ({
      %run_scoped3A_196 = tpu.sem_alloc : memref<!tpu.dma_semaphore, #tpu.memory_space<semaphore_mem>>
      %dma_start3A_197 = arith.constant 0 : i32
      %dma_start3A_198 = tpu.memref_slice %arg12[%add3A_25, %dma_start3A_197] : memref<10240x64xf32, #tpu.memory_space<vmem_shared>> -> memref<128x64xf32, #tpu.memory_space<vmem_shared>>
      %dma_start3A_199 = arith.constant 0 : i32
      %dma_start3A_200 = tpu.memref_slice %arg12[%add3A_25, %dma_start3A_199] : memref<10240x64xf32, #tpu.memory_space<vmem_shared>> -> memref<128x64xf32, #tpu.memory_space<vmem_shared>>
      tpu.enqueue_dma source(%arg8 : memref<128x64xf32, #tpu.memory_space<vmem>>) target(%dma_start3A_200 : memref<128x64xf32, #tpu.memory_space<vmem_shared>>) target_semaphore(%run_scoped3A_196 : memref<!tpu.dma_semaphore, #tpu.memory_space<semaphore_mem>>)
      %dma_wait3A_201 = arith.constant 0 : i32
      %dma_wait3A_202 = tpu.memref_slice %arg12[%add3A_25, %dma_wait3A_201] : memref<10240x64xf32, #tpu.memory_space<vmem_shared>> -> memref<128x64xf32, #tpu.memory_space<vmem_shared>>
      %dma_wait3A_203 = arith.constant 0 : i32
      %dma_wait3A_204 = tpu.memref_slice %arg12[%add3A_25, %dma_wait3A_203] : memref<10240x64xf32, #tpu.memory_space<vmem_shared>> -> memref<128x64xf32, #tpu.memory_space<vmem_shared>>
      tpu.wait_dma2 semaphore(%run_scoped3A_196 : memref<!tpu.dma_semaphore, #tpu.memory_space<semaphore_mem>>) src(%arg8 : memref<128x64xf32, #tpu.memory_space<vmem>>) dst(%dma_wait3A_204 : memref<128x64xf32, #tpu.memory_space<vmem_shared>>)
      tpu.yield
    }) : () -> ()
    %mul3A_26 = arith.constant 640 : i32
    %mul3A_27 = arith.muli %arg1, %mul3A_26 : i32
    %add3A_28 = arith.constant 256 : i32
    %add3A_29 = arith.addi %mul3A_27, %add3A_28 : i32
    "tpu.region"() ({
      %run_scoped3A_196 = tpu.sem_alloc : memref<!tpu.dma_semaphore, #tpu.memory_space<semaphore_mem>>
      %dma_start3A_197 = arith.constant 0 : i32
      %dma_start3A_198 = tpu.memref_slice %arg18[%add3A_29, %dma_start3A_197] : memref<10240x16xf32, #tpu.memory_space<vmem_shared>> -> memref<128x16xf32, #tpu.memory_space<vmem_shared>>
      %dma_start3A_199 = arith.constant 0 : i32
      %dma_start3A_200 = tpu.memref_slice %arg18[%add3A_29, %dma_start3A_199] : memref<10240x16xf32, #tpu.memory_space<vmem_shared>> -> memref<128x16xf32, #tpu.memory_space<vmem_shared>>
      tpu.enqueue_dma source(%arg17 : memref<128x16xf32, #tpu.memory_space<vmem>>) target(%dma_start3A_200 : memref<128x16xf32, #tpu.memory_space<vmem_shared>>) target_semaphore(%run_scoped3A_196 : memref<!tpu.dma_semaphore, #tpu.memory_space<semaphore_mem>>)
      %dma_wait3A_201 = arith.constant 0 : i32
      %dma_wait3A_202 = tpu.memref_slice %arg18[%add3A_29, %dma_wait3A_201] : memref<10240x16xf32, #tpu.memory_space<vmem_shared>> -> memref<128x16xf32, #tpu.memory_space<vmem_shared>>
      %dma_wait3A_203 = arith.constant 0 : i32
      %dma_wait3A_204 = tpu.memref_slice %arg18[%add3A_29, %dma_wait3A_203] : memref<10240x16xf32, #tpu.memory_space<vmem_shared>> -> memref<128x16xf32, #tpu.memory_space<vmem_shared>>
      tpu.wait_dma2 semaphore(%run_scoped3A_196 : memref<!tpu.dma_semaphore, #tpu.memory_space<semaphore_mem>>) src(%arg17 : memref<128x16xf32, #tpu.memory_space<vmem>>) dst(%dma_wait3A_204 : memref<128x16xf32, #tpu.memory_space<vmem_shared>>)
      tpu.yield
    }) : () -> ()
    %mul3A_30 = arith.constant 640 : i32
    %mul3A_31 = arith.muli %arg1, %mul3A_30 : i32
    %add3A_32 = arith.constant 384 : i32
    %add3A_33 = arith.addi %mul3A_31, %add3A_32 : i32
    "tpu.region"() ({
      %run_scoped3A_196 = tpu.sem_alloc : memref<!tpu.dma_semaphore, #tpu.memory_space<semaphore_mem>>
      %dma_start3A_197 = arith.constant 0 : i32
      %dma_start3A_198 = tpu.memref_slice %arg12[%add3A_33, %dma_start3A_197] : memref<10240x64xf32, #tpu.memory_space<vmem_shared>> -> memref<128x64xf32, #tpu.memory_space<vmem_shared>>
      %dma_start3A_199 = arith.constant 0 : i32
      %dma_start3A_200 = tpu.memref_slice %arg12[%add3A_33, %dma_start3A_199] : memref<10240x64xf32, #tpu.memory_space<vmem_shared>> -> memref<128x64xf32, #tpu.memory_space<vmem_shared>>
      tpu.enqueue_dma source(%arg8 : memref<128x64xf32, #tpu.memory_space<vmem>>) target(%dma_start3A_200 : memref<128x64xf32, #tpu.memory_space<vmem_shared>>) target_semaphore(%run_scoped3A_196 : memref<!tpu.dma_semaphore, #tpu.memory_space<semaphore_mem>>)
      %dma_wait3A_201 = arith.constant 0 : i32
      %dma_wait3A_202 = tpu.memref_slice %arg12[%add3A_33, %dma_wait3A_201] : memref<10240x64xf32, #tpu.memory_space<vmem_shared>> -> memref<128x64xf32, #tpu.memory_space<vmem_shared>>
      %dma_wait3A_203 = arith.constant 0 : i32
      %dma_wait3A_204 = tpu.memref_slice %arg12[%add3A_33, %dma_wait3A_203] : memref<10240x64xf32, #tpu.memory_space<vmem_shared>> -> memref<128x64xf32, #tpu.memory_space<vmem_shared>>
      tpu.wait_dma2 semaphore(%run_scoped3A_196 : memref<!tpu.dma_semaphore, #tpu.memory_space<semaphore_mem>>) src(%arg8 : memref<128x64xf32, #tpu.memory_space<vmem>>) dst(%dma_wait3A_204 : memref<128x64xf32, #tpu.memory_space<vmem_shared>>)
      tpu.yield
    }) : () -> ()
    %mul3A_34 = arith.constant 640 : i32
    %mul3A_35 = arith.muli %arg1, %mul3A_34 : i32
    %add3A_36 = arith.constant 384 : i32
    %add3A_37 = arith.addi %mul3A_35, %add3A_36 : i32
    "tpu.region"() ({
      %run_scoped3A_196 = tpu.sem_alloc : memref<!tpu.dma_semaphore, #tpu.memory_space<semaphore_mem>>
      %dma_start3A_197 = arith.constant 0 : i32
      %dma_start3A_198 = tpu.memref_slice %arg18[%add3A_37, %dma_start3A_197] : memref<10240x16xf32, #tpu.memory_space<vmem_shared>> -> memref<128x16xf32, #tpu.memory_space<vmem_shared>>
      %dma_start3A_199 = arith.constant 0 : i32
      %dma_start3A_200 = tpu.memref_slice %arg18[%add3A_37, %dma_start3A_199] : memref<10240x16xf32, #tpu.memory_space<vmem_shared>> -> memref<128x16xf32, #tpu.memory_space<vmem_shared>>
      tpu.enqueue_dma source(%arg17 : memref<128x16xf32, #tpu.memory_space<vmem>>) target(%dma_start3A_200 : memref<128x16xf32, #tpu.memory_space<vmem_shared>>) target_semaphore(%run_scoped3A_196 : memref<!tpu.dma_semaphore, #tpu.memory_space<semaphore_mem>>)
      %dma_wait3A_201 = arith.constant 0 : i32
      %dma_wait3A_202 = tpu.memref_slice %arg18[%add3A_37, %dma_wait3A_201] : memref<10240x16xf32, #tpu.memory_space<vmem_shared>> -> memref<128x16xf32, #tpu.memory_space<vmem_shared>>
      %dma_wait3A_203 = arith.constant 0 : i32
      %dma_wait3A_204 = tpu.memref_slice %arg18[%add3A_37, %dma_wait3A_203] : memref<10240x16xf32, #tpu.memory_space<vmem_shared>> -> memref<128x16xf32, #tpu.memory_space<vmem_shared>>
      tpu.wait_dma2 semaphore(%run_scoped3A_196 : memref<!tpu.dma_semaphore, #tpu.memory_space<semaphore_mem>>) src(%arg17 : memref<128x16xf32, #tpu.memory_space<vmem>>) dst(%dma_wait3A_204 : memref<128x16xf32, #tpu.memory_space<vmem_shared>>)
      tpu.yield
    }) : () -> ()
    %mul3A_38 = arith.constant 640 : i32
    %mul3A_39 = arith.muli %arg1, %mul3A_38 : i32
    %add3A_40 = arith.constant 512 : i32
    %add3A_41 = arith.addi %mul3A_39, %add3A_40 : i32
    "tpu.region"() ({
      %run_scoped3A_196 = tpu.sem_alloc : memref<!tpu.dma_semaphore, #tpu.memory_space<semaphore_mem>>
      %dma_start3A_197 = arith.constant 0 : i32
      %dma_start3A_198 = tpu.memref_slice %arg12[%add3A_41, %dma_start3A_197] : memref<10240x64xf32, #tpu.memory_space<vmem_shared>> -> memref<128x64xf32, #tpu.memory_space<vmem_shared>>
      %dma_start3A_199 = arith.constant 0 : i32
      %dma_start3A_200 = tpu.memref_slice %arg12[%add3A_41, %dma_start3A_199] : memref<10240x64xf32, #tpu.memory_space<vmem_shared>> -> memref<128x64xf32, #tpu.memory_space<vmem_shared>>
      tpu.enqueue_dma source(%arg8 : memref<128x64xf32, #tpu.memory_space<vmem>>) target(%dma_start3A_200 : memref<128x64xf32, #tpu.memory_space<vmem_shared>>) target_semaphore(%run_scoped3A_196 : memref<!tpu.dma_semaphore, #tpu.memory_space<semaphore_mem>>)
      %dma_wait3A_201 = arith.constant 0 : i32
      %dma_wait3A_202 = tpu.memref_slice %arg12[%add3A_41, %dma_wait3A_201] : memref<10240x64xf32, #tpu.memory_space<vmem_shared>> -> memref<128x64xf32, #tpu.memory_space<vmem_shared>>
      %dma_wait3A_203 = arith.constant 0 : i32
      %dma_wait3A_204 = tpu.memref_slice %arg12[%add3A_41, %dma_wait3A_203] : memref<10240x64xf32, #tpu.memory_space<vmem_shared>> -> memref<128x64xf32, #tpu.memory_space<vmem_shared>>
      tpu.wait_dma2 semaphore(%run_scoped3A_196 : memref<!tpu.dma_semaphore, #tpu.memory_space<semaphore_mem>>) src(%arg8 : memref<128x64xf32, #tpu.memory_space<vmem>>) dst(%dma_wait3A_204 : memref<128x64xf32, #tpu.memory_space<vmem_shared>>)
      tpu.yield
    }) : () -> ()
    %mul3A_42 = arith.constant 640 : i32
    %mul3A_43 = arith.muli %arg1, %mul3A_42 : i32
    %add3A_44 = arith.constant 512 : i32
    %add3A_45 = arith.addi %mul3A_43, %add3A_44 : i32
    "tpu.region"() ({
      %run_scoped3A_196 = tpu.sem_alloc : memref<!tpu.dma_semaphore, #tpu.memory_space<semaphore_mem>>
      %dma_start3A_197 = arith.constant 0 : i32
      %dma_start3A_198 = tpu.memref_slice %arg18[%add3A_45, %dma_start3A_197] : memref<10240x16xf32, #tpu.memory_space<vmem_shared>> -> memref<128x16xf32, #tpu.memory_space<vmem_shared>>
      %dma_start3A_199 = arith.constant 0 : i32
      %dma_start3A_200 = tpu.memref_slice %arg18[%add3A_45, %dma_start3A_199] : memref<10240x16xf32, #tpu.memory_space<vmem_shared>> -> memref<128x16xf32, #tpu.memory_space<vmem_shared>>
      tpu.enqueue_dma source(%arg17 : memref<128x16xf32, #tpu.memory_space<vmem>>) target(%dma_start3A_200 : memref<128x16xf32, #tpu.memory_space<vmem_shared>>) target_semaphore(%run_scoped3A_196 : memref<!tpu.dma_semaphore, #tpu.memory_space<semaphore_mem>>)
      %dma_wait3A_201 = arith.constant 0 : i32
      %dma_wait3A_202 = tpu.memref_slice %arg18[%add3A_45, %dma_wait3A_201] : memref<10240x16xf32, #tpu.memory_space<vmem_shared>> -> memref<128x16xf32, #tpu.memory_space<vmem_shared>>
      %dma_wait3A_203 = arith.constant 0 : i32
      %dma_wait3A_204 = tpu.memref_slice %arg18[%add3A_45, %dma_wait3A_203] : memref<10240x16xf32, #tpu.memory_space<vmem_shared>> -> memref<128x16xf32, #tpu.memory_space<vmem_shared>>
      tpu.wait_dma2 semaphore(%run_scoped3A_196 : memref<!tpu.dma_semaphore, #tpu.memory_space<semaphore_mem>>) src(%arg17 : memref<128x16xf32, #tpu.memory_space<vmem>>) dst(%dma_wait3A_204 : memref<128x16xf32, #tpu.memory_space<vmem_shared>>)
      tpu.yield
    }) : () -> ()
    %scan3A_46 = arith.constant 0 : i32
    %scan3A_47 = arith.constant 0 : i32
    %scan3A_48 = arith.constant 128 : i32
    %scan3A_49 = arith.addi %scan3A_47, %scan3A_48 : i32
    %scan3A_50 = arith.constant 1 : i32
    scf.for %scan3A_196 = %scan3A_47 to %scan3A_49 step %scan3A_50  : i32 {
      %broadcast_in_dim3A = arith.constant 1.000000e+00 : f32
      %broadcast_in_dim3A_197 = vector.broadcast %broadcast_in_dim3A : f32 to vector<16xf32>
      %swap3A = arith.index_cast %scan3A_196 : i32 to index
      %swap3A_198 = arith.constant 0 : index
      %swap3A_199 = tpu.vector_load %arg17[%swap3A, %swap3A_198] {strides = array<i32>} : memref<128x16xf32, #tpu.memory_space<vmem>>, vector<1x16xf32>,
      %swap3A_200 = vector.shape_cast %swap3A_199 : vector<1x16xf32> to vector<16xf32>
      %swap3A_201 = vector.shape_cast %broadcast_in_dim3A_197 : vector<16xf32> to vector<1x16xf32>
      tpu.vector_store %arg17[%swap3A, %swap3A_198], %swap3A_201 {strides = array<i32>} : memref<128x16xf32, #tpu.memory_space<vmem>>, vector<1x16xf32>,
    }
    %scan3A_51 = arith.constant 128 : i32
    %mul3A_52 = arith.constant 80 : i32
    %mul3A_53 = arith.muli %add3A, %mul3A_52 : i32
    "tpu.region"() ({
      %run_scoped3A_196 = tpu.sem_alloc : memref<!tpu.dma_semaphore, #tpu.memory_space<semaphore_mem>>
      %dma_start3A_197 = arith.constant 0 : i32
      %dma_start3A_198 = tpu.memref_slice %arg3[%mul3A_53, %dma_start3A_197] : memref<2560x128xi32, #tpu.memory_space<hbm>> -> memref<80x128xi32, #tpu.memory_space<hbm>>
      %dma_start3A_199 = arith.constant 0 : i32
      %dma_start3A_200 = tpu.memref_slice %arg3[%mul3A_53, %dma_start3A_199] : memref<2560x128xi32, #tpu.memory_space<hbm>> -> memref<80x128xi32, #tpu.memory_space<hbm>>
      tpu.enqueue_dma source(%dma_start3A_200 : memref<80x128xi32, #tpu.memory_space<hbm>>) target(%arg6 : memref<80x128xi32, #tpu.memory_space<vmem>>) target_semaphore(%run_scoped3A_196 : memref<!tpu.dma_semaphore, #tpu.memory_space<semaphore_mem>>)
      %dma_wait3A_201 = arith.constant 0 : i32
      %dma_wait3A_202 = tpu.memref_slice %arg3[%mul3A_53, %dma_wait3A_201] : memref<2560x128xi32, #tpu.memory_space<hbm>> -> memref<80x128xi32, #tpu.memory_space<hbm>>
      %dma_wait3A_203 = arith.constant 0 : i32
      %dma_wait3A_204 = tpu.memref_slice %arg3[%mul3A_53, %dma_wait3A_203] : memref<2560x128xi32, #tpu.memory_space<hbm>> -> memref<80x128xi32, #tpu.memory_space<hbm>>
      tpu.wait_dma2 semaphore(%run_scoped3A_196 : memref<!tpu.dma_semaphore, #tpu.memory_space<semaphore_mem>>) src(%dma_wait3A_204 : memref<80x128xi32, #tpu.memory_space<hbm>>) dst(%arg6 : memref<80x128xi32, #tpu.memory_space<vmem>>)
      tpu.yield
    }) : () -> ()
    %mul3A_54 = arith.constant 80 : i32
    %mul3A_55 = arith.muli %add3A, %mul3A_54 : i32
    "tpu.region"() ({
      %run_scoped3A_196 = tpu.sem_alloc : memref<!tpu.dma_semaphore, #tpu.memory_space<semaphore_mem>>
      %dma_start3A_197 = arith.constant 0 : i32
      %dma_start3A_198 = tpu.memref_slice %arg4[%mul3A_55, %dma_start3A_197] : memref<2560x128xi32, #tpu.memory_space<hbm>> -> memref<80x128xi32, #tpu.memory_space<hbm>>
      %dma_start3A_199 = arith.constant 0 : i32
      %dma_start3A_200 = tpu.memref_slice %arg4[%mul3A_55, %dma_start3A_199] : memref<2560x128xi32, #tpu.memory_space<hbm>> -> memref<80x128xi32, #tpu.memory_space<hbm>>
      tpu.enqueue_dma source(%dma_start3A_200 : memref<80x128xi32, #tpu.memory_space<hbm>>) target(%arg7 : memref<80x128xi32, #tpu.memory_space<vmem>>) target_semaphore(%run_scoped3A_196 : memref<!tpu.dma_semaphore, #tpu.memory_space<semaphore_mem>>)
      %dma_wait3A_201 = arith.constant 0 : i32
      %dma_wait3A_202 = tpu.memref_slice %arg4[%mul3A_55, %dma_wait3A_201] : memref<2560x128xi32, #tpu.memory_space<hbm>> -> memref<80x128xi32, #tpu.memory_space<hbm>>
      %dma_wait3A_203 = arith.constant 0 : i32
      %dma_wait3A_204 = tpu.memref_slice %arg4[%mul3A_55, %dma_wait3A_203] : memref<2560x128xi32, #tpu.memory_space<hbm>> -> memref<80x128xi32, #tpu.memory_space<hbm>>
      tpu.wait_dma2 semaphore(%run_scoped3A_196 : memref<!tpu.dma_semaphore, #tpu.memory_space<semaphore_mem>>) src(%dma_wait3A_204 : memref<80x128xi32, #tpu.memory_space<hbm>>) dst(%arg7 : memref<80x128xi32, #tpu.memory_space<vmem>>)
      tpu.yield
    }) : () -> ()
    %barrier3A = arith.constant 0 : index
    tpu.barrier barrier_id(%barrier3A)
    %dma_start3A = arith.constant 0 : i32
    %dma_start3A_56 = arith.constant 0 : i32
    %dma_start3A_57 = tpu.memref_slice %arg6[%dma_start3A, %dma_start3A_56] : memref<80x128xi32, #tpu.memory_space<vmem>> -> memref<1x128xi32, #tpu.memory_space<vmem>>
    %dma_start3A_58 = tpu.memref_squeeze %dma_start3A_57 : memref<1x128xi32, #tpu.memory_space<vmem>> -> memref<128xi32, #tpu.memory_space<vmem>>
    %dma_start3A_59 = arith.constant 0 : i32
    %dma_start3A_60 = arith.constant 0 : i32
    %dma_start3A_61 = tpu.memref_slice %arg2[%dma_start3A_59, %dma_start3A_60] : memref<10240x64xf32, #tpu.memory_space<hbm>> -> memref<10240x64xf32, #tpu.memory_space<hbm>>
    tpu.enqueue_indirect_dma source(%dma_start3A_61 : memref<10240x64xf32, #tpu.memory_space<hbm>>) target(%arg8 : memref<128x64xf32, #tpu.memory_space<vmem>>) offsets(%dma_start3A_58 : memref<128xi32, #tpu.memory_space<vmem>>) semaphore(%arg13 : memref<!tpu.dma_semaphore, #tpu.memory_space<semaphore_mem>>)
    %dma_start3A_62 = arith.constant 1 : i32
    %dma_start3A_63 = arith.constant 0 : i32
    %dma_start3A_64 = tpu.memref_slice %arg6[%dma_start3A_62, %dma_start3A_63] : memref<80x128xi32, #tpu.memory_space<vmem>> -> memref<1x128xi32, #tpu.memory_space<vmem>>
    %dma_start3A_65 = tpu.memref_squeeze %dma_start3A_64 : memref<1x128xi32, #tpu.memory_space<vmem>> -> memref<128xi32, #tpu.memory_space<vmem>>
    %dma_start3A_66 = arith.constant 0 : i32
    %dma_start3A_67 = arith.constant 0 : i32
    %dma_start3A_68 = tpu.memref_slice %arg2[%dma_start3A_66, %dma_start3A_67] : memref<10240x64xf32, #tpu.memory_space<hbm>> -> memref<10240x64xf32, #tpu.memory_space<hbm>>
    tpu.enqueue_indirect_dma source(%dma_start3A_68 : memref<10240x64xf32, #tpu.memory_space<hbm>>) target(%arg9 : memref<128x64xf32, #tpu.memory_space<vmem>>) offsets(%dma_start3A_65 : memref<128xi32, #tpu.memory_space<vmem>>) semaphore(%arg14 : memref<!tpu.dma_semaphore, #tpu.memory_space<semaphore_mem>>)
    %dma_start3A_69 = arith.constant 2 : i32
    %dma_start3A_70 = arith.constant 0 : i32
    %dma_start3A_71 = tpu.memref_slice %arg6[%dma_start3A_69, %dma_start3A_70] : memref<80x128xi32, #tpu.memory_space<vmem>> -> memref<1x128xi32, #tpu.memory_space<vmem>>
    %dma_start3A_72 = tpu.memref_squeeze %dma_start3A_71 : memref<1x128xi32, #tpu.memory_space<vmem>> -> memref<128xi32, #tpu.memory_space<vmem>>
    %dma_start3A_73 = arith.constant 0 : i32
    %dma_start3A_74 = arith.constant 0 : i32
    %dma_start3A_75 = tpu.memref_slice %arg2[%dma_start3A_73, %dma_start3A_74] : memref<10240x64xf32, #tpu.memory_space<hbm>> -> memref<10240x64xf32, #tpu.memory_space<hbm>>
    tpu.enqueue_indirect_dma source(%dma_start3A_75 : memref<10240x64xf32, #tpu.memory_space<hbm>>) target(%arg10 : memref<128x64xf32, #tpu.memory_space<vmem>>) offsets(%dma_start3A_72 : memref<128xi32, #tpu.memory_space<vmem>>) semaphore(%arg15 : memref<!tpu.dma_semaphore, #tpu.memory_space<semaphore_mem>>)
    %dma_start3A_76 = arith.constant 3 : i32
    %dma_start3A_77 = arith.constant 0 : i32
    %dma_start3A_78 = tpu.memref_slice %arg6[%dma_start3A_76, %dma_start3A_77] : memref<80x128xi32, #tpu.memory_space<vmem>> -> memref<1x128xi32, #tpu.memory_space<vmem>>
    %dma_start3A_79 = tpu.memref_squeeze %dma_start3A_78 : memref<1x128xi32, #tpu.memory_space<vmem>> -> memref<128xi32, #tpu.memory_space<vmem>>
    %dma_start3A_80 = arith.constant 0 : i32
    %dma_start3A_81 = arith.constant 0 : i32
    %dma_start3A_82 = tpu.memref_slice %arg2[%dma_start3A_80, %dma_start3A_81] : memref<10240x64xf32, #tpu.memory_space<hbm>> -> memref<10240x64xf32, #tpu.memory_space<hbm>>
    tpu.enqueue_indirect_dma source(%dma_start3A_82 : memref<10240x64xf32, #tpu.memory_space<hbm>>) target(%arg11 : memref<128x64xf32, #tpu.memory_space<vmem>>) offsets(%dma_start3A_79 : memref<128xi32, #tpu.memory_space<vmem>>) semaphore(%arg16 : memref<!tpu.dma_semaphore, #tpu.memory_space<semaphore_mem>>)
    %dma_wait3A = arith.constant 0 : i32
    %dma_wait3A_83 = arith.constant 0 : i32
    %dma_wait3A_84 = tpu.memref_slice %arg6[%dma_wait3A, %dma_wait3A_83] : memref<80x128xi32, #tpu.memory_space<vmem>> -> memref<1x128xi32, #tpu.memory_space<vmem>>
    %dma_wait3A_85 = tpu.memref_squeeze %dma_wait3A_84 : memref<1x128xi32, #tpu.memory_space<vmem>> -> memref<128xi32, #tpu.memory_space<vmem>>
    %dma_wait3A_86 = arith.constant 0 : i32
    %dma_wait3A_87 = arith.constant 0 : i32
    %dma_wait3A_88 = tpu.memref_slice %arg2[%dma_wait3A_86, %dma_wait3A_87] : memref<10240x64xf32, #tpu.memory_space<hbm>> -> memref<10240x64xf32, #tpu.memory_space<hbm>>
    tpu.wait_indirect_dma semaphore(%arg13 : memref<!tpu.dma_semaphore, #tpu.memory_space<semaphore_mem>>) src(%dma_wait3A_88 : memref<10240x64xf32, #tpu.memory_space<hbm>>) dst(%arg8 : memref<128x64xf32, #tpu.memory_space<vmem>>)
    %run_scoped3A = arith.constant 0 : i32
    "tpu.region"() ({
      %run_scoped3A_196 = tpu.sem_alloc : memref<!tpu.dma_semaphore, #tpu.memory_space<semaphore_mem>>
      %dma_start3A_197 = arith.constant 0 : i32
      %dma_start3A_198 = tpu.memref_slice %arg7[%run_scoped3A, %dma_start3A_197] : memref<80x128xi32, #tpu.memory_space<vmem>> -> memref<1x128xi32, #tpu.memory_space<vmem>>
      %dma_start3A_199 = tpu.memref_squeeze %dma_start3A_198 : memref<1x128xi32, #tpu.memory_space<vmem>> -> memref<128xi32, #tpu.memory_space<vmem>>
      %dma_start3A_200 = arith.constant 0 : i32
      %dma_start3A_201 = arith.constant 0 : i32
      %dma_start3A_202 = tpu.memref_slice %arg12[%dma_start3A_200, %dma_start3A_201] : memref<10240x64xf32, #tpu.memory_space<vmem_shared>> -> memref<10240x64xf32, #tpu.memory_space<vmem_shared>>
      tpu.enqueue_indirect_dma source(%arg8 : memref<128x64xf32, #tpu.memory_space<vmem>>) target(%dma_start3A_202 : memref<10240x64xf32, #tpu.memory_space<vmem_shared>>) offsets(%dma_start3A_199 : memref<128xi32, #tpu.memory_space<vmem>>) semaphore(%run_scoped3A_196 : memref<!tpu.dma_semaphore, #tpu.memory_space<semaphore_mem>>) {add = true}
      %dma_wait3A_203 = arith.constant 0 : i32
      %dma_wait3A_204 = tpu.memref_slice %arg7[%run_scoped3A, %dma_wait3A_203] : memref<80x128xi32, #tpu.memory_space<vmem>> -> memref<1x128xi32, #tpu.memory_space<vmem>>
      %dma_wait3A_205 = tpu.memref_squeeze %dma_wait3A_204 : memref<1x128xi32, #tpu.memory_space<vmem>> -> memref<128xi32, #tpu.memory_space<vmem>>
      %dma_wait3A_206 = arith.constant 0 : i32
      %dma_wait3A_207 = arith.constant 0 : i32
      %dma_wait3A_208 = tpu.memref_slice %arg12[%dma_wait3A_206, %dma_wait3A_207] : memref<10240x64xf32, #tpu.memory_space<vmem_shared>> -> memref<10240x64xf32, #tpu.memory_space<vmem_shared>>
      tpu.wait_indirect_dma semaphore(%run_scoped3A_196 : memref<!tpu.dma_semaphore, #tpu.memory_space<semaphore_mem>>) src(%arg8 : memref<128x64xf32, #tpu.memory_space<vmem>>) dst(%dma_wait3A_208 : memref<10240x64xf32, #tpu.memory_space<vmem_shared>>)
      tpu.yield
    }) : () -> ()
    %run_scoped3A_89 = arith.constant 0 : i32
    "tpu.region"() ({
      %run_scoped3A_196 = tpu.sem_alloc : memref<!tpu.dma_semaphore, #tpu.memory_space<semaphore_mem>>
      %dma_start3A_197 = arith.constant 0 : i32
      %dma_start3A_198 = tpu.memref_slice %arg7[%run_scoped3A_89, %dma_start3A_197] : memref<80x128xi32, #tpu.memory_space<vmem>> -> memref<1x128xi32, #tpu.memory_space<vmem>>
      %dma_start3A_199 = tpu.memref_squeeze %dma_start3A_198 : memref<1x128xi32, #tpu.memory_space<vmem>> -> memref<128xi32, #tpu.memory_space<vmem>>
      %dma_start3A_200 = arith.constant 0 : i32
      %dma_start3A_201 = arith.constant 0 : i32
      %dma_start3A_202 = tpu.memref_slice %arg18[%dma_start3A_200, %dma_start3A_201] : memref<10240x16xf32, #tpu.memory_space<vmem_shared>> -> memref<10240x16xf32, #tpu.memory_space<vmem_shared>>
      tpu.enqueue_indirect_dma source(%arg17 : memref<128x16xf32, #tpu.memory_space<vmem>>) target(%dma_start3A_202 : memref<10240x16xf32, #tpu.memory_space<vmem_shared>>) offsets(%dma_start3A_199 : memref<128xi32, #tpu.memory_space<vmem>>) semaphore(%run_scoped3A_196 : memref<!tpu.dma_semaphore, #tpu.memory_space<semaphore_mem>>) {add = true}
      %dma_wait3A_203 = arith.constant 0 : i32
      %dma_wait3A_204 = tpu.memref_slice %arg7[%run_scoped3A_89, %dma_wait3A_203] : memref<80x128xi32, #tpu.memory_space<vmem>> -> memref<1x128xi32, #tpu.memory_space<vmem>>
      %dma_wait3A_205 = tpu.memref_squeeze %dma_wait3A_204 : memref<1x128xi32, #tpu.memory_space<vmem>> -> memref<128xi32, #tpu.memory_space<vmem>>
      %dma_wait3A_206 = arith.constant 0 : i32
      %dma_wait3A_207 = arith.constant 0 : i32
      %dma_wait3A_208 = tpu.memref_slice %arg18[%dma_wait3A_206, %dma_wait3A_207] : memref<10240x16xf32, #tpu.memory_space<vmem_shared>> -> memref<10240x16xf32, #tpu.memory_space<vmem_shared>>
      tpu.wait_indirect_dma semaphore(%run_scoped3A_196 : memref<!tpu.dma_semaphore, #tpu.memory_space<semaphore_mem>>) src(%arg17 : memref<128x16xf32, #tpu.memory_space<vmem>>) dst(%dma_wait3A_208 : memref<10240x16xf32, #tpu.memory_space<vmem_shared>>)
      tpu.yield
    }) : () -> ()
    %dma_start3A_90 = arith.constant 4 : i32
    %dma_start3A_91 = arith.constant 0 : i32
    %dma_start3A_92 = tpu.memref_slice %arg6[%dma_start3A_90, %dma_start3A_91] : memref<80x128xi32, #tpu.memory_space<vmem>> -> memref<1x128xi32, #tpu.memory_space<vmem>>
    %dma_start3A_93 = tpu.memref_squeeze %dma_start3A_92 : memref<1x128xi32, #tpu.memory_space<vmem>> -> memref<128xi32, #tpu.memory_space<vmem>>
    %dma_start3A_94 = arith.constant 0 : i32
    %dma_start3A_95 = arith.constant 0 : i32
    %dma_start3A_96 = tpu.memref_slice %arg2[%dma_start3A_94, %dma_start3A_95] : memref<10240x64xf32, #tpu.memory_space<hbm>> -> memref<10240x64xf32, #tpu.memory_space<hbm>>
    tpu.enqueue_indirect_dma source(%dma_start3A_96 : memref<10240x64xf32, #tpu.memory_space<hbm>>) target(%arg8 : memref<128x64xf32, #tpu.memory_space<vmem>>) offsets(%dma_start3A_93 : memref<128xi32, #tpu.memory_space<vmem>>) semaphore(%arg13 : memref<!tpu.dma_semaphore, #tpu.memory_space<semaphore_mem>>)
    %dma_wait3A_97 = arith.constant 1 : i32
    %dma_wait3A_98 = arith.constant 0 : i32
    %dma_wait3A_99 = tpu.memref_slice %arg6[%dma_wait3A_97, %dma_wait3A_98] : memref<80x128xi32, #tpu.memory_space<vmem>> -> memref<1x128xi32, #tpu.memory_space<vmem>>
    %dma_wait3A_100 = tpu.memref_squeeze %dma_wait3A_99 : memref<1x128xi32, #tpu.memory_space<vmem>> -> memref<128xi32, #tpu.memory_space<vmem>>
    %dma_wait3A_101 = arith.constant 0 : i32
    %dma_wait3A_102 = arith.constant 0 : i32
    %dma_wait3A_103 = tpu.memref_slice %arg2[%dma_wait3A_101, %dma_wait3A_102] : memref<10240x64xf32, #tpu.memory_space<hbm>> -> memref<10240x64xf32, #tpu.memory_space<hbm>>
    tpu.wait_indirect_dma semaphore(%arg14 : memref<!tpu.dma_semaphore, #tpu.memory_space<semaphore_mem>>) src(%dma_wait3A_103 : memref<10240x64xf32, #tpu.memory_space<hbm>>) dst(%arg9 : memref<128x64xf32, #tpu.memory_space<vmem>>)
    %run_scoped3A_104 = arith.constant 1 : i32
    "tpu.region"() ({
      %run_scoped3A_196 = tpu.sem_alloc : memref<!tpu.dma_semaphore, #tpu.memory_space<semaphore_mem>>
      %dma_start3A_197 = arith.constant 0 : i32
      %dma_start3A_198 = tpu.memref_slice %arg7[%run_scoped3A_104, %dma_start3A_197] : memref<80x128xi32, #tpu.memory_space<vmem>> -> memref<1x128xi32, #tpu.memory_space<vmem>>
      %dma_start3A_199 = tpu.memref_squeeze %dma_start3A_198 : memref<1x128xi32, #tpu.memory_space<vmem>> -> memref<128xi32, #tpu.memory_space<vmem>>
      %dma_start3A_200 = arith.constant 0 : i32
      %dma_start3A_201 = arith.constant 0 : i32
      %dma_start3A_202 = tpu.memref_slice %arg12[%dma_start3A_200, %dma_start3A_201] : memref<10240x64xf32, #tpu.memory_space<vmem_shared>> -> memref<10240x64xf32, #tpu.memory_space<vmem_shared>>
      tpu.enqueue_indirect_dma source(%arg9 : memref<128x64xf32, #tpu.memory_space<vmem>>) target(%dma_start3A_202 : memref<10240x64xf32, #tpu.memory_space<vmem_shared>>) offsets(%dma_start3A_199 : memref<128xi32, #tpu.memory_space<vmem>>) semaphore(%run_scoped3A_196 : memref<!tpu.dma_semaphore, #tpu.memory_space<semaphore_mem>>) {add = true}
      %dma_wait3A_203 = arith.constant 0 : i32
      %dma_wait3A_204 = tpu.memref_slice %arg7[%run_scoped3A_104, %dma_wait3A_203] : memref<80x128xi32, #tpu.memory_space<vmem>> -> memref<1x128xi32, #tpu.memory_space<vmem>>
      %dma_wait3A_205 = tpu.memref_squeeze %dma_wait3A_204 : memref<1x128xi32, #tpu.memory_space<vmem>> -> memref<128xi32, #tpu.memory_space<vmem>>
      %dma_wait3A_206 = arith.constant 0 : i32
      %dma_wait3A_207 = arith.constant 0 : i32
      %dma_wait3A_208 = tpu.memref_slice %arg12[%dma_wait3A_206, %dma_wait3A_207] : memref<10240x64xf32, #tpu.memory_space<vmem_shared>> -> memref<10240x64xf32, #tpu.memory_space<vmem_shared>>
      tpu.wait_indirect_dma semaphore(%run_scoped3A_196 : memref<!tpu.dma_semaphore, #tpu.memory_space<semaphore_mem>>) src(%arg9 : memref<128x64xf32, #tpu.memory_space<vmem>>) dst(%dma_wait3A_208 : memref<10240x64xf32, #tpu.memory_space<vmem_shared>>)
      tpu.yield
    }) : () -> ()
    %run_scoped3A_105 = arith.constant 1 : i32
    "tpu.region"() ({
      %run_scoped3A_196 = tpu.sem_alloc : memref<!tpu.dma_semaphore, #tpu.memory_space<semaphore_mem>>
      %dma_start3A_197 = arith.constant 0 : i32
      %dma_start3A_198 = tpu.memref_slice %arg7[%run_scoped3A_105, %dma_start3A_197] : memref<80x128xi32, #tpu.memory_space<vmem>> -> memref<1x128xi32, #tpu.memory_space<vmem>>
      %dma_start3A_199 = tpu.memref_squeeze %dma_start3A_198 : memref<1x128xi32, #tpu.memory_space<vmem>> -> memref<128xi32, #tpu.memory_space<vmem>>
      %dma_start3A_200 = arith.constant 0 : i32
      %dma_start3A_201 = arith.constant 0 : i32
      %dma_start3A_202 = tpu.memref_slice %arg18[%dma_start3A_200, %dma_start3A_201] : memref<10240x16xf32, #tpu.memory_space<vmem_shared>> -> memref<10240x16xf32, #tpu.memory_space<vmem_shared>>
      tpu.enqueue_indirect_dma source(%arg17 : memref<128x16xf32, #tpu.memory_space<vmem>>) target(%dma_start3A_202 : memref<10240x16xf32, #tpu.memory_space<vmem_shared>>) offsets(%dma_start3A_199 : memref<128xi32, #tpu.memory_space<vmem>>) semaphore(%run_scoped3A_196 : memref<!tpu.dma_semaphore, #tpu.memory_space<semaphore_mem>>) {add = true}
      %dma_wait3A_203 = arith.constant 0 : i32
      %dma_wait3A_204 = tpu.memref_slice %arg7[%run_scoped3A_105, %dma_wait3A_203] : memref<80x128xi32, #tpu.memory_space<vmem>> -> memref<1x128xi32, #tpu.memory_space<vmem>>
      %dma_wait3A_205 = tpu.memref_squeeze %dma_wait3A_204 : memref<1x128xi32, #tpu.memory_space<vmem>> -> memref<128xi32, #tpu.memory_space<vmem>>
      %dma_wait3A_206 = arith.constant 0 : i32
      %dma_wait3A_207 = arith.constant 0 : i32
      %dma_wait3A_208 = tpu.memref_slice %arg18[%dma_wait3A_206, %dma_wait3A_207] : memref<10240x16xf32, #tpu.memory_space<vmem_shared>> -> memref<10240x16xf32, #tpu.memory_space<vmem_shared>>
      tpu.wait_indirect_dma semaphore(%run_scoped3A_196 : memref<!tpu.dma_semaphore, #tpu.memory_space<semaphore_mem>>) src(%arg17 : memref<128x16xf32, #tpu.memory_space<vmem>>) dst(%dma_wait3A_208 : memref<10240x16xf32, #tpu.memory_space<vmem_shared>>)
      tpu.yield
    }) : () -> ()
    %dma_start3A_106 = arith.constant 5 : i32
    %dma_start3A_107 = arith.constant 0 : i32
    %dma_start3A_108 = tpu.memref_slice %arg6[%dma_start3A_106, %dma_start3A_107] : memref<80x128xi32, #tpu.memory_space<vmem>> -> memref<1x128xi32, #tpu.memory_space<vmem>>
    %dma_start3A_109 = tpu.memref_squeeze %dma_start3A_108 : memref<1x128xi32, #tpu.memory_space<vmem>> -> memref<128xi32, #tpu.memory_space<vmem>>
    %dma_start3A_110 = arith.constant 0 : i32
    %dma_start3A_111 = arith.constant 0 : i32
    %dma_start3A_112 = tpu.memref_slice %arg2[%dma_start3A_110, %dma_start3A_111] : memref<10240x64xf32, #tpu.memory_space<hbm>> -> memref<10240x64xf32, #tpu.memory_space<hbm>>
    tpu.enqueue_indirect_dma source(%dma_start3A_112 : memref<10240x64xf32, #tpu.memory_space<hbm>>) target(%arg9 : memref<128x64xf32, #tpu.memory_space<vmem>>) offsets(%dma_start3A_109 : memref<128xi32, #tpu.memory_space<vmem>>) semaphore(%arg14 : memref<!tpu.dma_semaphore, #tpu.memory_space<semaphore_mem>>)
    %dma_wait3A_113 = arith.constant 2 : i32
    %dma_wait3A_114 = arith.constant 0 : i32
    %dma_wait3A_115 = tpu.memref_slice %arg6[%dma_wait3A_113, %dma_wait3A_114] : memref<80x128xi32, #tpu.memory_space<vmem>> -> memref<1x128xi32, #tpu.memory_space<vmem>>
    %dma_wait3A_116 = tpu.memref_squeeze %dma_wait3A_115 : memref<1x128xi32, #tpu.memory_space<vmem>> -> memref<128xi32, #tpu.memory_space<vmem>>
    %dma_wait3A_117 = arith.constant 0 : i32
    %dma_wait3A_118 = arith.constant 0 : i32
    %dma_wait3A_119 = tpu.memref_slice %arg2[%dma_wait3A_117, %dma_wait3A_118] : memref<10240x64xf32, #tpu.memory_space<hbm>> -> memref<10240x64xf32, #tpu.memory_space<hbm>>
    tpu.wait_indirect_dma semaphore(%arg15 : memref<!tpu.dma_semaphore, #tpu.memory_space<semaphore_mem>>) src(%dma_wait3A_119 : memref<10240x64xf32, #tpu.memory_space<hbm>>) dst(%arg10 : memref<128x64xf32, #tpu.memory_space<vmem>>)
    %run_scoped3A_120 = arith.constant 2 : i32
    "tpu.region"() ({
      %run_scoped3A_196 = tpu.sem_alloc : memref<!tpu.dma_semaphore, #tpu.memory_space<semaphore_mem>>
      %dma_start3A_197 = arith.constant 0 : i32
      %dma_start3A_198 = tpu.memref_slice %arg7[%run_scoped3A_120, %dma_start3A_197] : memref<80x128xi32, #tpu.memory_space<vmem>> -> memref<1x128xi32, #tpu.memory_space<vmem>>
      %dma_start3A_199 = tpu.memref_squeeze %dma_start3A_198 : memref<1x128xi32, #tpu.memory_space<vmem>> -> memref<128xi32, #tpu.memory_space<vmem>>
      %dma_start3A_200 = arith.constant 0 : i32
      %dma_start3A_201 = arith.constant 0 : i32
      %dma_start3A_202 = tpu.memref_slice %arg12[%dma_start3A_200, %dma_start3A_201] : memref<10240x64xf32, #tpu.memory_space<vmem_shared>> -> memref<10240x64xf32, #tpu.memory_space<vmem_shared>>
      tpu.enqueue_indirect_dma source(%arg10 : memref<128x64xf32, #tpu.memory_space<vmem>>) target(%dma_start3A_202 : memref<10240x64xf32, #tpu.memory_space<vmem_shared>>) offsets(%dma_start3A_199 : memref<128xi32, #tpu.memory_space<vmem>>) semaphore(%run_scoped3A_196 : memref<!tpu.dma_semaphore, #tpu.memory_space<semaphore_mem>>) {add = true}
      %dma_wait3A_203 = arith.constant 0 : i32
      %dma_wait3A_204 = tpu.memref_slice %arg7[%run_scoped3A_120, %dma_wait3A_203] : memref<80x128xi32, #tpu.memory_space<vmem>> -> memref<1x128xi32, #tpu.memory_space<vmem>>
      %dma_wait3A_205 = tpu.memref_squeeze %dma_wait3A_204 : memref<1x128xi32, #tpu.memory_space<vmem>> -> memref<128xi32, #tpu.memory_space<vmem>>
      %dma_wait3A_206 = arith.constant 0 : i32
      %dma_wait3A_207 = arith.constant 0 : i32
      %dma_wait3A_208 = tpu.memref_slice %arg12[%dma_wait3A_206, %dma_wait3A_207] : memref<10240x64xf32, #tpu.memory_space<vmem_shared>> -> memref<10240x64xf32, #tpu.memory_space<vmem_shared>>
      tpu.wait_indirect_dma semaphore(%run_scoped3A_196 : memref<!tpu.dma_semaphore, #tpu.memory_space<semaphore_mem>>) src(%arg10 : memref<128x64xf32, #tpu.memory_space<vmem>>) dst(%dma_wait3A_208 : memref<10240x64xf32, #tpu.memory_space<vmem_shared>>)
      tpu.yield
    }) : () -> ()
    %run_scoped3A_121 = arith.constant 2 : i32
    "tpu.region"() ({
      %run_scoped3A_196 = tpu.sem_alloc : memref<!tpu.dma_semaphore, #tpu.memory_space<semaphore_mem>>
      %dma_start3A_197 = arith.constant 0 : i32
      %dma_start3A_198 = tpu.memref_slice %arg7[%run_scoped3A_121, %dma_start3A_197] : memref<80x128xi32, #tpu.memory_space<vmem>> -> memref<1x128xi32, #tpu.memory_space<vmem>>
      %dma_start3A_199 = tpu.memref_squeeze %dma_start3A_198 : memref<1x128xi32, #tpu.memory_space<vmem>> -> memref<128xi32, #tpu.memory_space<vmem>>
      %dma_start3A_200 = arith.constant 0 : i32
      %dma_start3A_201 = arith.constant 0 : i32
      %dma_start3A_202 = tpu.memref_slice %arg18[%dma_start3A_200, %dma_start3A_201] : memref<10240x16xf32, #tpu.memory_space<vmem_shared>> -> memref<10240x16xf32, #tpu.memory_space<vmem_shared>>
      tpu.enqueue_indirect_dma source(%arg17 : memref<128x16xf32, #tpu.memory_space<vmem>>) target(%dma_start3A_202 : memref<10240x16xf32, #tpu.memory_space<vmem_shared>>) offsets(%dma_start3A_199 : memref<128xi32, #tpu.memory_space<vmem>>) semaphore(%run_scoped3A_196 : memref<!tpu.dma_semaphore, #tpu.memory_space<semaphore_mem>>) {add = true}
      %dma_wait3A_203 = arith.constant 0 : i32
      %dma_wait3A_204 = tpu.memref_slice %arg7[%run_scoped3A_121, %dma_wait3A_203] : memref<80x128xi32, #tpu.memory_space<vmem>> -> memref<1x128xi32, #tpu.memory_space<vmem>>
      %dma_wait3A_205 = tpu.memref_squeeze %dma_wait3A_204 : memref<1x128xi32, #tpu.memory_space<vmem>> -> memref<128xi32, #tpu.memory_space<vmem>>
      %dma_wait3A_206 = arith.constant 0 : i32
      %dma_wait3A_207 = arith.constant 0 : i32
      %dma_wait3A_208 = tpu.memref_slice %arg18[%dma_wait3A_206, %dma_wait3A_207] : memref<10240x16xf32, #tpu.memory_space<vmem_shared>> -> memref<10240x16xf32, #tpu.memory_space<vmem_shared>>
      tpu.wait_indirect_dma semaphore(%run_scoped3A_196 : memref<!tpu.dma_semaphore, #tpu.memory_space<semaphore_mem>>) src(%arg17 : memref<128x16xf32, #tpu.memory_space<vmem>>) dst(%dma_wait3A_208 : memref<10240x16xf32, #tpu.memory_space<vmem_shared>>)
      tpu.yield
    }) : () -> ()
    %dma_start3A_122 = arith.constant 6 : i32
    %dma_start3A_123 = arith.constant 0 : i32
    %dma_start3A_124 = tpu.memref_slice %arg6[%dma_start3A_122, %dma_start3A_123] : memref<80x128xi32, #tpu.memory_space<vmem>> -> memref<1x128xi32, #tpu.memory_space<vmem>>
    %dma_start3A_125 = tpu.memref_squeeze %dma_start3A_124 : memref<1x128xi32, #tpu.memory_space<vmem>> -> memref<128xi32, #tpu.memory_space<vmem>>
    %dma_start3A_126 = arith.constant 0 : i32
    %dma_start3A_127 = arith.constant 0 : i32
    %dma_start3A_128 = tpu.memref_slice %arg2[%dma_start3A_126, %dma_start3A_127] : memref<10240x64xf32, #tpu.memory_space<hbm>> -> memref<10240x64xf32, #tpu.memory_space<hbm>>
    tpu.enqueue_indirect_dma source(%dma_start3A_128 : memref<10240x64xf32, #tpu.memory_space<hbm>>) target(%arg10 : memref<128x64xf32, #tpu.memory_space<vmem>>) offsets(%dma_start3A_125 : memref<128xi32, #tpu.memory_space<vmem>>) semaphore(%arg15 : memref<!tpu.dma_semaphore, #tpu.memory_space<semaphore_mem>>)
    %dma_wait3A_129 = arith.constant 3 : i32
    %dma_wait3A_130 = arith.constant 0 : i32
    %dma_wait3A_131 = tpu.memref_slice %arg6[%dma_wait3A_129, %dma_wait3A_130] : memref<80x128xi32, #tpu.memory_space<vmem>> -> memref<1x128xi32, #tpu.memory_space<vmem>>
    %dma_wait3A_132 = tpu.memref_squeeze %dma_wait3A_131 : memref<1x128xi32, #tpu.memory_space<vmem>> -> memref<128xi32, #tpu.memory_space<vmem>>
    %dma_wait3A_133 = arith.constant 0 : i32
    %dma_wait3A_134 = arith.constant 0 : i32
    %dma_wait3A_135 = tpu.memref_slice %arg2[%dma_wait3A_133, %dma_wait3A_134] : memref<10240x64xf32, #tpu.memory_space<hbm>> -> memref<10240x64xf32, #tpu.memory_space<hbm>>
    tpu.wait_indirect_dma semaphore(%arg16 : memref<!tpu.dma_semaphore, #tpu.memory_space<semaphore_mem>>) src(%dma_wait3A_135 : memref<10240x64xf32, #tpu.memory_space<hbm>>) dst(%arg11 : memref<128x64xf32, #tpu.memory_space<vmem>>)
    %run_scoped3A_136 = arith.constant 3 : i32
    "tpu.region"() ({
      %run_scoped3A_196 = tpu.sem_alloc : memref<!tpu.dma_semaphore, #tpu.memory_space<semaphore_mem>>
      %dma_start3A_197 = arith.constant 0 : i32
      %dma_start3A_198 = tpu.memref_slice %arg7[%run_scoped3A_136, %dma_start3A_197] : memref<80x128xi32, #tpu.memory_space<vmem>> -> memref<1x128xi32, #tpu.memory_space<vmem>>
      %dma_start3A_199 = tpu.memref_squeeze %dma_start3A_198 : memref<1x128xi32, #tpu.memory_space<vmem>> -> memref<128xi32, #tpu.memory_space<vmem>>
      %dma_start3A_200 = arith.constant 0 : i32
      %dma_start3A_201 = arith.constant 0 : i32
      %dma_start3A_202 = tpu.memref_slice %arg12[%dma_start3A_200, %dma_start3A_201] : memref<10240x64xf32, #tpu.memory_space<vmem_shared>> -> memref<10240x64xf32, #tpu.memory_space<vmem_shared>>
      tpu.enqueue_indirect_dma source(%arg11 : memref<128x64xf32, #tpu.memory_space<vmem>>) target(%dma_start3A_202 : memref<10240x64xf32, #tpu.memory_space<vmem_shared>>) offsets(%dma_start3A_199 : memref<128xi32, #tpu.memory_space<vmem>>) semaphore(%run_scoped3A_196 : memref<!tpu.dma_semaphore, #tpu.memory_space<semaphore_mem>>) {add = true}
      %dma_wait3A_203 = arith.constant 0 : i32
      %dma_wait3A_204 = tpu.memref_slice %arg7[%run_scoped3A_136, %dma_wait3A_203] : memref<80x128xi32, #tpu.memory_space<vmem>> -> memref<1x128xi32, #tpu.memory_space<vmem>>
      %dma_wait3A_205 = tpu.memref_squeeze %dma_wait3A_204 : memref<1x128xi32, #tpu.memory_space<vmem>> -> memref<128xi32, #tpu.memory_space<vmem>>
      %dma_wait3A_206 = arith.constant 0 : i32
      %dma_wait3A_207 = arith.constant 0 : i32
      %dma_wait3A_208 = tpu.memref_slice %arg12[%dma_wait3A_206, %dma_wait3A_207] : memref<10240x64xf32, #tpu.memory_space<vmem_shared>> -> memref<10240x64xf32, #tpu.memory_space<vmem_shared>>
      tpu.wait_indirect_dma semaphore(%run_scoped3A_196 : memref<!tpu.dma_semaphore, #tpu.memory_space<semaphore_mem>>) src(%arg11 : memref<128x64xf32, #tpu.memory_space<vmem>>) dst(%dma_wait3A_208 : memref<10240x64xf32, #tpu.memory_space<vmem_shared>>)
      tpu.yield
    }) : () -> ()
    %run_scoped3A_137 = arith.constant 3 : i32
    "tpu.region"() ({
      %run_scoped3A_196 = tpu.sem_alloc : memref<!tpu.dma_semaphore, #tpu.memory_space<semaphore_mem>>
      %dma_start3A_197 = arith.constant 0 : i32
      %dma_start3A_198 = tpu.memref_slice %arg7[%run_scoped3A_137, %dma_start3A_197] : memref<80x128xi32, #tpu.memory_space<vmem>> -> memref<1x128xi32, #tpu.memory_space<vmem>>
      %dma_start3A_199 = tpu.memref_squeeze %dma_start3A_198 : memref<1x128xi32, #tpu.memory_space<vmem>> -> memref<128xi32, #tpu.memory_space<vmem>>
      %dma_start3A_200 = arith.constant 0 : i32
      %dma_start3A_201 = arith.constant 0 : i32
      %dma_start3A_202 = tpu.memref_slice %arg18[%dma_start3A_200, %dma_start3A_201] : memref<10240x16xf32, #tpu.memory_space<vmem_shared>> -> memref<10240x16xf32, #tpu.memory_space<vmem_shared>>
      tpu.enqueue_indirect_dma source(%arg17 : memref<128x16xf32, #tpu.memory_space<vmem>>) target(%dma_start3A_202 : memref<10240x16xf32, #tpu.memory_space<vmem_shared>>) offsets(%dma_start3A_199 : memref<128xi32, #tpu.memory_space<vmem>>) semaphore(%run_scoped3A_196 : memref<!tpu.dma_semaphore, #tpu.memory_space<semaphore_mem>>) {add = true}
      %dma_wait3A_203 = arith.constant 0 : i32
      %dma_wait3A_204 = tpu.memref_slice %arg7[%run_scoped3A_137, %dma_wait3A_203] : memref<80x128xi32, #tpu.memory_space<vmem>> -> memref<1x128xi32, #tpu.memory_space<vmem>>
      %dma_wait3A_205 = tpu.memref_squeeze %dma_wait3A_204 : memref<1x128xi32, #tpu.memory_space<vmem>> -> memref<128xi32, #tpu.memory_space<vmem>>
      %dma_wait3A_206 = arith.constant 0 : i32
      %dma_wait3A_207 = arith.constant 0 : i32
      %dma_wait3A_208 = tpu.memref_slice %arg18[%dma_wait3A_206, %dma_wait3A_207] : memref<10240x16xf32, #tpu.memory_space<vmem_shared>> -> memref<10240x16xf32, #tpu.memory_space<vmem_shared>>
      tpu.wait_indirect_dma semaphore(%run_scoped3A_196 : memref<!tpu.dma_semaphore, #tpu.memory_space<semaphore_mem>>) src(%arg17 : memref<128x16xf32, #tpu.memory_space<vmem>>) dst(%dma_wait3A_208 : memref<10240x16xf32, #tpu.memory_space<vmem_shared>>)
      tpu.yield
    }) : () -> ()
    %scan3A_138 = arith.constant 0 : i32
    %scan3A_139 = arith.constant 1 : i32
    %scan3A_140 = arith.constant 18 : i32
    %scan3A_141 = arith.addi %scan3A_139, %scan3A_140 : i32
    %scan3A_142 = arith.constant 1 : i32
    scf.for %scan3A_196 = %scan3A_139 to %scan3A_141 step %scan3A_142  : i32 {
      %mul3A_197 = arith.constant 4 : i32
      %mul3A_198 = arith.muli %mul3A_197, %scan3A_196 : i32
      %add3A_199 = arith.constant 0 : i32
      %add3A_200 = arith.addi %mul3A_198, %add3A_199 : i32
      %add3A_201 = arith.constant 3 : i32
      %add3A_202 = arith.addi %add3A_200, %add3A_201 : i32
      %dma_start3A_203 = arith.constant 0 : i32
      %dma_start3A_204 = tpu.memref_slice %arg6[%add3A_202, %dma_start3A_203] : memref<80x128xi32, #tpu.memory_space<vmem>> -> memref<1x128xi32, #tpu.memory_space<vmem>>
      %dma_start3A_205 = tpu.memref_squeeze %dma_start3A_204 : memref<1x128xi32, #tpu.memory_space<vmem>> -> memref<128xi32, #tpu.memory_space<vmem>>
      %dma_start3A_206 = arith.constant 0 : i32
      %dma_start3A_207 = arith.constant 0 : i32
      %dma_start3A_208 = tpu.memref_slice %arg2[%dma_start3A_206, %dma_start3A_207] : memref<10240x64xf32, #tpu.memory_space<hbm>> -> memref<10240x64xf32, #tpu.memory_space<hbm>>
      tpu.enqueue_indirect_dma source(%dma_start3A_208 : memref<10240x64xf32, #tpu.memory_space<hbm>>) target(%arg11 : memref<128x64xf32, #tpu.memory_space<vmem>>) offsets(%dma_start3A_205 : memref<128xi32, #tpu.memory_space<vmem>>) semaphore(%arg16 : memref<!tpu.dma_semaphore, #tpu.memory_space<semaphore_mem>>)
      %dma_wait3A_209 = arith.constant 0 : i32
      %dma_wait3A_210 = tpu.memref_slice %arg6[%add3A_200, %dma_wait3A_209] : memref<80x128xi32, #tpu.memory_space<vmem>> -> memref<1x128xi32, #tpu.memory_space<vmem>>
      %dma_wait3A_211 = tpu.memref_squeeze %dma_wait3A_210 : memref<1x128xi32, #tpu.memory_space<vmem>> -> memref<128xi32, #tpu.memory_space<vmem>>
      %dma_wait3A_212 = arith.constant 0 : i32
      %dma_wait3A_213 = arith.constant 0 : i32
      %dma_wait3A_214 = tpu.memref_slice %arg2[%dma_wait3A_212, %dma_wait3A_213] : memref<10240x64xf32, #tpu.memory_space<hbm>> -> memref<10240x64xf32, #tpu.memory_space<hbm>>
      tpu.wait_indirect_dma semaphore(%arg13 : memref<!tpu.dma_semaphore, #tpu.memory_space<semaphore_mem>>) src(%dma_wait3A_214 : memref<10240x64xf32, #tpu.memory_space<hbm>>) dst(%arg8 : memref<128x64xf32, #tpu.memory_space<vmem>>)
      "tpu.region"() ({
        %run_scoped3A_269 = tpu.sem_alloc : memref<!tpu.dma_semaphore, #tpu.memory_space<semaphore_mem>>
        %dma_start3A_270 = arith.constant 0 : i32
        %dma_start3A_271 = tpu.memref_slice %arg7[%add3A_200, %dma_start3A_270] : memref<80x128xi32, #tpu.memory_space<vmem>> -> memref<1x128xi32, #tpu.memory_space<vmem>>
        %dma_start3A_272 = tpu.memref_squeeze %dma_start3A_271 : memref<1x128xi32, #tpu.memory_space<vmem>> -> memref<128xi32, #tpu.memory_space<vmem>>
        %dma_start3A_273 = arith.constant 0 : i32
        %dma_start3A_274 = arith.constant 0 : i32
        %dma_start3A_275 = tpu.memref_slice %arg12[%dma_start3A_273, %dma_start3A_274] : memref<10240x64xf32, #tpu.memory_space<vmem_shared>> -> memref<10240x64xf32, #tpu.memory_space<vmem_shared>>
        tpu.enqueue_indirect_dma source(%arg8 : memref<128x64xf32, #tpu.memory_space<vmem>>) target(%dma_start3A_275 : memref<10240x64xf32, #tpu.memory_space<vmem_shared>>) offsets(%dma_start3A_272 : memref<128xi32, #tpu.memory_space<vmem>>) semaphore(%run_scoped3A_269 : memref<!tpu.dma_semaphore, #tpu.memory_space<semaphore_mem>>) {add = true}
        %dma_wait3A_276 = arith.constant 0 : i32
        %dma_wait3A_277 = tpu.memref_slice %arg7[%add3A_200, %dma_wait3A_276] : memref<80x128xi32, #tpu.memory_space<vmem>> -> memref<1x128xi32, #tpu.memory_space<vmem>>
        %dma_wait3A_278 = tpu.memref_squeeze %dma_wait3A_277 : memref<1x128xi32, #tpu.memory_space<vmem>> -> memref<128xi32, #tpu.memory_space<vmem>>
        %dma_wait3A_279 = arith.constant 0 : i32
        %dma_wait3A_280 = arith.constant 0 : i32
        %dma_wait3A_281 = tpu.memref_slice %arg12[%dma_wait3A_279, %dma_wait3A_280] : memref<10240x64xf32, #tpu.memory_space<vmem_shared>> -> memref<10240x64xf32, #tpu.memory_space<vmem_shared>>
        tpu.wait_indirect_dma semaphore(%run_scoped3A_269 : memref<!tpu.dma_semaphore, #tpu.memory_space<semaphore_mem>>) src(%arg8 : memref<128x64xf32, #tpu.memory_space<vmem>>) dst(%dma_wait3A_281 : memref<10240x64xf32, #tpu.memory_space<vmem_shared>>)
        tpu.yield
      }) : () -> ()
      "tpu.region"() ({
        %run_scoped3A_269 = tpu.sem_alloc : memref<!tpu.dma_semaphore, #tpu.memory_space<semaphore_mem>>
        %dma_start3A_270 = arith.constant 0 : i32
        %dma_start3A_271 = tpu.memref_slice %arg7[%add3A_200, %dma_start3A_270] : memref<80x128xi32, #tpu.memory_space<vmem>> -> memref<1x128xi32, #tpu.memory_space<vmem>>
        %dma_start3A_272 = tpu.memref_squeeze %dma_start3A_271 : memref<1x128xi32, #tpu.memory_space<vmem>> -> memref<128xi32, #tpu.memory_space<vmem>>
        %dma_start3A_273 = arith.constant 0 : i32
        %dma_start3A_274 = arith.constant 0 : i32
        %dma_start3A_275 = tpu.memref_slice %arg18[%dma_start3A_273, %dma_start3A_274] : memref<10240x16xf32, #tpu.memory_space<vmem_shared>> -> memref<10240x16xf32, #tpu.memory_space<vmem_shared>>
        tpu.enqueue_indirect_dma source(%arg17 : memref<128x16xf32, #tpu.memory_space<vmem>>) target(%dma_start3A_275 : memref<10240x16xf32, #tpu.memory_space<vmem_shared>>) offsets(%dma_start3A_272 : memref<128xi32, #tpu.memory_space<vmem>>) semaphore(%run_scoped3A_269 : memref<!tpu.dma_semaphore, #tpu.memory_space<semaphore_mem>>) {add = true}
        %dma_wait3A_276 = arith.constant 0 : i32
        %dma_wait3A_277 = tpu.memref_slice %arg7[%add3A_200, %dma_wait3A_276] : memref<80x128xi32, #tpu.memory_space<vmem>> -> memref<1x128xi32, #tpu.memory_space<vmem>>
        %dma_wait3A_278 = tpu.memref_squeeze %dma_wait3A_277 : memref<1x128xi32, #tpu.memory_space<vmem>> -> memref<128xi32, #tpu.memory_space<vmem>>
        %dma_wait3A_279 = arith.constant 0 : i32
        %dma_wait3A_280 = arith.constant 0 : i32
        %dma_wait3A_281 = tpu.memref_slice %arg18[%dma_wait3A_279, %dma_wait3A_280] : memref<10240x16xf32, #tpu.memory_space<vmem_shared>> -> memref<10240x16xf32, #tpu.memory_space<vmem_shared>>
        tpu.wait_indirect_dma semaphore(%run_scoped3A_269 : memref<!tpu.dma_semaphore, #tpu.memory_space<semaphore_mem>>) src(%arg17 : memref<128x16xf32, #tpu.memory_space<vmem>>) dst(%dma_wait3A_281 : memref<10240x16xf32, #tpu.memory_space<vmem_shared>>)
        tpu.yield
      }) : () -> ()
      %mul3A_215 = arith.constant 4 : i32
      %mul3A_216 = arith.muli %mul3A_215, %scan3A_196 : i32
      %add3A_217 = arith.constant 1 : i32
      %add3A_218 = arith.addi %mul3A_216, %add3A_217 : i32
      %add3A_219 = arith.constant 3 : i32
      %add3A_220 = arith.addi %add3A_218, %add3A_219 : i32
      %dma_start3A_221 = arith.constant 0 : i32
      %dma_start3A_222 = tpu.memref_slice %arg6[%add3A_220, %dma_start3A_221] : memref<80x128xi32, #tpu.memory_space<vmem>> -> memref<1x128xi32, #tpu.memory_space<vmem>>
      %dma_start3A_223 = tpu.memref_squeeze %dma_start3A_222 : memref<1x128xi32, #tpu.memory_space<vmem>> -> memref<128xi32, #tpu.memory_space<vmem>>
      %dma_start3A_224 = arith.constant 0 : i32
      %dma_start3A_225 = arith.constant 0 : i32
      %dma_start3A_226 = tpu.memref_slice %arg2[%dma_start3A_224, %dma_start3A_225] : memref<10240x64xf32, #tpu.memory_space<hbm>> -> memref<10240x64xf32, #tpu.memory_space<hbm>>
      tpu.enqueue_indirect_dma source(%dma_start3A_226 : memref<10240x64xf32, #tpu.memory_space<hbm>>) target(%arg8 : memref<128x64xf32, #tpu.memory_space<vmem>>) offsets(%dma_start3A_223 : memref<128xi32, #tpu.memory_space<vmem>>) semaphore(%arg13 : memref<!tpu.dma_semaphore, #tpu.memory_space<semaphore_mem>>)
      %dma_wait3A_227 = arith.constant 0 : i32
      %dma_wait3A_228 = tpu.memref_slice %arg6[%add3A_218, %dma_wait3A_227] : memref<80x128xi32, #tpu.memory_space<vmem>> -> memref<1x128xi32, #tpu.memory_space<vmem>>
      %dma_wait3A_229 = tpu.memref_squeeze %dma_wait3A_228 : memref<1x128xi32, #tpu.memory_space<vmem>> -> memref<128xi32, #tpu.memory_space<vmem>>
      %dma_wait3A_230 = arith.constant 0 : i32
      %dma_wait3A_231 = arith.constant 0 : i32
      %dma_wait3A_232 = tpu.memref_slice %arg2[%dma_wait3A_230, %dma_wait3A_231] : memref<10240x64xf32, #tpu.memory_space<hbm>> -> memref<10240x64xf32, #tpu.memory_space<hbm>>
      tpu.wait_indirect_dma semaphore(%arg14 : memref<!tpu.dma_semaphore, #tpu.memory_space<semaphore_mem>>) src(%dma_wait3A_232 : memref<10240x64xf32, #tpu.memory_space<hbm>>) dst(%arg9 : memref<128x64xf32, #tpu.memory_space<vmem>>)
      "tpu.region"() ({
        %run_scoped3A_269 = tpu.sem_alloc : memref<!tpu.dma_semaphore, #tpu.memory_space<semaphore_mem>>
        %dma_start3A_270 = arith.constant 0 : i32
        %dma_start3A_271 = tpu.memref_slice %arg7[%add3A_218, %dma_start3A_270] : memref<80x128xi32, #tpu.memory_space<vmem>> -> memref<1x128xi32, #tpu.memory_space<vmem>>
        %dma_start3A_272 = tpu.memref_squeeze %dma_start3A_271 : memref<1x128xi32, #tpu.memory_space<vmem>> -> memref<128xi32, #tpu.memory_space<vmem>>
        %dma_start3A_273 = arith.constant 0 : i32
        %dma_start3A_274 = arith.constant 0 : i32
        %dma_start3A_275 = tpu.memref_slice %arg12[%dma_start3A_273, %dma_start3A_274] : memref<10240x64xf32, #tpu.memory_space<vmem_shared>> -> memref<10240x64xf32, #tpu.memory_space<vmem_shared>>
        tpu.enqueue_indirect_dma source(%arg9 : memref<128x64xf32, #tpu.memory_space<vmem>>) target(%dma_start3A_275 : memref<10240x64xf32, #tpu.memory_space<vmem_shared>>) offsets(%dma_start3A_272 : memref<128xi32, #tpu.memory_space<vmem>>) semaphore(%run_scoped3A_269 : memref<!tpu.dma_semaphore, #tpu.memory_space<semaphore_mem>>) {add = true}
        %dma_wait3A_276 = arith.constant 0 : i32
        %dma_wait3A_277 = tpu.memref_slice %arg7[%add3A_218, %dma_wait3A_276] : memref<80x128xi32, #tpu.memory_space<vmem>> -> memref<1x128xi32, #tpu.memory_space<vmem>>
        %dma_wait3A_278 = tpu.memref_squeeze %dma_wait3A_277 : memref<1x128xi32, #tpu.memory_space<vmem>> -> memref<128xi32, #tpu.memory_space<vmem>>
        %dma_wait3A_279 = arith.constant 0 : i32
        %dma_wait3A_280 = arith.constant 0 : i32
        %dma_wait3A_281 = tpu.memref_slice %arg12[%dma_wait3A_279, %dma_wait3A_280] : memref<10240x64xf32, #tpu.memory_space<vmem_shared>> -> memref<10240x64xf32, #tpu.memory_space<vmem_shared>>
        tpu.wait_indirect_dma semaphore(%run_scoped3A_269 : memref<!tpu.dma_semaphore, #tpu.memory_space<semaphore_mem>>) src(%arg9 : memref<128x64xf32, #tpu.memory_space<vmem>>) dst(%dma_wait3A_281 : memref<10240x64xf32, #tpu.memory_space<vmem_shared>>)
        tpu.yield
      }) : () -> ()
      "tpu.region"() ({
        %run_scoped3A_269 = tpu.sem_alloc : memref<!tpu.dma_semaphore, #tpu.memory_space<semaphore_mem>>
        %dma_start3A_270 = arith.constant 0 : i32
        %dma_start3A_271 = tpu.memref_slice %arg7[%add3A_218, %dma_start3A_270] : memref<80x128xi32, #tpu.memory_space<vmem>> -> memref<1x128xi32, #tpu.memory_space<vmem>>
        %dma_start3A_272 = tpu.memref_squeeze %dma_start3A_271 : memref<1x128xi32, #tpu.memory_space<vmem>> -> memref<128xi32, #tpu.memory_space<vmem>>
        %dma_start3A_273 = arith.constant 0 : i32
        %dma_start3A_274 = arith.constant 0 : i32
        %dma_start3A_275 = tpu.memref_slice %arg18[%dma_start3A_273, %dma_start3A_274] : memref<10240x16xf32, #tpu.memory_space<vmem_shared>> -> memref<10240x16xf32, #tpu.memory_space<vmem_shared>>
        tpu.enqueue_indirect_dma source(%arg17 : memref<128x16xf32, #tpu.memory_space<vmem>>) target(%dma_start3A_275 : memref<10240x16xf32, #tpu.memory_space<vmem_shared>>) offsets(%dma_start3A_272 : memref<128xi32, #tpu.memory_space<vmem>>) semaphore(%run_scoped3A_269 : memref<!tpu.dma_semaphore, #tpu.memory_space<semaphore_mem>>) {add = true}
        %dma_wait3A_276 = arith.constant 0 : i32
        %dma_wait3A_277 = tpu.memref_slice %arg7[%add3A_218, %dma_wait3A_276] : memref<80x128xi32, #tpu.memory_space<vmem>> -> memref<1x128xi32, #tpu.memory_space<vmem>>
        %dma_wait3A_278 = tpu.memref_squeeze %dma_wait3A_277 : memref<1x128xi32, #tpu.memory_space<vmem>> -> memref<128xi32, #tpu.memory_space<vmem>>
        %dma_wait3A_279 = arith.constant 0 : i32
        %dma_wait3A_280 = arith.constant 0 : i32
        %dma_wait3A_281 = tpu.memref_slice %arg18[%dma_wait3A_279, %dma_wait3A_280] : memref<10240x16xf32, #tpu.memory_space<vmem_shared>> -> memref<10240x16xf32, #tpu.memory_space<vmem_shared>>
        tpu.wait_indirect_dma semaphore(%run_scoped3A_269 : memref<!tpu.dma_semaphore, #tpu.memory_space<semaphore_mem>>) src(%arg17 : memref<128x16xf32, #tpu.memory_space<vmem>>) dst(%dma_wait3A_281 : memref<10240x16xf32, #tpu.memory_space<vmem_shared>>)
        tpu.yield
      }) : () -> ()
      %mul3A_233 = arith.constant 4 : i32
      %mul3A_234 = arith.muli %mul3A_233, %scan3A_196 : i32
      %add3A_235 = arith.constant 2 : i32
      %add3A_236 = arith.addi %mul3A_234, %add3A_235 : i32
      %add3A_237 = arith.constant 3 : i32
      %add3A_238 = arith.addi %add3A_236, %add3A_237 : i32
      %dma_start3A_239 = arith.constant 0 : i32
      %dma_start3A_240 = tpu.memref_slice %arg6[%add3A_238, %dma_start3A_239] : memref<80x128xi32, #tpu.memory_space<vmem>> -> memref<1x128xi32, #tpu.memory_space<vmem>>
      %dma_start3A_241 = tpu.memref_squeeze %dma_start3A_240 : memref<1x128xi32, #tpu.memory_space<vmem>> -> memref<128xi32, #tpu.memory_space<vmem>>
      %dma_start3A_242 = arith.constant 0 : i32
      %dma_start3A_243 = arith.constant 0 : i32
      %dma_start3A_244 = tpu.memref_slice %arg2[%dma_start3A_242, %dma_start3A_243] : memref<10240x64xf32, #tpu.memory_space<hbm>> -> memref<10240x64xf32, #tpu.memory_space<hbm>>
      tpu.enqueue_indirect_dma source(%dma_start3A_244 : memref<10240x64xf32, #tpu.memory_space<hbm>>) target(%arg9 : memref<128x64xf32, #tpu.memory_space<vmem>>) offsets(%dma_start3A_241 : memref<128xi32, #tpu.memory_space<vmem>>) semaphore(%arg14 : memref<!tpu.dma_semaphore, #tpu.memory_space<semaphore_mem>>)
      %dma_wait3A_245 = arith.constant 0 : i32
      %dma_wait3A_246 = tpu.memref_slice %arg6[%add3A_236, %dma_wait3A_245] : memref<80x128xi32, #tpu.memory_space<vmem>> -> memref<1x128xi32, #tpu.memory_space<vmem>>
      %dma_wait3A_247 = tpu.memref_squeeze %dma_wait3A_246 : memref<1x128xi32, #tpu.memory_space<vmem>> -> memref<128xi32, #tpu.memory_space<vmem>>
      %dma_wait3A_248 = arith.constant 0 : i32
      %dma_wait3A_249 = arith.constant 0 : i32
      %dma_wait3A_250 = tpu.memref_slice %arg2[%dma_wait3A_248, %dma_wait3A_249] : memref<10240x64xf32, #tpu.memory_space<hbm>> -> memref<10240x64xf32, #tpu.memory_space<hbm>>
      tpu.wait_indirect_dma semaphore(%arg15 : memref<!tpu.dma_semaphore, #tpu.memory_space<semaphore_mem>>) src(%dma_wait3A_250 : memref<10240x64xf32, #tpu.memory_space<hbm>>) dst(%arg10 : memref<128x64xf32, #tpu.memory_space<vmem>>)
      "tpu.region"() ({
        %run_scoped3A_269 = tpu.sem_alloc : memref<!tpu.dma_semaphore, #tpu.memory_space<semaphore_mem>>
        %dma_start3A_270 = arith.constant 0 : i32
        %dma_start3A_271 = tpu.memref_slice %arg7[%add3A_236, %dma_start3A_270] : memref<80x128xi32, #tpu.memory_space<vmem>> -> memref<1x128xi32, #tpu.memory_space<vmem>>
        %dma_start3A_272 = tpu.memref_squeeze %dma_start3A_271 : memref<1x128xi32, #tpu.memory_space<vmem>> -> memref<128xi32, #tpu.memory_space<vmem>>
        %dma_start3A_273 = arith.constant 0 : i32
        %dma_start3A_274 = arith.constant 0 : i32
        %dma_start3A_275 = tpu.memref_slice %arg12[%dma_start3A_273, %dma_start3A_274] : memref<10240x64xf32, #tpu.memory_space<vmem_shared>> -> memref<10240x64xf32, #tpu.memory_space<vmem_shared>>
        tpu.enqueue_indirect_dma source(%arg10 : memref<128x64xf32, #tpu.memory_space<vmem>>) target(%dma_start3A_275 : memref<10240x64xf32, #tpu.memory_space<vmem_shared>>) offsets(%dma_start3A_272 : memref<128xi32, #tpu.memory_space<vmem>>) semaphore(%run_scoped3A_269 : memref<!tpu.dma_semaphore, #tpu.memory_space<semaphore_mem>>) {add = true}
        %dma_wait3A_276 = arith.constant 0 : i32
        %dma_wait3A_277 = tpu.memref_slice %arg7[%add3A_236, %dma_wait3A_276] : memref<80x128xi32, #tpu.memory_space<vmem>> -> memref<1x128xi32, #tpu.memory_space<vmem>>
        %dma_wait3A_278 = tpu.memref_squeeze %dma_wait3A_277 : memref<1x128xi32, #tpu.memory_space<vmem>> -> memref<128xi32, #tpu.memory_space<vmem>>
        %dma_wait3A_279 = arith.constant 0 : i32
        %dma_wait3A_280 = arith.constant 0 : i32
        %dma_wait3A_281 = tpu.memref_slice %arg12[%dma_wait3A_279, %dma_wait3A_280] : memref<10240x64xf32, #tpu.memory_space<vmem_shared>> -> memref<10240x64xf32, #tpu.memory_space<vmem_shared>>
        tpu.wait_indirect_dma semaphore(%run_scoped3A_269 : memref<!tpu.dma_semaphore, #tpu.memory_space<semaphore_mem>>) src(%arg10 : memref<128x64xf32, #tpu.memory_space<vmem>>) dst(%dma_wait3A_281 : memref<10240x64xf32, #tpu.memory_space<vmem_shared>>)
        tpu.yield
      }) : () -> ()
      "tpu.region"() ({
        %run_scoped3A_269 = tpu.sem_alloc : memref<!tpu.dma_semaphore, #tpu.memory_space<semaphore_mem>>
        %dma_start3A_270 = arith.constant 0 : i32
        %dma_start3A_271 = tpu.memref_slice %arg7[%add3A_236, %dma_start3A_270] : memref<80x128xi32, #tpu.memory_space<vmem>> -> memref<1x128xi32, #tpu.memory_space<vmem>>
        %dma_start3A_272 = tpu.memref_squeeze %dma_start3A_271 : memref<1x128xi32, #tpu.memory_space<vmem>> -> memref<128xi32, #tpu.memory_space<vmem>>
        %dma_start3A_273 = arith.constant 0 : i32
        %dma_start3A_274 = arith.constant 0 : i32
        %dma_start3A_275 = tpu.memref_slice %arg18[%dma_start3A_273, %dma_start3A_274] : memref<10240x16xf32, #tpu.memory_space<vmem_shared>> -> memref<10240x16xf32, #tpu.memory_space<vmem_shared>>
        tpu.enqueue_indirect_dma source(%arg17 : memref<128x16xf32, #tpu.memory_space<vmem>>) target(%dma_start3A_275 : memref<10240x16xf32, #tpu.memory_space<vmem_shared>>) offsets(%dma_start3A_272 : memref<128xi32, #tpu.memory_space<vmem>>) semaphore(%run_scoped3A_269 : memref<!tpu.dma_semaphore, #tpu.memory_space<semaphore_mem>>) {add = true}
        %dma_wait3A_276 = arith.constant 0 : i32
        %dma_wait3A_277 = tpu.memref_slice %arg7[%add3A_236, %dma_wait3A_276] : memref<80x128xi32, #tpu.memory_space<vmem>> -> memref<1x128xi32, #tpu.memory_space<vmem>>
        %dma_wait3A_278 = tpu.memref_squeeze %dma_wait3A_277 : memref<1x128xi32, #tpu.memory_space<vmem>> -> memref<128xi32, #tpu.memory_space<vmem>>
        %dma_wait3A_279 = arith.constant 0 : i32
        %dma_wait3A_280 = arith.constant 0 : i32
        %dma_wait3A_281 = tpu.memref_slice %arg18[%dma_wait3A_279, %dma_wait3A_280] : memref<10240x16xf32, #tpu.memory_space<vmem_shared>> -> memref<10240x16xf32, #tpu.memory_space<vmem_shared>>
        tpu.wait_indirect_dma semaphore(%run_scoped3A_269 : memref<!tpu.dma_semaphore, #tpu.memory_space<semaphore_mem>>) src(%arg17 : memref<128x16xf32, #tpu.memory_space<vmem>>) dst(%dma_wait3A_281 : memref<10240x16xf32, #tpu.memory_space<vmem_shared>>)
        tpu.yield
      }) : () -> ()
      %mul3A_251 = arith.constant 4 : i32
      %mul3A_252 = arith.muli %mul3A_251, %scan3A_196 : i32
      %add3A_253 = arith.constant 3 : i32
      %add3A_254 = arith.addi %mul3A_252, %add3A_253 : i32
      %add3A_255 = arith.constant 3 : i32
      %add3A_256 = arith.addi %add3A_254, %add3A_255 : i32
      %dma_start3A_257 = arith.constant 0 : i32
      %dma_start3A_258 = tpu.memref_slice %arg6[%add3A_256, %dma_start3A_257] : memref<80x128xi32, #tpu.memory_space<vmem>> -> memref<1x128xi32, #tpu.memory_space<vmem>>
      %dma_start3A_259 = tpu.memref_squeeze %dma_start3A_258 : memref<1x128xi32, #tpu.memory_space<vmem>> -> memref<128xi32, #tpu.memory_space<vmem>>
      %dma_start3A_260 = arith.constant 0 : i32
      %dma_start3A_261 = arith.constant 0 : i32
      %dma_start3A_262 = tpu.memref_slice %arg2[%dma_start3A_260, %dma_start3A_261] : memref<10240x64xf32, #tpu.memory_space<hbm>> -> memref<10240x64xf32, #tpu.memory_space<hbm>>
      tpu.enqueue_indirect_dma source(%dma_start3A_262 : memref<10240x64xf32, #tpu.memory_space<hbm>>) target(%arg10 : memref<128x64xf32, #tpu.memory_space<vmem>>) offsets(%dma_start3A_259 : memref<128xi32, #tpu.memory_space<vmem>>) semaphore(%arg15 : memref<!tpu.dma_semaphore, #tpu.memory_space<semaphore_mem>>)
      %dma_wait3A_263 = arith.constant 0 : i32
      %dma_wait3A_264 = tpu.memref_slice %arg6[%add3A_254, %dma_wait3A_263] : memref<80x128xi32, #tpu.memory_space<vmem>> -> memref<1x128xi32, #tpu.memory_space<vmem>>
      %dma_wait3A_265 = tpu.memref_squeeze %dma_wait3A_264 : memref<1x128xi32, #tpu.memory_space<vmem>> -> memref<128xi32, #tpu.memory_space<vmem>>
      %dma_wait3A_266 = arith.constant 0 : i32
      %dma_wait3A_267 = arith.constant 0 : i32
      %dma_wait3A_268 = tpu.memref_slice %arg2[%dma_wait3A_266, %dma_wait3A_267] : memref<10240x64xf32, #tpu.memory_space<hbm>> -> memref<10240x64xf32, #tpu.memory_space<hbm>>
      tpu.wait_indirect_dma semaphore(%arg16 : memref<!tpu.dma_semaphore, #tpu.memory_space<semaphore_mem>>) src(%dma_wait3A_268 : memref<10240x64xf32, #tpu.memory_space<hbm>>) dst(%arg11 : memref<128x64xf32, #tpu.memory_space<vmem>>)
      "tpu.region"() ({
        %run_scoped3A_269 = tpu.sem_alloc : memref<!tpu.dma_semaphore, #tpu.memory_space<semaphore_mem>>
        %dma_start3A_270 = arith.constant 0 : i32
        %dma_start3A_271 = tpu.memref_slice %arg7[%add3A_254, %dma_start3A_270] : memref<80x128xi32, #tpu.memory_space<vmem>> -> memref<1x128xi32, #tpu.memory_space<vmem>>
        %dma_start3A_272 = tpu.memref_squeeze %dma_start3A_271 : memref<1x128xi32, #tpu.memory_space<vmem>> -> memref<128xi32, #tpu.memory_space<vmem>>
        %dma_start3A_273 = arith.constant 0 : i32
        %dma_start3A_274 = arith.constant 0 : i32
        %dma_start3A_275 = tpu.memref_slice %arg12[%dma_start3A_273, %dma_start3A_274] : memref<10240x64xf32, #tpu.memory_space<vmem_shared>> -> memref<10240x64xf32, #tpu.memory_space<vmem_shared>>
        tpu.enqueue_indirect_dma source(%arg11 : memref<128x64xf32, #tpu.memory_space<vmem>>) target(%dma_start3A_275 : memref<10240x64xf32, #tpu.memory_space<vmem_shared>>) offsets(%dma_start3A_272 : memref<128xi32, #tpu.memory_space<vmem>>) semaphore(%run_scoped3A_269 : memref<!tpu.dma_semaphore, #tpu.memory_space<semaphore_mem>>) {add = true}
        %dma_wait3A_276 = arith.constant 0 : i32
        %dma_wait3A_277 = tpu.memref_slice %arg7[%add3A_254, %dma_wait3A_276] : memref<80x128xi32, #tpu.memory_space<vmem>> -> memref<1x128xi32, #tpu.memory_space<vmem>>
        %dma_wait3A_278 = tpu.memref_squeeze %dma_wait3A_277 : memref<1x128xi32, #tpu.memory_space<vmem>> -> memref<128xi32, #tpu.memory_space<vmem>>
        %dma_wait3A_279 = arith.constant 0 : i32
        %dma_wait3A_280 = arith.constant 0 : i32
        %dma_wait3A_281 = tpu.memref_slice %arg12[%dma_wait3A_279, %dma_wait3A_280] : memref<10240x64xf32, #tpu.memory_space<vmem_shared>> -> memref<10240x64xf32, #tpu.memory_space<vmem_shared>>
        tpu.wait_indirect_dma semaphore(%run_scoped3A_269 : memref<!tpu.dma_semaphore, #tpu.memory_space<semaphore_mem>>) src(%arg11 : memref<128x64xf32, #tpu.memory_space<vmem>>) dst(%dma_wait3A_281 : memref<10240x64xf32, #tpu.memory_space<vmem_shared>>)
        tpu.yield
      }) : () -> ()
      "tpu.region"() ({
        %run_scoped3A_269 = tpu.sem_alloc : memref<!tpu.dma_semaphore, #tpu.memory_space<semaphore_mem>>
        %dma_start3A_270 = arith.constant 0 : i32
        %dma_start3A_271 = tpu.memref_slice %arg7[%add3A_254, %dma_start3A_270] : memref<80x128xi32, #tpu.memory_space<vmem>> -> memref<1x128xi32, #tpu.memory_space<vmem>>
        %dma_start3A_272 = tpu.memref_squeeze %dma_start3A_271 : memref<1x128xi32, #tpu.memory_space<vmem>> -> memref<128xi32, #tpu.memory_space<vmem>>
        %dma_start3A_273 = arith.constant 0 : i32
        %dma_start3A_274 = arith.constant 0 : i32
        %dma_start3A_275 = tpu.memref_slice %arg18[%dma_start3A_273, %dma_start3A_274] : memref<10240x16xf32, #tpu.memory_space<vmem_shared>> -> memref<10240x16xf32, #tpu.memory_space<vmem_shared>>
        tpu.enqueue_indirect_dma source(%arg17 : memref<128x16xf32, #tpu.memory_space<vmem>>) target(%dma_start3A_275 : memref<10240x16xf32, #tpu.memory_space<vmem_shared>>) offsets(%dma_start3A_272 : memref<128xi32, #tpu.memory_space<vmem>>) semaphore(%run_scoped3A_269 : memref<!tpu.dma_semaphore, #tpu.memory_space<semaphore_mem>>) {add = true}
        %dma_wait3A_276 = arith.constant 0 : i32
        %dma_wait3A_277 = tpu.memref_slice %arg7[%add3A_254, %dma_wait3A_276] : memref<80x128xi32, #tpu.memory_space<vmem>> -> memref<1x128xi32, #tpu.memory_space<vmem>>
        %dma_wait3A_278 = tpu.memref_squeeze %dma_wait3A_277 : memref<1x128xi32, #tpu.memory_space<vmem>> -> memref<128xi32, #tpu.memory_space<vmem>>
        %dma_wait3A_279 = arith.constant 0 : i32
        %dma_wait3A_280 = arith.constant 0 : i32
        %dma_wait3A_281 = tpu.memref_slice %arg18[%dma_wait3A_279, %dma_wait3A_280] : memref<10240x16xf32, #tpu.memory_space<vmem_shared>> -> memref<10240x16xf32, #tpu.memory_space<vmem_shared>>
        tpu.wait_indirect_dma semaphore(%run_scoped3A_269 : memref<!tpu.dma_semaphore, #tpu.memory_space<semaphore_mem>>) src(%arg17 : memref<128x16xf32, #tpu.memory_space<vmem>>) dst(%dma_wait3A_281 : memref<10240x16xf32, #tpu.memory_space<vmem_shared>>)
        tpu.yield
      }) : () -> ()
    }
    %scan3A_143 = arith.constant 18 : i32
    %dma_start3A_144 = arith.constant 79 : i32
    %dma_start3A_145 = arith.constant 0 : i32
    %dma_start3A_146 = tpu.memref_slice %arg6[%dma_start3A_144, %dma_start3A_145] : memref<80x128xi32, #tpu.memory_space<vmem>> -> memref<1x128xi32, #tpu.memory_space<vmem>>
    %dma_start3A_147 = tpu.memref_squeeze %dma_start3A_146 : memref<1x128xi32, #tpu.memory_space<vmem>> -> memref<128xi32, #tpu.memory_space<vmem>>
    %dma_start3A_148 = arith.constant 0 : i32
    %dma_start3A_149 = arith.constant 0 : i32
    %dma_start3A_150 = tpu.memref_slice %arg2[%dma_start3A_148, %dma_start3A_149] : memref<10240x64xf32, #tpu.memory_space<hbm>> -> memref<10240x64xf32, #tpu.memory_space<hbm>>
    tpu.enqueue_indirect_dma source(%dma_start3A_150 : memref<10240x64xf32, #tpu.memory_space<hbm>>) target(%arg11 : memref<128x64xf32, #tpu.memory_space<vmem>>) offsets(%dma_start3A_147 : memref<128xi32, #tpu.memory_space<vmem>>) semaphore(%arg16 : memref<!tpu.dma_semaphore, #tpu.memory_space<semaphore_mem>>)
    %dma_wait3A_151 = arith.constant 76 : i32
    %dma_wait3A_152 = arith.constant 0 : i32
    %dma_wait3A_153 = tpu.memref_slice %arg6[%dma_wait3A_151, %dma_wait3A_152] : memref<80x128xi32, #tpu.memory_space<vmem>> -> memref<1x128xi32, #tpu.memory_space<vmem>>
    %dma_wait3A_154 = tpu.memref_squeeze %dma_wait3A_153 : memref<1x128xi32, #tpu.memory_space<vmem>> -> memref<128xi32, #tpu.memory_space<vmem>>
    %dma_wait3A_155 = arith.constant 0 : i32
    %dma_wait3A_156 = arith.constant 0 : i32
    %dma_wait3A_157 = tpu.memref_slice %arg2[%dma_wait3A_155, %dma_wait3A_156] : memref<10240x64xf32, #tpu.memory_space<hbm>> -> memref<10240x64xf32, #tpu.memory_space<hbm>>
    tpu.wait_indirect_dma semaphore(%arg13 : memref<!tpu.dma_semaphore, #tpu.memory_space<semaphore_mem>>) src(%dma_wait3A_157 : memref<10240x64xf32, #tpu.memory_space<hbm>>) dst(%arg8 : memref<128x64xf32, #tpu.memory_space<vmem>>)
    %run_scoped3A_158 = arith.constant 76 : i32
    "tpu.region"() ({
      %run_scoped3A_196 = tpu.sem_alloc : memref<!tpu.dma_semaphore, #tpu.memory_space<semaphore_mem>>
      %dma_start3A_197 = arith.constant 0 : i32
      %dma_start3A_198 = tpu.memref_slice %arg7[%run_scoped3A_158, %dma_start3A_197] : memref<80x128xi32, #tpu.memory_space<vmem>> -> memref<1x128xi32, #tpu.memory_space<vmem>>
      %dma_start3A_199 = tpu.memref_squeeze %dma_start3A_198 : memref<1x128xi32, #tpu.memory_space<vmem>> -> memref<128xi32, #tpu.memory_space<vmem>>
      %dma_start3A_200 = arith.constant 0 : i32
      %dma_start3A_201 = arith.constant 0 : i32
      %dma_start3A_202 = tpu.memref_slice %arg12[%dma_start3A_200, %dma_start3A_201] : memref<10240x64xf32, #tpu.memory_space<vmem_shared>> -> memref<10240x64xf32, #tpu.memory_space<vmem_shared>>
      tpu.enqueue_indirect_dma source(%arg8 : memref<128x64xf32, #tpu.memory_space<vmem>>) target(%dma_start3A_202 : memref<10240x64xf32, #tpu.memory_space<vmem_shared>>) offsets(%dma_start3A_199 : memref<128xi32, #tpu.memory_space<vmem>>) semaphore(%run_scoped3A_196 : memref<!tpu.dma_semaphore, #tpu.memory_space<semaphore_mem>>) {add = true}
      %dma_wait3A_203 = arith.constant 0 : i32
      %dma_wait3A_204 = tpu.memref_slice %arg7[%run_scoped3A_158, %dma_wait3A_203] : memref<80x128xi32, #tpu.memory_space<vmem>> -> memref<1x128xi32, #tpu.memory_space<vmem>>
      %dma_wait3A_205 = tpu.memref_squeeze %dma_wait3A_204 : memref<1x128xi32, #tpu.memory_space<vmem>> -> memref<128xi32, #tpu.memory_space<vmem>>
      %dma_wait3A_206 = arith.constant 0 : i32
      %dma_wait3A_207 = arith.constant 0 : i32
      %dma_wait3A_208 = tpu.memref_slice %arg12[%dma_wait3A_206, %dma_wait3A_207] : memref<10240x64xf32, #tpu.memory_space<vmem_shared>> -> memref<10240x64xf32, #tpu.memory_space<vmem_shared>>
      tpu.wait_indirect_dma semaphore(%run_scoped3A_196 : memref<!tpu.dma_semaphore, #tpu.memory_space<semaphore_mem>>) src(%arg8 : memref<128x64xf32, #tpu.memory_space<vmem>>) dst(%dma_wait3A_208 : memref<10240x64xf32, #tpu.memory_space<vmem_shared>>)
      tpu.yield
    }) : () -> ()
    %run_scoped3A_159 = arith.constant 76 : i32
    "tpu.region"() ({
      %run_scoped3A_196 = tpu.sem_alloc : memref<!tpu.dma_semaphore, #tpu.memory_space<semaphore_mem>>
      %dma_start3A_197 = arith.constant 0 : i32
      %dma_start3A_198 = tpu.memref_slice %arg7[%run_scoped3A_159, %dma_start3A_197] : memref<80x128xi32, #tpu.memory_space<vmem>> -> memref<1x128xi32, #tpu.memory_space<vmem>>
      %dma_start3A_199 = tpu.memref_squeeze %dma_start3A_198 : memref<1x128xi32, #tpu.memory_space<vmem>> -> memref<128xi32, #tpu.memory_space<vmem>>
      %dma_start3A_200 = arith.constant 0 : i32
      %dma_start3A_201 = arith.constant 0 : i32
      %dma_start3A_202 = tpu.memref_slice %arg18[%dma_start3A_200, %dma_start3A_201] : memref<10240x16xf32, #tpu.memory_space<vmem_shared>> -> memref<10240x16xf32, #tpu.memory_space<vmem_shared>>
      tpu.enqueue_indirect_dma source(%arg17 : memref<128x16xf32, #tpu.memory_space<vmem>>) target(%dma_start3A_202 : memref<10240x16xf32, #tpu.memory_space<vmem_shared>>) offsets(%dma_start3A_199 : memref<128xi32, #tpu.memory_space<vmem>>) semaphore(%run_scoped3A_196 : memref<!tpu.dma_semaphore, #tpu.memory_space<semaphore_mem>>) {add = true}
      %dma_wait3A_203 = arith.constant 0 : i32
      %dma_wait3A_204 = tpu.memref_slice %arg7[%run_scoped3A_159, %dma_wait3A_203] : memref<80x128xi32, #tpu.memory_space<vmem>> -> memref<1x128xi32, #tpu.memory_space<vmem>>
      %dma_wait3A_205 = tpu.memref_squeeze %dma_wait3A_204 : memref<1x128xi32, #tpu.memory_space<vmem>> -> memref<128xi32, #tpu.memory_space<vmem>>
      %dma_wait3A_206 = arith.constant 0 : i32
      %dma_wait3A_207 = arith.constant 0 : i32
      %dma_wait3A_208 = tpu.memref_slice %arg18[%dma_wait3A_206, %dma_wait3A_207] : memref<10240x16xf32, #tpu.memory_space<vmem_shared>> -> memref<10240x16xf32, #tpu.memory_space<vmem_shared>>
      tpu.wait_indirect_dma semaphore(%run_scoped3A_196 : memref<!tpu.dma_semaphore, #tpu.memory_space<semaphore_mem>>) src(%arg17 : memref<128x16xf32, #tpu.memory_space<vmem>>) dst(%dma_wait3A_208 : memref<10240x16xf32, #tpu.memory_space<vmem_shared>>)
      tpu.yield
    }) : () -> ()
    %dma_wait3A_160 = arith.constant 77 : i32
    %dma_wait3A_161 = arith.constant 0 : i32
    %dma_wait3A_162 = tpu.memref_slice %arg6[%dma_wait3A_160, %dma_wait3A_161] : memref<80x128xi32, #tpu.memory_space<vmem>> -> memref<1x128xi32, #tpu.memory_space<vmem>>
    %dma_wait3A_163 = tpu.memref_squeeze %dma_wait3A_162 : memref<1x128xi32, #tpu.memory_space<vmem>> -> memref<128xi32, #tpu.memory_space<vmem>>
    %dma_wait3A_164 = arith.constant 0 : i32
    %dma_wait3A_165 = arith.constant 0 : i32
    %dma_wait3A_166 = tpu.memref_slice %arg2[%dma_wait3A_164, %dma_wait3A_165] : memref<10240x64xf32, #tpu.memory_space<hbm>> -> memref<10240x64xf32, #tpu.memory_space<hbm>>
    tpu.wait_indirect_dma semaphore(%arg14 : memref<!tpu.dma_semaphore, #tpu.memory_space<semaphore_mem>>) src(%dma_wait3A_166 : memref<10240x64xf32, #tpu.memory_space<hbm>>) dst(%arg9 : memref<128x64xf32, #tpu.memory_space<vmem>>)
    %run_scoped3A_167 = arith.constant 77 : i32
    "tpu.region"() ({
      %run_scoped3A_196 = tpu.sem_alloc : memref<!tpu.dma_semaphore, #tpu.memory_space<semaphore_mem>>
      %dma_start3A_197 = arith.constant 0 : i32
      %dma_start3A_198 = tpu.memref_slice %arg7[%run_scoped3A_167, %dma_start3A_197] : memref<80x128xi32, #tpu.memory_space<vmem>> -> memref<1x128xi32, #tpu.memory_space<vmem>>
      %dma_start3A_199 = tpu.memref_squeeze %dma_start3A_198 : memref<1x128xi32, #tpu.memory_space<vmem>> -> memref<128xi32, #tpu.memory_space<vmem>>
      %dma_start3A_200 = arith.constant 0 : i32
      %dma_start3A_201 = arith.constant 0 : i32
      %dma_start3A_202 = tpu.memref_slice %arg12[%dma_start3A_200, %dma_start3A_201] : memref<10240x64xf32, #tpu.memory_space<vmem_shared>> -> memref<10240x64xf32, #tpu.memory_space<vmem_shared>>
      tpu.enqueue_indirect_dma source(%arg9 : memref<128x64xf32, #tpu.memory_space<vmem>>) target(%dma_start3A_202 : memref<10240x64xf32, #tpu.memory_space<vmem_shared>>) offsets(%dma_start3A_199 : memref<128xi32, #tpu.memory_space<vmem>>) semaphore(%run_scoped3A_196 : memref<!tpu.dma_semaphore, #tpu.memory_space<semaphore_mem>>) {add = true}
      %dma_wait3A_203 = arith.constant 0 : i32
      %dma_wait3A_204 = tpu.memref_slice %arg7[%run_scoped3A_167, %dma_wait3A_203] : memref<80x128xi32, #tpu.memory_space<vmem>> -> memref<1x128xi32, #tpu.memory_space<vmem>>
      %dma_wait3A_205 = tpu.memref_squeeze %dma_wait3A_204 : memref<1x128xi32, #tpu.memory_space<vmem>> -> memref<128xi32, #tpu.memory_space<vmem>>
      %dma_wait3A_206 = arith.constant 0 : i32
      %dma_wait3A_207 = arith.constant 0 : i32
      %dma_wait3A_208 = tpu.memref_slice %arg12[%dma_wait3A_206, %dma_wait3A_207] : memref<10240x64xf32, #tpu.memory_space<vmem_shared>> -> memref<10240x64xf32, #tpu.memory_space<vmem_shared>>
      tpu.wait_indirect_dma semaphore(%run_scoped3A_196 : memref<!tpu.dma_semaphore, #tpu.memory_space<semaphore_mem>>) src(%arg9 : memref<128x64xf32, #tpu.memory_space<vmem>>) dst(%dma_wait3A_208 : memref<10240x64xf32, #tpu.memory_space<vmem_shared>>)
      tpu.yield
    }) : () -> ()
    %run_scoped3A_168 = arith.constant 77 : i32
    "tpu.region"() ({
      %run_scoped3A_196 = tpu.sem_alloc : memref<!tpu.dma_semaphore, #tpu.memory_space<semaphore_mem>>
      %dma_start3A_197 = arith.constant 0 : i32
      %dma_start3A_198 = tpu.memref_slice %arg7[%run_scoped3A_168, %dma_start3A_197] : memref<80x128xi32, #tpu.memory_space<vmem>> -> memref<1x128xi32, #tpu.memory_space<vmem>>
      %dma_start3A_199 = tpu.memref_squeeze %dma_start3A_198 : memref<1x128xi32, #tpu.memory_space<vmem>> -> memref<128xi32, #tpu.memory_space<vmem>>
      %dma_start3A_200 = arith.constant 0 : i32
      %dma_start3A_201 = arith.constant 0 : i32
      %dma_start3A_202 = tpu.memref_slice %arg18[%dma_start3A_200, %dma_start3A_201] : memref<10240x16xf32, #tpu.memory_space<vmem_shared>> -> memref<10240x16xf32, #tpu.memory_space<vmem_shared>>
      tpu.enqueue_indirect_dma source(%arg17 : memref<128x16xf32, #tpu.memory_space<vmem>>) target(%dma_start3A_202 : memref<10240x16xf32, #tpu.memory_space<vmem_shared>>) offsets(%dma_start3A_199 : memref<128xi32, #tpu.memory_space<vmem>>) semaphore(%run_scoped3A_196 : memref<!tpu.dma_semaphore, #tpu.memory_space<semaphore_mem>>) {add = true}
      %dma_wait3A_203 = arith.constant 0 : i32
      %dma_wait3A_204 = tpu.memref_slice %arg7[%run_scoped3A_168, %dma_wait3A_203] : memref<80x128xi32, #tpu.memory_space<vmem>> -> memref<1x128xi32, #tpu.memory_space<vmem>>
      %dma_wait3A_205 = tpu.memref_squeeze %dma_wait3A_204 : memref<1x128xi32, #tpu.memory_space<vmem>> -> memref<128xi32, #tpu.memory_space<vmem>>
      %dma_wait3A_206 = arith.constant 0 : i32
      %dma_wait3A_207 = arith.constant 0 : i32
      %dma_wait3A_208 = tpu.memref_slice %arg18[%dma_wait3A_206, %dma_wait3A_207] : memref<10240x16xf32, #tpu.memory_space<vmem_shared>> -> memref<10240x16xf32, #tpu.memory_space<vmem_shared>>
      tpu.wait_indirect_dma semaphore(%run_scoped3A_196 : memref<!tpu.dma_semaphore, #tpu.memory_space<semaphore_mem>>) src(%arg17 : memref<128x16xf32, #tpu.memory_space<vmem>>) dst(%dma_wait3A_208 : memref<10240x16xf32, #tpu.memory_space<vmem_shared>>)
      tpu.yield
    }) : () -> ()
    %dma_wait3A_169 = arith.constant 78 : i32
    %dma_wait3A_170 = arith.constant 0 : i32
    %dma_wait3A_171 = tpu.memref_slice %arg6[%dma_wait3A_169, %dma_wait3A_170] : memref<80x128xi32, #tpu.memory_space<vmem>> -> memref<1x128xi32, #tpu.memory_space<vmem>>
    %dma_wait3A_172 = tpu.memref_squeeze %dma_wait3A_171 : memref<1x128xi32, #tpu.memory_space<vmem>> -> memref<128xi32, #tpu.memory_space<vmem>>
    %dma_wait3A_173 = arith.constant 0 : i32
    %dma_wait3A_174 = arith.constant 0 : i32
    %dma_wait3A_175 = tpu.memref_slice %arg2[%dma_wait3A_173, %dma_wait3A_174] : memref<10240x64xf32, #tpu.memory_space<hbm>> -> memref<10240x64xf32, #tpu.memory_space<hbm>>
    tpu.wait_indirect_dma semaphore(%arg15 : memref<!tpu.dma_semaphore, #tpu.memory_space<semaphore_mem>>) src(%dma_wait3A_175 : memref<10240x64xf32, #tpu.memory_space<hbm>>) dst(%arg10 : memref<128x64xf32, #tpu.memory_space<vmem>>)
    %run_scoped3A_176 = arith.constant 78 : i32
    "tpu.region"() ({
      %run_scoped3A_196 = tpu.sem_alloc : memref<!tpu.dma_semaphore, #tpu.memory_space<semaphore_mem>>
      %dma_start3A_197 = arith.constant 0 : i32
      %dma_start3A_198 = tpu.memref_slice %arg7[%run_scoped3A_176, %dma_start3A_197] : memref<80x128xi32, #tpu.memory_space<vmem>> -> memref<1x128xi32, #tpu.memory_space<vmem>>
      %dma_start3A_199 = tpu.memref_squeeze %dma_start3A_198 : memref<1x128xi32, #tpu.memory_space<vmem>> -> memref<128xi32, #tpu.memory_space<vmem>>
      %dma_start3A_200 = arith.constant 0 : i32
      %dma_start3A_201 = arith.constant 0 : i32
      %dma_start3A_202 = tpu.memref_slice %arg12[%dma_start3A_200, %dma_start3A_201] : memref<10240x64xf32, #tpu.memory_space<vmem_shared>> -> memref<10240x64xf32, #tpu.memory_space<vmem_shared>>
      tpu.enqueue_indirect_dma source(%arg10 : memref<128x64xf32, #tpu.memory_space<vmem>>) target(%dma_start3A_202 : memref<10240x64xf32, #tpu.memory_space<vmem_shared>>) offsets(%dma_start3A_199 : memref<128xi32, #tpu.memory_space<vmem>>) semaphore(%run_scoped3A_196 : memref<!tpu.dma_semaphore, #tpu.memory_space<semaphore_mem>>) {add = true}
      %dma_wait3A_203 = arith.constant 0 : i32
      %dma_wait3A_204 = tpu.memref_slice %arg7[%run_scoped3A_176, %dma_wait3A_203] : memref<80x128xi32, #tpu.memory_space<vmem>> -> memref<1x128xi32, #tpu.memory_space<vmem>>
      %dma_wait3A_205 = tpu.memref_squeeze %dma_wait3A_204 : memref<1x128xi32, #tpu.memory_space<vmem>> -> memref<128xi32, #tpu.memory_space<vmem>>
      %dma_wait3A_206 = arith.constant 0 : i32
      %dma_wait3A_207 = arith.constant 0 : i32
      %dma_wait3A_208 = tpu.memref_slice %arg12[%dma_wait3A_206, %dma_wait3A_207] : memref<10240x64xf32, #tpu.memory_space<vmem_shared>> -> memref<10240x64xf32, #tpu.memory_space<vmem_shared>>
      tpu.wait_indirect_dma semaphore(%run_scoped3A_196 : memref<!tpu.dma_semaphore, #tpu.memory_space<semaphore_mem>>) src(%arg10 : memref<128x64xf32, #tpu.memory_space<vmem>>) dst(%dma_wait3A_208 : memref<10240x64xf32, #tpu.memory_space<vmem_shared>>)
      tpu.yield
    }) : () -> ()
    %run_scoped3A_177 = arith.constant 78 : i32
    "tpu.region"() ({
      %run_scoped3A_196 = tpu.sem_alloc : memref<!tpu.dma_semaphore, #tpu.memory_space<semaphore_mem>>
      %dma_start3A_197 = arith.constant 0 : i32
      %dma_start3A_198 = tpu.memref_slice %arg7[%run_scoped3A_177, %dma_start3A_197] : memref<80x128xi32, #tpu.memory_space<vmem>> -> memref<1x128xi32, #tpu.memory_space<vmem>>
      %dma_start3A_199 = tpu.memref_squeeze %dma_start3A_198 : memref<1x128xi32, #tpu.memory_space<vmem>> -> memref<128xi32, #tpu.memory_space<vmem>>
      %dma_start3A_200 = arith.constant 0 : i32
      %dma_start3A_201 = arith.constant 0 : i32
      %dma_start3A_202 = tpu.memref_slice %arg18[%dma_start3A_200, %dma_start3A_201] : memref<10240x16xf32, #tpu.memory_space<vmem_shared>> -> memref<10240x16xf32, #tpu.memory_space<vmem_shared>>
      tpu.enqueue_indirect_dma source(%arg17 : memref<128x16xf32, #tpu.memory_space<vmem>>) target(%dma_start3A_202 : memref<10240x16xf32, #tpu.memory_space<vmem_shared>>) offsets(%dma_start3A_199 : memref<128xi32, #tpu.memory_space<vmem>>) semaphore(%run_scoped3A_196 : memref<!tpu.dma_semaphore, #tpu.memory_space<semaphore_mem>>) {add = true}
      %dma_wait3A_203 = arith.constant 0 : i32
      %dma_wait3A_204 = tpu.memref_slice %arg7[%run_scoped3A_177, %dma_wait3A_203] : memref<80x128xi32, #tpu.memory_space<vmem>> -> memref<1x128xi32, #tpu.memory_space<vmem>>
      %dma_wait3A_205 = tpu.memref_squeeze %dma_wait3A_204 : memref<1x128xi32, #tpu.memory_space<vmem>> -> memref<128xi32, #tpu.memory_space<vmem>>
      %dma_wait3A_206 = arith.constant 0 : i32
      %dma_wait3A_207 = arith.constant 0 : i32
      %dma_wait3A_208 = tpu.memref_slice %arg18[%dma_wait3A_206, %dma_wait3A_207] : memref<10240x16xf32, #tpu.memory_space<vmem_shared>> -> memref<10240x16xf32, #tpu.memory_space<vmem_shared>>
      tpu.wait_indirect_dma semaphore(%run_scoped3A_196 : memref<!tpu.dma_semaphore, #tpu.memory_space<semaphore_mem>>) src(%arg17 : memref<128x16xf32, #tpu.memory_space<vmem>>) dst(%dma_wait3A_208 : memref<10240x16xf32, #tpu.memory_space<vmem_shared>>)
      tpu.yield
    }) : () -> ()
    %dma_wait3A_178 = arith.constant 79 : i32
    %dma_wait3A_179 = arith.constant 0 : i32
    %dma_wait3A_180 = tpu.memref_slice %arg6[%dma_wait3A_178, %dma_wait3A_179] : memref<80x128xi32, #tpu.memory_space<vmem>> -> memref<1x128xi32, #tpu.memory_space<vmem>>
    %dma_wait3A_181 = tpu.memref_squeeze %dma_wait3A_180 : memref<1x128xi32, #tpu.memory_space<vmem>> -> memref<128xi32, #tpu.memory_space<vmem>>
    %dma_wait3A_182 = arith.constant 0 : i32
    %dma_wait3A_183 = arith.constant 0 : i32
    %dma_wait3A_184 = tpu.memref_slice %arg2[%dma_wait3A_182, %dma_wait3A_183] : memref<10240x64xf32, #tpu.memory_space<hbm>> -> memref<10240x64xf32, #tpu.memory_space<hbm>>
    tpu.wait_indirect_dma semaphore(%arg16 : memref<!tpu.dma_semaphore, #tpu.memory_space<semaphore_mem>>) src(%dma_wait3A_184 : memref<10240x64xf32, #tpu.memory_space<hbm>>) dst(%arg11 : memref<128x64xf32, #tpu.memory_space<vmem>>)
    %run_scoped3A_185 = arith.constant 79 : i32
    "tpu.region"() ({
      %run_scoped3A_196 = tpu.sem_alloc : memref<!tpu.dma_semaphore, #tpu.memory_space<semaphore_mem>>
      %dma_start3A_197 = arith.constant 0 : i32
      %dma_start3A_198 = tpu.memref_slice %arg7[%run_scoped3A_185, %dma_start3A_197] : memref<80x128xi32, #tpu.memory_space<vmem>> -> memref<1x128xi32, #tpu.memory_space<vmem>>
      %dma_start3A_199 = tpu.memref_squeeze %dma_start3A_198 : memref<1x128xi32, #tpu.memory_space<vmem>> -> memref<128xi32, #tpu.memory_space<vmem>>
      %dma_start3A_200 = arith.constant 0 : i32
      %dma_start3A_201 = arith.constant 0 : i32
      %dma_start3A_202 = tpu.memref_slice %arg12[%dma_start3A_200, %dma_start3A_201] : memref<10240x64xf32, #tpu.memory_space<vmem_shared>> -> memref<10240x64xf32, #tpu.memory_space<vmem_shared>>
      tpu.enqueue_indirect_dma source(%arg11 : memref<128x64xf32, #tpu.memory_space<vmem>>) target(%dma_start3A_202 : memref<10240x64xf32, #tpu.memory_space<vmem_shared>>) offsets(%dma_start3A_199 : memref<128xi32, #tpu.memory_space<vmem>>) semaphore(%run_scoped3A_196 : memref<!tpu.dma_semaphore, #tpu.memory_space<semaphore_mem>>) {add = true}
      %dma_wait3A_203 = arith.constant 0 : i32
      %dma_wait3A_204 = tpu.memref_slice %arg7[%run_scoped3A_185, %dma_wait3A_203] : memref<80x128xi32, #tpu.memory_space<vmem>> -> memref<1x128xi32, #tpu.memory_space<vmem>>
      %dma_wait3A_205 = tpu.memref_squeeze %dma_wait3A_204 : memref<1x128xi32, #tpu.memory_space<vmem>> -> memref<128xi32, #tpu.memory_space<vmem>>
      %dma_wait3A_206 = arith.constant 0 : i32
      %dma_wait3A_207 = arith.constant 0 : i32
      %dma_wait3A_208 = tpu.memref_slice %arg12[%dma_wait3A_206, %dma_wait3A_207] : memref<10240x64xf32, #tpu.memory_space<vmem_shared>> -> memref<10240x64xf32, #tpu.memory_space<vmem_shared>>
      tpu.wait_indirect_dma semaphore(%run_scoped3A_196 : memref<!tpu.dma_semaphore, #tpu.memory_space<semaphore_mem>>) src(%arg11 : memref<128x64xf32, #tpu.memory_space<vmem>>) dst(%dma_wait3A_208 : memref<10240x64xf32, #tpu.memory_space<vmem_shared>>)
      tpu.yield
    }) : () -> ()
    %run_scoped3A_186 = arith.constant 79 : i32
    "tpu.region"() ({
      %run_scoped3A_196 = tpu.sem_alloc : memref<!tpu.dma_semaphore, #tpu.memory_space<semaphore_mem>>
      %dma_start3A_197 = arith.constant 0 : i32
      %dma_start3A_198 = tpu.memref_slice %arg7[%run_scoped3A_186, %dma_start3A_197] : memref<80x128xi32, #tpu.memory_space<vmem>> -> memref<1x128xi32, #tpu.memory_space<vmem>>
      %dma_start3A_199 = tpu.memref_squeeze %dma_start3A_198 : memref<1x128xi32, #tpu.memory_space<vmem>> -> memref<128xi32, #tpu.memory_space<vmem>>
      %dma_start3A_200 = arith.constant 0 : i32
      %dma_start3A_201 = arith.constant 0 : i32
      %dma_start3A_202 = tpu.memref_slice %arg18[%dma_start3A_200, %dma_start3A_201] : memref<10240x16xf32, #tpu.memory_space<vmem_shared>> -> memref<10240x16xf32, #tpu.memory_space<vmem_shared>>
      tpu.enqueue_indirect_dma source(%arg17 : memref<128x16xf32, #tpu.memory_space<vmem>>) target(%dma_start3A_202 : memref<10240x16xf32, #tpu.memory_space<vmem_shared>>) offsets(%dma_start3A_199 : memref<128xi32, #tpu.memory_space<vmem>>) semaphore(%run_scoped3A_196 : memref<!tpu.dma_semaphore, #tpu.memory_space<semaphore_mem>>) {add = true}
      %dma_wait3A_203 = arith.constant 0 : i32
      %dma_wait3A_204 = tpu.memref_slice %arg7[%run_scoped3A_186, %dma_wait3A_203] : memref<80x128xi32, #tpu.memory_space<vmem>> -> memref<1x128xi32, #tpu.memory_space<vmem>>
      %dma_wait3A_205 = tpu.memref_squeeze %dma_wait3A_204 : memref<1x128xi32, #tpu.memory_space<vmem>> -> memref<128xi32, #tpu.memory_space<vmem>>
      %dma_wait3A_206 = arith.constant 0 : i32
      %dma_wait3A_207 = arith.constant 0 : i32
      %dma_wait3A_208 = tpu.memref_slice %arg18[%dma_wait3A_206, %dma_wait3A_207] : memref<10240x16xf32, #tpu.memory_space<vmem_shared>> -> memref<10240x16xf32, #tpu.memory_space<vmem_shared>>
      tpu.wait_indirect_dma semaphore(%run_scoped3A_196 : memref<!tpu.dma_semaphore, #tpu.memory_space<semaphore_mem>>) src(%arg17 : memref<128x16xf32, #tpu.memory_space<vmem>>) dst(%dma_wait3A_208 : memref<10240x16xf32, #tpu.memory_space<vmem_shared>>)
      tpu.yield
    }) : () -> ()
    %barrier3A_187 = arith.constant 0 : index
    tpu.barrier barrier_id(%barrier3A_187)
    %mul3A_188 = arith.constant 640 : i32
    %mul3A_189 = arith.muli %arg1, %mul3A_188 : i32
    %mul3A_190 = arith.constant 640 : i32
    %mul3A_191 = arith.muli %arg1, %mul3A_190 : i32
    "tpu.region"() ({
      %run_scoped3A_196 = tpu.sem_alloc : memref<!tpu.dma_semaphore, #tpu.memory_space<semaphore_mem>>
      %dma_start3A_197 = arith.constant 0 : i32
      %dma_start3A_198 = tpu.memref_slice %arg5[%arg0, %mul3A_191, %dma_start3A_197] : memref<2x10240x128xf32, #tpu.memory_space<hbm>> -> memref<1x640x64xf32, #tpu.memory_space<hbm>>
      %dma_start3A_199 = tpu.memref_squeeze %dma_start3A_198 : memref<1x640x64xf32, #tpu.memory_space<hbm>> -> memref<640x64xf32, #tpu.memory_space<hbm>>
      %dma_start3A_200 = arith.constant 0 : i32
      %dma_start3A_201 = tpu.memref_slice %arg12[%mul3A_189, %dma_start3A_200] : memref<10240x64xf32, #tpu.memory_space<vmem_shared>> -> memref<640x64xf32, #tpu.memory_space<vmem_shared>>
      tpu.enqueue_dma source(%dma_start3A_201 : memref<640x64xf32, #tpu.memory_space<vmem_shared>>) target(%dma_start3A_199 : memref<640x64xf32, #tpu.memory_space<hbm>>) target_semaphore(%run_scoped3A_196 : memref<!tpu.dma_semaphore, #tpu.memory_space<semaphore_mem>>)
      %dma_wait3A_202 = arith.constant 0 : i32
      %dma_wait3A_203 = tpu.memref_slice %arg5[%arg0, %mul3A_191, %dma_wait3A_202] : memref<2x10240x128xf32, #tpu.memory_space<hbm>> -> memref<1x640x64xf32, #tpu.memory_space<hbm>>
      %dma_wait3A_204 = tpu.memref_squeeze %dma_wait3A_203 : memref<1x640x64xf32, #tpu.memory_space<hbm>> -> memref<640x64xf32, #tpu.memory_space<hbm>>
      %dma_wait3A_205 = arith.constant 0 : i32
      %dma_wait3A_206 = tpu.memref_slice %arg12[%mul3A_189, %dma_wait3A_205] : memref<10240x64xf32, #tpu.memory_space<vmem_shared>> -> memref<640x64xf32, #tpu.memory_space<vmem_shared>>
      tpu.wait_dma2 semaphore(%run_scoped3A_196 : memref<!tpu.dma_semaphore, #tpu.memory_space<semaphore_mem>>) src(%dma_wait3A_206 : memref<640x64xf32, #tpu.memory_space<vmem_shared>>) dst(%dma_wait3A_204 : memref<640x64xf32, #tpu.memory_space<hbm>>)
      tpu.yield
    }) : () -> ()
    %mul3A_192 = arith.constant 640 : i32
    %mul3A_193 = arith.muli %arg1, %mul3A_192 : i32
    %mul3A_194 = arith.constant 640 : i32
    %mul3A_195 = arith.muli %arg1, %mul3A_194 : i32
    "tpu.region"() ({
      %run_scoped3A_196 = tpu.sem_alloc : memref<!tpu.dma_semaphore, #tpu.memory_space<semaphore_mem>>
      %dma_start3A_197 = arith.constant 64 : i32
      %dma_start3A_198 = tpu.memref_slice %arg5[%arg0, %mul3A_195, %dma_start3A_197] : memref<2x10240x128xf32, #tpu.memory_space<hbm>> -> memref<1x640x16xf32, #tpu.memory_space<hbm>>
      %dma_start3A_199 = tpu.memref_squeeze %dma_start3A_198 : memref<1x640x16xf32, #tpu.memory_space<hbm>> -> memref<640x16xf32, #tpu.memory_space<hbm>>
      %dma_start3A_200 = arith.constant 0 : i32
      %dma_start3A_201 = tpu.memref_slice %arg18[%mul3A_193, %dma_start3A_200] : memref<10240x16xf32, #tpu.memory_space<vmem_shared>> -> memref<640x16xf32, #tpu.memory_space<vmem_shared>>
      tpu.enqueue_dma source(%dma_start3A_201 : memref<640x16xf32, #tpu.memory_space<vmem_shared>>) target(%dma_start3A_199 : memref<640x16xf32, #tpu.memory_space<hbm>>) target_semaphore(%run_scoped3A_196 : memref<!tpu.dma_semaphore, #tpu.memory_space<semaphore_mem>>)
      %dma_wait3A_202 = arith.constant 64 : i32
      %dma_wait3A_203 = tpu.memref_slice %arg5[%arg0, %mul3A_195, %dma_wait3A_202] : memref<2x10240x128xf32, #tpu.memory_space<hbm>> -> memref<1x640x16xf32, #tpu.memory_space<hbm>>
      %dma_wait3A_204 = tpu.memref_squeeze %dma_wait3A_203 : memref<1x640x16xf32, #tpu.memory_space<hbm>> -> memref<640x16xf32, #tpu.memory_space<hbm>>
      %dma_wait3A_205 = arith.constant 0 : i32
      %dma_wait3A_206 = tpu.memref_slice %arg18[%mul3A_193, %dma_wait3A_205] : memref<10240x16xf32, #tpu.memory_space<vmem_shared>> -> memref<640x16xf32, #tpu.memory_space<vmem_shared>>
      tpu.wait_dma2 semaphore(%run_scoped3A_196 : memref<!tpu.dma_semaphore, #tpu.memory_space<semaphore_mem>>) src(%dma_wait3A_206 : memref<640x16xf32, #tpu.memory_space<vmem_shared>>) dst(%dma_wait3A_204 : memref<640x16xf32, #tpu.memory_space<hbm>>)
      tpu.yield
    }) : () -> ()
    return
  }
}

#map = affine_map<(d0, d1) -> (0, 0)>
#map1 = affine_map<(d0, d1) -> (0, 0, 0)>
module attributes {stable_mosaic.version = 14 : i64} {
  func.func @seg_sum(%arg0: i32, %arg1: i32, %arg2: memref<10240x64xf32, #tpu.memory_space<hbm>>, %arg3: memref<2560x128xi32, #tpu.memory_space<hbm>>, %arg4: memref<2560x128xi32, #tpu.memory_space<hbm>>, %arg5: memref<2x10240x128xf32, #tpu.memory_space<hbm>>, %arg6: memref<80x128xi32, #tpu.memory_space<vmem>>, %arg7: memref<80x128xi32, #tpu.memory_space<vmem>>, %arg8: memref<128x64xf32, #tpu.memory_space<vmem>>, %arg9: memref<128x64xf32, #tpu.memory_space<vmem>>, %arg10: memref<128x64xf32, #tpu.memory_space<vmem>>, %arg11: memref<128x64xf32, #tpu.memory_space<vmem>>, %arg12: memref<10240x64xf32, #tpu.memory_space<vmem_shared>>, %arg13: memref<!tpu.dma_semaphore, #tpu.memory_space<semaphore_mem>>, %arg14: memref<!tpu.dma_semaphore, #tpu.memory_space<semaphore_mem>>, %arg15: memref<!tpu.dma_semaphore, #tpu.memory_space<semaphore_mem>>, %arg16: memref<!tpu.dma_semaphore, #tpu.memory_space<semaphore_mem>>) attributes {dimension_semantics = [#tpu.dimension_semantics<core_parallel>, #tpu.dimension_semantics<subcore_parallel>], iteration_bounds = array<i64: 2, 16>, scalar_prefetch = 0 : i64, scratch_operands = 11 : i64, tpu.core_type = #tpu.core_type<sc_vector_subcore>, window_params = [{transform_indices = #map}, {transform_indices = #map}, {transform_indices = #map}, {transform_indices = #map1}]} {
    %mul3A = arith.constant 2 : i32
    %mul3A_0 = arith.muli %arg1, %mul3A : i32
    %add3A = arith.addi %mul3A_0, %arg0 : i32
    %scan3A = arith.constant 0 : i32
    %scan3A_1 = arith.constant 0 : i32
    %scan3A_2 = arith.constant 128 : i32
    %scan3A_3 = arith.addi %scan3A_1, %scan3A_2 : i32
    %scan3A_4 = arith.constant 1 : i32
    scf.for %scan3A_158 = %scan3A_1 to %scan3A_3 step %scan3A_4  : i32 {
      %broadcast_in_dim3A = arith.constant 0.000000e+00 : f32
      %broadcast_in_dim3A_159 = vector.broadcast %broadcast_in_dim3A : f32 to vector<16xf32>
      %swap3A = arith.index_cast %scan3A_158 : i32 to index
      %swap3A_160 = arith.constant 0 : index
      %swap3A_161 = tpu.vector_load %arg8[%swap3A, %swap3A_160] {strides = array<i32>} : memref<128x64xf32, #tpu.memory_space<vmem>>, vector<1x16xf32>,
      %swap3A_162 = vector.shape_cast %swap3A_161 : vector<1x16xf32> to vector<16xf32>
      %swap3A_163 = vector.shape_cast %broadcast_in_dim3A_159 : vector<16xf32> to vector<1x16xf32>
      tpu.vector_store %arg8[%swap3A, %swap3A_160], %swap3A_163 {strides = array<i32>} : memref<128x64xf32, #tpu.memory_space<vmem>>, vector<1x16xf32>,
      %broadcast_in_dim3A_164 = arith.constant 0.000000e+00 : f32
      %broadcast_in_dim3A_165 = vector.broadcast %broadcast_in_dim3A_164 : f32 to vector<16xf32>
      %swap3A_166 = arith.index_cast %scan3A_158 : i32 to index
      %swap3A_167 = arith.constant 16 : index
      %swap3A_168 = tpu.vector_load %arg8[%swap3A_166, %swap3A_167] {strides = array<i32>} : memref<128x64xf32, #tpu.memory_space<vmem>>, vector<1x16xf32>,
      %swap3A_169 = vector.shape_cast %swap3A_168 : vector<1x16xf32> to vector<16xf32>
      %swap3A_170 = vector.shape_cast %broadcast_in_dim3A_165 : vector<16xf32> to vector<1x16xf32>
      tpu.vector_store %arg8[%swap3A_166, %swap3A_167], %swap3A_170 {strides = array<i32>} : memref<128x64xf32, #tpu.memory_space<vmem>>, vector<1x16xf32>,
      %broadcast_in_dim3A_171 = arith.constant 0.000000e+00 : f32
      %broadcast_in_dim3A_172 = vector.broadcast %broadcast_in_dim3A_171 : f32 to vector<16xf32>
      %swap3A_173 = arith.index_cast %scan3A_158 : i32 to index
      %swap3A_174 = arith.constant 32 : index
      %swap3A_175 = tpu.vector_load %arg8[%swap3A_173, %swap3A_174] {strides = array<i32>} : memref<128x64xf32, #tpu.memory_space<vmem>>, vector<1x16xf32>,
      %swap3A_176 = vector.shape_cast %swap3A_175 : vector<1x16xf32> to vector<16xf32>
      %swap3A_177 = vector.shape_cast %broadcast_in_dim3A_172 : vector<16xf32> to vector<1x16xf32>
      tpu.vector_store %arg8[%swap3A_173, %swap3A_174], %swap3A_177 {strides = array<i32>} : memref<128x64xf32, #tpu.memory_space<vmem>>, vector<1x16xf32>,
      %broadcast_in_dim3A_178 = arith.constant 0.000000e+00 : f32
      %broadcast_in_dim3A_179 = vector.broadcast %broadcast_in_dim3A_178 : f32 to vector<16xf32>
      %swap3A_180 = arith.index_cast %scan3A_158 : i32 to index
      %swap3A_181 = arith.constant 48 : index
      %swap3A_182 = tpu.vector_load %arg8[%swap3A_180, %swap3A_181] {strides = array<i32>} : memref<128x64xf32, #tpu.memory_space<vmem>>, vector<1x16xf32>,
      %swap3A_183 = vector.shape_cast %swap3A_182 : vector<1x16xf32> to vector<16xf32>
      %swap3A_184 = vector.shape_cast %broadcast_in_dim3A_179 : vector<16xf32> to vector<1x16xf32>
      tpu.vector_store %arg8[%swap3A_180, %swap3A_181], %swap3A_184 {strides = array<i32>} : memref<128x64xf32, #tpu.memory_space<vmem>>, vector<1x16xf32>,
    }
    %scan3A_5 = arith.constant 128 : i32
    %mul3A_6 = arith.constant 640 : i32
    %mul3A_7 = arith.muli %arg1, %mul3A_6 : i32
    %add3A_8 = arith.constant 0 : i32
    %add3A_9 = arith.addi %mul3A_7, %add3A_8 : i32
    "tpu.region"() ({
      %run_scoped3A_158 = tpu.sem_alloc : memref<!tpu.dma_semaphore, #tpu.memory_space<semaphore_mem>>
      %dma_start3A_159 = arith.constant 0 : i32
      %dma_start3A_160 = tpu.memref_slice %arg12[%add3A_9, %dma_start3A_159] : memref<10240x64xf32, #tpu.memory_space<vmem_shared>> -> memref<128x64xf32, #tpu.memory_space<vmem_shared>>
      %dma_start3A_161 = arith.constant 0 : i32
      %dma_start3A_162 = tpu.memref_slice %arg12[%add3A_9, %dma_start3A_161] : memref<10240x64xf32, #tpu.memory_space<vmem_shared>> -> memref<128x64xf32, #tpu.memory_space<vmem_shared>>
      tpu.enqueue_dma source(%arg8 : memref<128x64xf32, #tpu.memory_space<vmem>>) target(%dma_start3A_162 : memref<128x64xf32, #tpu.memory_space<vmem_shared>>) target_semaphore(%run_scoped3A_158 : memref<!tpu.dma_semaphore, #tpu.memory_space<semaphore_mem>>)
      %dma_wait3A_163 = arith.constant 0 : i32
      %dma_wait3A_164 = tpu.memref_slice %arg12[%add3A_9, %dma_wait3A_163] : memref<10240x64xf32, #tpu.memory_space<vmem_shared>> -> memref<128x64xf32, #tpu.memory_space<vmem_shared>>
      %dma_wait3A_165 = arith.constant 0 : i32
      %dma_wait3A_166 = tpu.memref_slice %arg12[%add3A_9, %dma_wait3A_165] : memref<10240x64xf32, #tpu.memory_space<vmem_shared>> -> memref<128x64xf32, #tpu.memory_space<vmem_shared>>
      tpu.wait_dma2 semaphore(%run_scoped3A_158 : memref<!tpu.dma_semaphore, #tpu.memory_space<semaphore_mem>>) src(%arg8 : memref<128x64xf32, #tpu.memory_space<vmem>>) dst(%dma_wait3A_166 : memref<128x64xf32, #tpu.memory_space<vmem_shared>>)
      tpu.yield
    }) : () -> ()
    %mul3A_10 = arith.constant 640 : i32
    %mul3A_11 = arith.muli %arg1, %mul3A_10 : i32
    %add3A_12 = arith.constant 128 : i32
    %add3A_13 = arith.addi %mul3A_11, %add3A_12 : i32
    "tpu.region"() ({
      %run_scoped3A_158 = tpu.sem_alloc : memref<!tpu.dma_semaphore, #tpu.memory_space<semaphore_mem>>
      %dma_start3A_159 = arith.constant 0 : i32
      %dma_start3A_160 = tpu.memref_slice %arg12[%add3A_13, %dma_start3A_159] : memref<10240x64xf32, #tpu.memory_space<vmem_shared>> -> memref<128x64xf32, #tpu.memory_space<vmem_shared>>
      %dma_start3A_161 = arith.constant 0 : i32
      %dma_start3A_162 = tpu.memref_slice %arg12[%add3A_13, %dma_start3A_161] : memref<10240x64xf32, #tpu.memory_space<vmem_shared>> -> memref<128x64xf32, #tpu.memory_space<vmem_shared>>
      tpu.enqueue_dma source(%arg8 : memref<128x64xf32, #tpu.memory_space<vmem>>) target(%dma_start3A_162 : memref<128x64xf32, #tpu.memory_space<vmem_shared>>) target_semaphore(%run_scoped3A_158 : memref<!tpu.dma_semaphore, #tpu.memory_space<semaphore_mem>>)
      %dma_wait3A_163 = arith.constant 0 : i32
      %dma_wait3A_164 = tpu.memref_slice %arg12[%add3A_13, %dma_wait3A_163] : memref<10240x64xf32, #tpu.memory_space<vmem_shared>> -> memref<128x64xf32, #tpu.memory_space<vmem_shared>>
      %dma_wait3A_165 = arith.constant 0 : i32
      %dma_wait3A_166 = tpu.memref_slice %arg12[%add3A_13, %dma_wait3A_165] : memref<10240x64xf32, #tpu.memory_space<vmem_shared>> -> memref<128x64xf32, #tpu.memory_space<vmem_shared>>
      tpu.wait_dma2 semaphore(%run_scoped3A_158 : memref<!tpu.dma_semaphore, #tpu.memory_space<semaphore_mem>>) src(%arg8 : memref<128x64xf32, #tpu.memory_space<vmem>>) dst(%dma_wait3A_166 : memref<128x64xf32, #tpu.memory_space<vmem_shared>>)
      tpu.yield
    }) : () -> ()
    %mul3A_14 = arith.constant 640 : i32
    %mul3A_15 = arith.muli %arg1, %mul3A_14 : i32
    %add3A_16 = arith.constant 256 : i32
    %add3A_17 = arith.addi %mul3A_15, %add3A_16 : i32
    "tpu.region"() ({
      %run_scoped3A_158 = tpu.sem_alloc : memref<!tpu.dma_semaphore, #tpu.memory_space<semaphore_mem>>
      %dma_start3A_159 = arith.constant 0 : i32
      %dma_start3A_160 = tpu.memref_slice %arg12[%add3A_17, %dma_start3A_159] : memref<10240x64xf32, #tpu.memory_space<vmem_shared>> -> memref<128x64xf32, #tpu.memory_space<vmem_shared>>
      %dma_start3A_161 = arith.constant 0 : i32
      %dma_start3A_162 = tpu.memref_slice %arg12[%add3A_17, %dma_start3A_161] : memref<10240x64xf32, #tpu.memory_space<vmem_shared>> -> memref<128x64xf32, #tpu.memory_space<vmem_shared>>
      tpu.enqueue_dma source(%arg8 : memref<128x64xf32, #tpu.memory_space<vmem>>) target(%dma_start3A_162 : memref<128x64xf32, #tpu.memory_space<vmem_shared>>) target_semaphore(%run_scoped3A_158 : memref<!tpu.dma_semaphore, #tpu.memory_space<semaphore_mem>>)
      %dma_wait3A_163 = arith.constant 0 : i32
      %dma_wait3A_164 = tpu.memref_slice %arg12[%add3A_17, %dma_wait3A_163] : memref<10240x64xf32, #tpu.memory_space<vmem_shared>> -> memref<128x64xf32, #tpu.memory_space<vmem_shared>>
      %dma_wait3A_165 = arith.constant 0 : i32
      %dma_wait3A_166 = tpu.memref_slice %arg12[%add3A_17, %dma_wait3A_165] : memref<10240x64xf32, #tpu.memory_space<vmem_shared>> -> memref<128x64xf32, #tpu.memory_space<vmem_shared>>
      tpu.wait_dma2 semaphore(%run_scoped3A_158 : memref<!tpu.dma_semaphore, #tpu.memory_space<semaphore_mem>>) src(%arg8 : memref<128x64xf32, #tpu.memory_space<vmem>>) dst(%dma_wait3A_166 : memref<128x64xf32, #tpu.memory_space<vmem_shared>>)
      tpu.yield
    }) : () -> ()
    %mul3A_18 = arith.constant 640 : i32
    %mul3A_19 = arith.muli %arg1, %mul3A_18 : i32
    %add3A_20 = arith.constant 384 : i32
    %add3A_21 = arith.addi %mul3A_19, %add3A_20 : i32
    "tpu.region"() ({
      %run_scoped3A_158 = tpu.sem_alloc : memref<!tpu.dma_semaphore, #tpu.memory_space<semaphore_mem>>
      %dma_start3A_159 = arith.constant 0 : i32
      %dma_start3A_160 = tpu.memref_slice %arg12[%add3A_21, %dma_start3A_159] : memref<10240x64xf32, #tpu.memory_space<vmem_shared>> -> memref<128x64xf32, #tpu.memory_space<vmem_shared>>
      %dma_start3A_161 = arith.constant 0 : i32
      %dma_start3A_162 = tpu.memref_slice %arg12[%add3A_21, %dma_start3A_161] : memref<10240x64xf32, #tpu.memory_space<vmem_shared>> -> memref<128x64xf32, #tpu.memory_space<vmem_shared>>
      tpu.enqueue_dma source(%arg8 : memref<128x64xf32, #tpu.memory_space<vmem>>) target(%dma_start3A_162 : memref<128x64xf32, #tpu.memory_space<vmem_shared>>) target_semaphore(%run_scoped3A_158 : memref<!tpu.dma_semaphore, #tpu.memory_space<semaphore_mem>>)
      %dma_wait3A_163 = arith.constant 0 : i32
      %dma_wait3A_164 = tpu.memref_slice %arg12[%add3A_21, %dma_wait3A_163] : memref<10240x64xf32, #tpu.memory_space<vmem_shared>> -> memref<128x64xf32, #tpu.memory_space<vmem_shared>>
      %dma_wait3A_165 = arith.constant 0 : i32
      %dma_wait3A_166 = tpu.memref_slice %arg12[%add3A_21, %dma_wait3A_165] : memref<10240x64xf32, #tpu.memory_space<vmem_shared>> -> memref<128x64xf32, #tpu.memory_space<vmem_shared>>
      tpu.wait_dma2 semaphore(%run_scoped3A_158 : memref<!tpu.dma_semaphore, #tpu.memory_space<semaphore_mem>>) src(%arg8 : memref<128x64xf32, #tpu.memory_space<vmem>>) dst(%dma_wait3A_166 : memref<128x64xf32, #tpu.memory_space<vmem_shared>>)
      tpu.yield
    }) : () -> ()
    %mul3A_22 = arith.constant 640 : i32
    %mul3A_23 = arith.muli %arg1, %mul3A_22 : i32
    %add3A_24 = arith.constant 512 : i32
    %add3A_25 = arith.addi %mul3A_23, %add3A_24 : i32
    "tpu.region"() ({
      %run_scoped3A_158 = tpu.sem_alloc : memref<!tpu.dma_semaphore, #tpu.memory_space<semaphore_mem>>
      %dma_start3A_159 = arith.constant 0 : i32
      %dma_start3A_160 = tpu.memref_slice %arg12[%add3A_25, %dma_start3A_159] : memref<10240x64xf32, #tpu.memory_space<vmem_shared>> -> memref<128x64xf32, #tpu.memory_space<vmem_shared>>
      %dma_start3A_161 = arith.constant 0 : i32
      %dma_start3A_162 = tpu.memref_slice %arg12[%add3A_25, %dma_start3A_161] : memref<10240x64xf32, #tpu.memory_space<vmem_shared>> -> memref<128x64xf32, #tpu.memory_space<vmem_shared>>
      tpu.enqueue_dma source(%arg8 : memref<128x64xf32, #tpu.memory_space<vmem>>) target(%dma_start3A_162 : memref<128x64xf32, #tpu.memory_space<vmem_shared>>) target_semaphore(%run_scoped3A_158 : memref<!tpu.dma_semaphore, #tpu.memory_space<semaphore_mem>>)
      %dma_wait3A_163 = arith.constant 0 : i32
      %dma_wait3A_164 = tpu.memref_slice %arg12[%add3A_25, %dma_wait3A_163] : memref<10240x64xf32, #tpu.memory_space<vmem_shared>> -> memref<128x64xf32, #tpu.memory_space<vmem_shared>>
      %dma_wait3A_165 = arith.constant 0 : i32
      %dma_wait3A_166 = tpu.memref_slice %arg12[%add3A_25, %dma_wait3A_165] : memref<10240x64xf32, #tpu.memory_space<vmem_shared>> -> memref<128x64xf32, #tpu.memory_space<vmem_shared>>
      tpu.wait_dma2 semaphore(%run_scoped3A_158 : memref<!tpu.dma_semaphore, #tpu.memory_space<semaphore_mem>>) src(%arg8 : memref<128x64xf32, #tpu.memory_space<vmem>>) dst(%dma_wait3A_166 : memref<128x64xf32, #tpu.memory_space<vmem_shared>>)
      tpu.yield
    }) : () -> ()
    %mul3A_26 = arith.constant 80 : i32
    %mul3A_27 = arith.muli %add3A, %mul3A_26 : i32
    "tpu.region"() ({
      %run_scoped3A_158 = tpu.sem_alloc : memref<!tpu.dma_semaphore, #tpu.memory_space<semaphore_mem>>
      %dma_start3A_159 = arith.constant 0 : i32
      %dma_start3A_160 = tpu.memref_slice %arg3[%mul3A_27, %dma_start3A_159] : memref<2560x128xi32, #tpu.memory_space<hbm>> -> memref<80x128xi32, #tpu.memory_space<hbm>>
      %dma_start3A_161 = arith.constant 0 : i32
      %dma_start3A_162 = tpu.memref_slice %arg3[%mul3A_27, %dma_start3A_161] : memref<2560x128xi32, #tpu.memory_space<hbm>> -> memref<80x128xi32, #tpu.memory_space<hbm>>
      tpu.enqueue_dma source(%dma_start3A_162 : memref<80x128xi32, #tpu.memory_space<hbm>>) target(%arg6 : memref<80x128xi32, #tpu.memory_space<vmem>>) target_semaphore(%run_scoped3A_158 : memref<!tpu.dma_semaphore, #tpu.memory_space<semaphore_mem>>)
      %dma_wait3A_163 = arith.constant 0 : i32
      %dma_wait3A_164 = tpu.memref_slice %arg3[%mul3A_27, %dma_wait3A_163] : memref<2560x128xi32, #tpu.memory_space<hbm>> -> memref<80x128xi32, #tpu.memory_space<hbm>>
      %dma_wait3A_165 = arith.constant 0 : i32
      %dma_wait3A_166 = tpu.memref_slice %arg3[%mul3A_27, %dma_wait3A_165] : memref<2560x128xi32, #tpu.memory_space<hbm>> -> memref<80x128xi32, #tpu.memory_space<hbm>>
      tpu.wait_dma2 semaphore(%run_scoped3A_158 : memref<!tpu.dma_semaphore, #tpu.memory_space<semaphore_mem>>) src(%dma_wait3A_166 : memref<80x128xi32, #tpu.memory_space<hbm>>) dst(%arg6 : memref<80x128xi32, #tpu.memory_space<vmem>>)
      tpu.yield
    }) : () -> ()
    %mul3A_28 = arith.constant 80 : i32
    %mul3A_29 = arith.muli %add3A, %mul3A_28 : i32
    "tpu.region"() ({
      %run_scoped3A_158 = tpu.sem_alloc : memref<!tpu.dma_semaphore, #tpu.memory_space<semaphore_mem>>
      %dma_start3A_159 = arith.constant 0 : i32
      %dma_start3A_160 = tpu.memref_slice %arg4[%mul3A_29, %dma_start3A_159] : memref<2560x128xi32, #tpu.memory_space<hbm>> -> memref<80x128xi32, #tpu.memory_space<hbm>>
      %dma_start3A_161 = arith.constant 0 : i32
      %dma_start3A_162 = tpu.memref_slice %arg4[%mul3A_29, %dma_start3A_161] : memref<2560x128xi32, #tpu.memory_space<hbm>> -> memref<80x128xi32, #tpu.memory_space<hbm>>
      tpu.enqueue_dma source(%dma_start3A_162 : memref<80x128xi32, #tpu.memory_space<hbm>>) target(%arg7 : memref<80x128xi32, #tpu.memory_space<vmem>>) target_semaphore(%run_scoped3A_158 : memref<!tpu.dma_semaphore, #tpu.memory_space<semaphore_mem>>)
      %dma_wait3A_163 = arith.constant 0 : i32
      %dma_wait3A_164 = tpu.memref_slice %arg4[%mul3A_29, %dma_wait3A_163] : memref<2560x128xi32, #tpu.memory_space<hbm>> -> memref<80x128xi32, #tpu.memory_space<hbm>>
      %dma_wait3A_165 = arith.constant 0 : i32
      %dma_wait3A_166 = tpu.memref_slice %arg4[%mul3A_29, %dma_wait3A_165] : memref<2560x128xi32, #tpu.memory_space<hbm>> -> memref<80x128xi32, #tpu.memory_space<hbm>>
      tpu.wait_dma2 semaphore(%run_scoped3A_158 : memref<!tpu.dma_semaphore, #tpu.memory_space<semaphore_mem>>) src(%dma_wait3A_166 : memref<80x128xi32, #tpu.memory_space<hbm>>) dst(%arg7 : memref<80x128xi32, #tpu.memory_space<vmem>>)
      tpu.yield
    }) : () -> ()
    %barrier3A = arith.constant 0 : index
    tpu.barrier barrier_id(%barrier3A)
    %dma_start3A = arith.constant 0 : i32
    %dma_start3A_30 = arith.constant 0 : i32
    %dma_start3A_31 = tpu.memref_slice %arg6[%dma_start3A, %dma_start3A_30] : memref<80x128xi32, #tpu.memory_space<vmem>> -> memref<1x128xi32, #tpu.memory_space<vmem>>
    %dma_start3A_32 = tpu.memref_squeeze %dma_start3A_31 : memref<1x128xi32, #tpu.memory_space<vmem>> -> memref<128xi32, #tpu.memory_space<vmem>>
    %dma_start3A_33 = arith.constant 0 : i32
    %dma_start3A_34 = arith.constant 0 : i32
    %dma_start3A_35 = tpu.memref_slice %arg2[%dma_start3A_33, %dma_start3A_34] : memref<10240x64xf32, #tpu.memory_space<hbm>> -> memref<10240x64xf32, #tpu.memory_space<hbm>>
    tpu.enqueue_indirect_dma source(%dma_start3A_35 : memref<10240x64xf32, #tpu.memory_space<hbm>>) target(%arg8 : memref<128x64xf32, #tpu.memory_space<vmem>>) offsets(%dma_start3A_32 : memref<128xi32, #tpu.memory_space<vmem>>) semaphore(%arg13 : memref<!tpu.dma_semaphore, #tpu.memory_space<semaphore_mem>>)
    %dma_start3A_36 = arith.constant 1 : i32
    %dma_start3A_37 = arith.constant 0 : i32
    %dma_start3A_38 = tpu.memref_slice %arg6[%dma_start3A_36, %dma_start3A_37] : memref<80x128xi32, #tpu.memory_space<vmem>> -> memref<1x128xi32, #tpu.memory_space<vmem>>
    %dma_start3A_39 = tpu.memref_squeeze %dma_start3A_38 : memref<1x128xi32, #tpu.memory_space<vmem>> -> memref<128xi32, #tpu.memory_space<vmem>>
    %dma_start3A_40 = arith.constant 0 : i32
    %dma_start3A_41 = arith.constant 0 : i32
    %dma_start3A_42 = tpu.memref_slice %arg2[%dma_start3A_40, %dma_start3A_41] : memref<10240x64xf32, #tpu.memory_space<hbm>> -> memref<10240x64xf32, #tpu.memory_space<hbm>>
    tpu.enqueue_indirect_dma source(%dma_start3A_42 : memref<10240x64xf32, #tpu.memory_space<hbm>>) target(%arg9 : memref<128x64xf32, #tpu.memory_space<vmem>>) offsets(%dma_start3A_39 : memref<128xi32, #tpu.memory_space<vmem>>) semaphore(%arg14 : memref<!tpu.dma_semaphore, #tpu.memory_space<semaphore_mem>>)
    %dma_start3A_43 = arith.constant 2 : i32
    %dma_start3A_44 = arith.constant 0 : i32
    %dma_start3A_45 = tpu.memref_slice %arg6[%dma_start3A_43, %dma_start3A_44] : memref<80x128xi32, #tpu.memory_space<vmem>> -> memref<1x128xi32, #tpu.memory_space<vmem>>
    %dma_start3A_46 = tpu.memref_squeeze %dma_start3A_45 : memref<1x128xi32, #tpu.memory_space<vmem>> -> memref<128xi32, #tpu.memory_space<vmem>>
    %dma_start3A_47 = arith.constant 0 : i32
    %dma_start3A_48 = arith.constant 0 : i32
    %dma_start3A_49 = tpu.memref_slice %arg2[%dma_start3A_47, %dma_start3A_48] : memref<10240x64xf32, #tpu.memory_space<hbm>> -> memref<10240x64xf32, #tpu.memory_space<hbm>>
    tpu.enqueue_indirect_dma source(%dma_start3A_49 : memref<10240x64xf32, #tpu.memory_space<hbm>>) target(%arg10 : memref<128x64xf32, #tpu.memory_space<vmem>>) offsets(%dma_start3A_46 : memref<128xi32, #tpu.memory_space<vmem>>) semaphore(%arg15 : memref<!tpu.dma_semaphore, #tpu.memory_space<semaphore_mem>>)
    %dma_start3A_50 = arith.constant 3 : i32
    %dma_start3A_51 = arith.constant 0 : i32
    %dma_start3A_52 = tpu.memref_slice %arg6[%dma_start3A_50, %dma_start3A_51] : memref<80x128xi32, #tpu.memory_space<vmem>> -> memref<1x128xi32, #tpu.memory_space<vmem>>
    %dma_start3A_53 = tpu.memref_squeeze %dma_start3A_52 : memref<1x128xi32, #tpu.memory_space<vmem>> -> memref<128xi32, #tpu.memory_space<vmem>>
    %dma_start3A_54 = arith.constant 0 : i32
    %dma_start3A_55 = arith.constant 0 : i32
    %dma_start3A_56 = tpu.memref_slice %arg2[%dma_start3A_54, %dma_start3A_55] : memref<10240x64xf32, #tpu.memory_space<hbm>> -> memref<10240x64xf32, #tpu.memory_space<hbm>>
    tpu.enqueue_indirect_dma source(%dma_start3A_56 : memref<10240x64xf32, #tpu.memory_space<hbm>>) target(%arg11 : memref<128x64xf32, #tpu.memory_space<vmem>>) offsets(%dma_start3A_53 : memref<128xi32, #tpu.memory_space<vmem>>) semaphore(%arg16 : memref<!tpu.dma_semaphore, #tpu.memory_space<semaphore_mem>>)
    %dma_wait3A = arith.constant 0 : i32
    %dma_wait3A_57 = arith.constant 0 : i32
    %dma_wait3A_58 = tpu.memref_slice %arg6[%dma_wait3A, %dma_wait3A_57] : memref<80x128xi32, #tpu.memory_space<vmem>> -> memref<1x128xi32, #tpu.memory_space<vmem>>
    %dma_wait3A_59 = tpu.memref_squeeze %dma_wait3A_58 : memref<1x128xi32, #tpu.memory_space<vmem>> -> memref<128xi32, #tpu.memory_space<vmem>>
    %dma_wait3A_60 = arith.constant 0 : i32
    %dma_wait3A_61 = arith.constant 0 : i32
    %dma_wait3A_62 = tpu.memref_slice %arg2[%dma_wait3A_60, %dma_wait3A_61] : memref<10240x64xf32, #tpu.memory_space<hbm>> -> memref<10240x64xf32, #tpu.memory_space<hbm>>
    tpu.wait_indirect_dma semaphore(%arg13 : memref<!tpu.dma_semaphore, #tpu.memory_space<semaphore_mem>>) src(%dma_wait3A_62 : memref<10240x64xf32, #tpu.memory_space<hbm>>) dst(%arg8 : memref<128x64xf32, #tpu.memory_space<vmem>>)
    %run_scoped3A = arith.constant 0 : i32
    "tpu.region"() ({
      %run_scoped3A_158 = tpu.sem_alloc : memref<!tpu.dma_semaphore, #tpu.memory_space<semaphore_mem>>
      %dma_start3A_159 = arith.constant 0 : i32
      %dma_start3A_160 = tpu.memref_slice %arg7[%run_scoped3A, %dma_start3A_159] : memref<80x128xi32, #tpu.memory_space<vmem>> -> memref<1x128xi32, #tpu.memory_space<vmem>>
      %dma_start3A_161 = tpu.memref_squeeze %dma_start3A_160 : memref<1x128xi32, #tpu.memory_space<vmem>> -> memref<128xi32, #tpu.memory_space<vmem>>
      %dma_start3A_162 = arith.constant 0 : i32
      %dma_start3A_163 = arith.constant 0 : i32
      %dma_start3A_164 = tpu.memref_slice %arg12[%dma_start3A_162, %dma_start3A_163] : memref<10240x64xf32, #tpu.memory_space<vmem_shared>> -> memref<10240x64xf32, #tpu.memory_space<vmem_shared>>
      tpu.enqueue_indirect_dma source(%arg8 : memref<128x64xf32, #tpu.memory_space<vmem>>) target(%dma_start3A_164 : memref<10240x64xf32, #tpu.memory_space<vmem_shared>>) offsets(%dma_start3A_161 : memref<128xi32, #tpu.memory_space<vmem>>) semaphore(%run_scoped3A_158 : memref<!tpu.dma_semaphore, #tpu.memory_space<semaphore_mem>>) {add = true}
      %dma_wait3A_165 = arith.constant 0 : i32
      %dma_wait3A_166 = tpu.memref_slice %arg7[%run_scoped3A, %dma_wait3A_165] : memref<80x128xi32, #tpu.memory_space<vmem>> -> memref<1x128xi32, #tpu.memory_space<vmem>>
      %dma_wait3A_167 = tpu.memref_squeeze %dma_wait3A_166 : memref<1x128xi32, #tpu.memory_space<vmem>> -> memref<128xi32, #tpu.memory_space<vmem>>
      %dma_wait3A_168 = arith.constant 0 : i32
      %dma_wait3A_169 = arith.constant 0 : i32
      %dma_wait3A_170 = tpu.memref_slice %arg12[%dma_wait3A_168, %dma_wait3A_169] : memref<10240x64xf32, #tpu.memory_space<vmem_shared>> -> memref<10240x64xf32, #tpu.memory_space<vmem_shared>>
      tpu.wait_indirect_dma semaphore(%run_scoped3A_158 : memref<!tpu.dma_semaphore, #tpu.memory_space<semaphore_mem>>) src(%arg8 : memref<128x64xf32, #tpu.memory_space<vmem>>) dst(%dma_wait3A_170 : memref<10240x64xf32, #tpu.memory_space<vmem_shared>>)
      tpu.yield
    }) : () -> ()
    %dma_start3A_63 = arith.constant 4 : i32
    %dma_start3A_64 = arith.constant 0 : i32
    %dma_start3A_65 = tpu.memref_slice %arg6[%dma_start3A_63, %dma_start3A_64] : memref<80x128xi32, #tpu.memory_space<vmem>> -> memref<1x128xi32, #tpu.memory_space<vmem>>
    %dma_start3A_66 = tpu.memref_squeeze %dma_start3A_65 : memref<1x128xi32, #tpu.memory_space<vmem>> -> memref<128xi32, #tpu.memory_space<vmem>>
    %dma_start3A_67 = arith.constant 0 : i32
    %dma_start3A_68 = arith.constant 0 : i32
    %dma_start3A_69 = tpu.memref_slice %arg2[%dma_start3A_67, %dma_start3A_68] : memref<10240x64xf32, #tpu.memory_space<hbm>> -> memref<10240x64xf32, #tpu.memory_space<hbm>>
    tpu.enqueue_indirect_dma source(%dma_start3A_69 : memref<10240x64xf32, #tpu.memory_space<hbm>>) target(%arg8 : memref<128x64xf32, #tpu.memory_space<vmem>>) offsets(%dma_start3A_66 : memref<128xi32, #tpu.memory_space<vmem>>) semaphore(%arg13 : memref<!tpu.dma_semaphore, #tpu.memory_space<semaphore_mem>>)
    %dma_wait3A_70 = arith.constant 1 : i32
    %dma_wait3A_71 = arith.constant 0 : i32
    %dma_wait3A_72 = tpu.memref_slice %arg6[%dma_wait3A_70, %dma_wait3A_71] : memref<80x128xi32, #tpu.memory_space<vmem>> -> memref<1x128xi32, #tpu.memory_space<vmem>>
    %dma_wait3A_73 = tpu.memref_squeeze %dma_wait3A_72 : memref<1x128xi32, #tpu.memory_space<vmem>> -> memref<128xi32, #tpu.memory_space<vmem>>
    %dma_wait3A_74 = arith.constant 0 : i32
    %dma_wait3A_75 = arith.constant 0 : i32
    %dma_wait3A_76 = tpu.memref_slice %arg2[%dma_wait3A_74, %dma_wait3A_75] : memref<10240x64xf32, #tpu.memory_space<hbm>> -> memref<10240x64xf32, #tpu.memory_space<hbm>>
    tpu.wait_indirect_dma semaphore(%arg14 : memref<!tpu.dma_semaphore, #tpu.memory_space<semaphore_mem>>) src(%dma_wait3A_76 : memref<10240x64xf32, #tpu.memory_space<hbm>>) dst(%arg9 : memref<128x64xf32, #tpu.memory_space<vmem>>)
    %run_scoped3A_77 = arith.constant 1 : i32
    "tpu.region"() ({
      %run_scoped3A_158 = tpu.sem_alloc : memref<!tpu.dma_semaphore, #tpu.memory_space<semaphore_mem>>
      %dma_start3A_159 = arith.constant 0 : i32
      %dma_start3A_160 = tpu.memref_slice %arg7[%run_scoped3A_77, %dma_start3A_159] : memref<80x128xi32, #tpu.memory_space<vmem>> -> memref<1x128xi32, #tpu.memory_space<vmem>>
      %dma_start3A_161 = tpu.memref_squeeze %dma_start3A_160 : memref<1x128xi32, #tpu.memory_space<vmem>> -> memref<128xi32, #tpu.memory_space<vmem>>
      %dma_start3A_162 = arith.constant 0 : i32
      %dma_start3A_163 = arith.constant 0 : i32
      %dma_start3A_164 = tpu.memref_slice %arg12[%dma_start3A_162, %dma_start3A_163] : memref<10240x64xf32, #tpu.memory_space<vmem_shared>> -> memref<10240x64xf32, #tpu.memory_space<vmem_shared>>
      tpu.enqueue_indirect_dma source(%arg9 : memref<128x64xf32, #tpu.memory_space<vmem>>) target(%dma_start3A_164 : memref<10240x64xf32, #tpu.memory_space<vmem_shared>>) offsets(%dma_start3A_161 : memref<128xi32, #tpu.memory_space<vmem>>) semaphore(%run_scoped3A_158 : memref<!tpu.dma_semaphore, #tpu.memory_space<semaphore_mem>>) {add = true}
      %dma_wait3A_165 = arith.constant 0 : i32
      %dma_wait3A_166 = tpu.memref_slice %arg7[%run_scoped3A_77, %dma_wait3A_165] : memref<80x128xi32, #tpu.memory_space<vmem>> -> memref<1x128xi32, #tpu.memory_space<vmem>>
      %dma_wait3A_167 = tpu.memref_squeeze %dma_wait3A_166 : memref<1x128xi32, #tpu.memory_space<vmem>> -> memref<128xi32, #tpu.memory_space<vmem>>
      %dma_wait3A_168 = arith.constant 0 : i32
      %dma_wait3A_169 = arith.constant 0 : i32
      %dma_wait3A_170 = tpu.memref_slice %arg12[%dma_wait3A_168, %dma_wait3A_169] : memref<10240x64xf32, #tpu.memory_space<vmem_shared>> -> memref<10240x64xf32, #tpu.memory_space<vmem_shared>>
      tpu.wait_indirect_dma semaphore(%run_scoped3A_158 : memref<!tpu.dma_semaphore, #tpu.memory_space<semaphore_mem>>) src(%arg9 : memref<128x64xf32, #tpu.memory_space<vmem>>) dst(%dma_wait3A_170 : memref<10240x64xf32, #tpu.memory_space<vmem_shared>>)
      tpu.yield
    }) : () -> ()
    %dma_start3A_78 = arith.constant 5 : i32
    %dma_start3A_79 = arith.constant 0 : i32
    %dma_start3A_80 = tpu.memref_slice %arg6[%dma_start3A_78, %dma_start3A_79] : memref<80x128xi32, #tpu.memory_space<vmem>> -> memref<1x128xi32, #tpu.memory_space<vmem>>
    %dma_start3A_81 = tpu.memref_squeeze %dma_start3A_80 : memref<1x128xi32, #tpu.memory_space<vmem>> -> memref<128xi32, #tpu.memory_space<vmem>>
    %dma_start3A_82 = arith.constant 0 : i32
    %dma_start3A_83 = arith.constant 0 : i32
    %dma_start3A_84 = tpu.memref_slice %arg2[%dma_start3A_82, %dma_start3A_83] : memref<10240x64xf32, #tpu.memory_space<hbm>> -> memref<10240x64xf32, #tpu.memory_space<hbm>>
    tpu.enqueue_indirect_dma source(%dma_start3A_84 : memref<10240x64xf32, #tpu.memory_space<hbm>>) target(%arg9 : memref<128x64xf32, #tpu.memory_space<vmem>>) offsets(%dma_start3A_81 : memref<128xi32, #tpu.memory_space<vmem>>) semaphore(%arg14 : memref<!tpu.dma_semaphore, #tpu.memory_space<semaphore_mem>>)
    %dma_wait3A_85 = arith.constant 2 : i32
    %dma_wait3A_86 = arith.constant 0 : i32
    %dma_wait3A_87 = tpu.memref_slice %arg6[%dma_wait3A_85, %dma_wait3A_86] : memref<80x128xi32, #tpu.memory_space<vmem>> -> memref<1x128xi32, #tpu.memory_space<vmem>>
    %dma_wait3A_88 = tpu.memref_squeeze %dma_wait3A_87 : memref<1x128xi32, #tpu.memory_space<vmem>> -> memref<128xi32, #tpu.memory_space<vmem>>
    %dma_wait3A_89 = arith.constant 0 : i32
    %dma_wait3A_90 = arith.constant 0 : i32
    %dma_wait3A_91 = tpu.memref_slice %arg2[%dma_wait3A_89, %dma_wait3A_90] : memref<10240x64xf32, #tpu.memory_space<hbm>> -> memref<10240x64xf32, #tpu.memory_space<hbm>>
    tpu.wait_indirect_dma semaphore(%arg15 : memref<!tpu.dma_semaphore, #tpu.memory_space<semaphore_mem>>) src(%dma_wait3A_91 : memref<10240x64xf32, #tpu.memory_space<hbm>>) dst(%arg10 : memref<128x64xf32, #tpu.memory_space<vmem>>)
    %run_scoped3A_92 = arith.constant 2 : i32
    "tpu.region"() ({
      %run_scoped3A_158 = tpu.sem_alloc : memref<!tpu.dma_semaphore, #tpu.memory_space<semaphore_mem>>
      %dma_start3A_159 = arith.constant 0 : i32
      %dma_start3A_160 = tpu.memref_slice %arg7[%run_scoped3A_92, %dma_start3A_159] : memref<80x128xi32, #tpu.memory_space<vmem>> -> memref<1x128xi32, #tpu.memory_space<vmem>>
      %dma_start3A_161 = tpu.memref_squeeze %dma_start3A_160 : memref<1x128xi32, #tpu.memory_space<vmem>> -> memref<128xi32, #tpu.memory_space<vmem>>
      %dma_start3A_162 = arith.constant 0 : i32
      %dma_start3A_163 = arith.constant 0 : i32
      %dma_start3A_164 = tpu.memref_slice %arg12[%dma_start3A_162, %dma_start3A_163] : memref<10240x64xf32, #tpu.memory_space<vmem_shared>> -> memref<10240x64xf32, #tpu.memory_space<vmem_shared>>
      tpu.enqueue_indirect_dma source(%arg10 : memref<128x64xf32, #tpu.memory_space<vmem>>) target(%dma_start3A_164 : memref<10240x64xf32, #tpu.memory_space<vmem_shared>>) offsets(%dma_start3A_161 : memref<128xi32, #tpu.memory_space<vmem>>) semaphore(%run_scoped3A_158 : memref<!tpu.dma_semaphore, #tpu.memory_space<semaphore_mem>>) {add = true}
      %dma_wait3A_165 = arith.constant 0 : i32
      %dma_wait3A_166 = tpu.memref_slice %arg7[%run_scoped3A_92, %dma_wait3A_165] : memref<80x128xi32, #tpu.memory_space<vmem>> -> memref<1x128xi32, #tpu.memory_space<vmem>>
      %dma_wait3A_167 = tpu.memref_squeeze %dma_wait3A_166 : memref<1x128xi32, #tpu.memory_space<vmem>> -> memref<128xi32, #tpu.memory_space<vmem>>
      %dma_wait3A_168 = arith.constant 0 : i32
      %dma_wait3A_169 = arith.constant 0 : i32
      %dma_wait3A_170 = tpu.memref_slice %arg12[%dma_wait3A_168, %dma_wait3A_169] : memref<10240x64xf32, #tpu.memory_space<vmem_shared>> -> memref<10240x64xf32, #tpu.memory_space<vmem_shared>>
      tpu.wait_indirect_dma semaphore(%run_scoped3A_158 : memref<!tpu.dma_semaphore, #tpu.memory_space<semaphore_mem>>) src(%arg10 : memref<128x64xf32, #tpu.memory_space<vmem>>) dst(%dma_wait3A_170 : memref<10240x64xf32, #tpu.memory_space<vmem_shared>>)
      tpu.yield
    }) : () -> ()
    %dma_start3A_93 = arith.constant 6 : i32
    %dma_start3A_94 = arith.constant 0 : i32
    %dma_start3A_95 = tpu.memref_slice %arg6[%dma_start3A_93, %dma_start3A_94] : memref<80x128xi32, #tpu.memory_space<vmem>> -> memref<1x128xi32, #tpu.memory_space<vmem>>
    %dma_start3A_96 = tpu.memref_squeeze %dma_start3A_95 : memref<1x128xi32, #tpu.memory_space<vmem>> -> memref<128xi32, #tpu.memory_space<vmem>>
    %dma_start3A_97 = arith.constant 0 : i32
    %dma_start3A_98 = arith.constant 0 : i32
    %dma_start3A_99 = tpu.memref_slice %arg2[%dma_start3A_97, %dma_start3A_98] : memref<10240x64xf32, #tpu.memory_space<hbm>> -> memref<10240x64xf32, #tpu.memory_space<hbm>>
    tpu.enqueue_indirect_dma source(%dma_start3A_99 : memref<10240x64xf32, #tpu.memory_space<hbm>>) target(%arg10 : memref<128x64xf32, #tpu.memory_space<vmem>>) offsets(%dma_start3A_96 : memref<128xi32, #tpu.memory_space<vmem>>) semaphore(%arg15 : memref<!tpu.dma_semaphore, #tpu.memory_space<semaphore_mem>>)
    %dma_wait3A_100 = arith.constant 3 : i32
    %dma_wait3A_101 = arith.constant 0 : i32
    %dma_wait3A_102 = tpu.memref_slice %arg6[%dma_wait3A_100, %dma_wait3A_101] : memref<80x128xi32, #tpu.memory_space<vmem>> -> memref<1x128xi32, #tpu.memory_space<vmem>>
    %dma_wait3A_103 = tpu.memref_squeeze %dma_wait3A_102 : memref<1x128xi32, #tpu.memory_space<vmem>> -> memref<128xi32, #tpu.memory_space<vmem>>
    %dma_wait3A_104 = arith.constant 0 : i32
    %dma_wait3A_105 = arith.constant 0 : i32
    %dma_wait3A_106 = tpu.memref_slice %arg2[%dma_wait3A_104, %dma_wait3A_105] : memref<10240x64xf32, #tpu.memory_space<hbm>> -> memref<10240x64xf32, #tpu.memory_space<hbm>>
    tpu.wait_indirect_dma semaphore(%arg16 : memref<!tpu.dma_semaphore, #tpu.memory_space<semaphore_mem>>) src(%dma_wait3A_106 : memref<10240x64xf32, #tpu.memory_space<hbm>>) dst(%arg11 : memref<128x64xf32, #tpu.memory_space<vmem>>)
    %run_scoped3A_107 = arith.constant 3 : i32
    "tpu.region"() ({
      %run_scoped3A_158 = tpu.sem_alloc : memref<!tpu.dma_semaphore, #tpu.memory_space<semaphore_mem>>
      %dma_start3A_159 = arith.constant 0 : i32
      %dma_start3A_160 = tpu.memref_slice %arg7[%run_scoped3A_107, %dma_start3A_159] : memref<80x128xi32, #tpu.memory_space<vmem>> -> memref<1x128xi32, #tpu.memory_space<vmem>>
      %dma_start3A_161 = tpu.memref_squeeze %dma_start3A_160 : memref<1x128xi32, #tpu.memory_space<vmem>> -> memref<128xi32, #tpu.memory_space<vmem>>
      %dma_start3A_162 = arith.constant 0 : i32
      %dma_start3A_163 = arith.constant 0 : i32
      %dma_start3A_164 = tpu.memref_slice %arg12[%dma_start3A_162, %dma_start3A_163] : memref<10240x64xf32, #tpu.memory_space<vmem_shared>> -> memref<10240x64xf32, #tpu.memory_space<vmem_shared>>
      tpu.enqueue_indirect_dma source(%arg11 : memref<128x64xf32, #tpu.memory_space<vmem>>) target(%dma_start3A_164 : memref<10240x64xf32, #tpu.memory_space<vmem_shared>>) offsets(%dma_start3A_161 : memref<128xi32, #tpu.memory_space<vmem>>) semaphore(%run_scoped3A_158 : memref<!tpu.dma_semaphore, #tpu.memory_space<semaphore_mem>>) {add = true}
      %dma_wait3A_165 = arith.constant 0 : i32
      %dma_wait3A_166 = tpu.memref_slice %arg7[%run_scoped3A_107, %dma_wait3A_165] : memref<80x128xi32, #tpu.memory_space<vmem>> -> memref<1x128xi32, #tpu.memory_space<vmem>>
      %dma_wait3A_167 = tpu.memref_squeeze %dma_wait3A_166 : memref<1x128xi32, #tpu.memory_space<vmem>> -> memref<128xi32, #tpu.memory_space<vmem>>
      %dma_wait3A_168 = arith.constant 0 : i32
      %dma_wait3A_169 = arith.constant 0 : i32
      %dma_wait3A_170 = tpu.memref_slice %arg12[%dma_wait3A_168, %dma_wait3A_169] : memref<10240x64xf32, #tpu.memory_space<vmem_shared>> -> memref<10240x64xf32, #tpu.memory_space<vmem_shared>>
      tpu.wait_indirect_dma semaphore(%run_scoped3A_158 : memref<!tpu.dma_semaphore, #tpu.memory_space<semaphore_mem>>) src(%arg11 : memref<128x64xf32, #tpu.memory_space<vmem>>) dst(%dma_wait3A_170 : memref<10240x64xf32, #tpu.memory_space<vmem_shared>>)
      tpu.yield
    }) : () -> ()
    %scan3A_108 = arith.constant 0 : i32
    %scan3A_109 = arith.constant 1 : i32
    %scan3A_110 = arith.constant 18 : i32
    %scan3A_111 = arith.addi %scan3A_109, %scan3A_110 : i32
    %scan3A_112 = arith.constant 1 : i32
    scf.for %scan3A_158 = %scan3A_109 to %scan3A_111 step %scan3A_112  : i32 {
      %mul3A_159 = arith.constant 4 : i32
      %mul3A_160 = arith.muli %mul3A_159, %scan3A_158 : i32
      %add3A_161 = arith.constant 0 : i32
      %add3A_162 = arith.addi %mul3A_160, %add3A_161 : i32
      %add3A_163 = arith.constant 3 : i32
      %add3A_164 = arith.addi %add3A_162, %add3A_163 : i32
      %dma_start3A_165 = arith.constant 0 : i32
      %dma_start3A_166 = tpu.memref_slice %arg6[%add3A_164, %dma_start3A_165] : memref<80x128xi32, #tpu.memory_space<vmem>> -> memref<1x128xi32, #tpu.memory_space<vmem>>
      %dma_start3A_167 = tpu.memref_squeeze %dma_start3A_166 : memref<1x128xi32, #tpu.memory_space<vmem>> -> memref<128xi32, #tpu.memory_space<vmem>>
      %dma_start3A_168 = arith.constant 0 : i32
      %dma_start3A_169 = arith.constant 0 : i32
      %dma_start3A_170 = tpu.memref_slice %arg2[%dma_start3A_168, %dma_start3A_169] : memref<10240x64xf32, #tpu.memory_space<hbm>> -> memref<10240x64xf32, #tpu.memory_space<hbm>>
      tpu.enqueue_indirect_dma source(%dma_start3A_170 : memref<10240x64xf32, #tpu.memory_space<hbm>>) target(%arg11 : memref<128x64xf32, #tpu.memory_space<vmem>>) offsets(%dma_start3A_167 : memref<128xi32, #tpu.memory_space<vmem>>) semaphore(%arg16 : memref<!tpu.dma_semaphore, #tpu.memory_space<semaphore_mem>>)
      %dma_wait3A_171 = arith.constant 0 : i32
      %dma_wait3A_172 = tpu.memref_slice %arg6[%add3A_162, %dma_wait3A_171] : memref<80x128xi32, #tpu.memory_space<vmem>> -> memref<1x128xi32, #tpu.memory_space<vmem>>
      %dma_wait3A_173 = tpu.memref_squeeze %dma_wait3A_172 : memref<1x128xi32, #tpu.memory_space<vmem>> -> memref<128xi32, #tpu.memory_space<vmem>>
      %dma_wait3A_174 = arith.constant 0 : i32
      %dma_wait3A_175 = arith.constant 0 : i32
      %dma_wait3A_176 = tpu.memref_slice %arg2[%dma_wait3A_174, %dma_wait3A_175] : memref<10240x64xf32, #tpu.memory_space<hbm>> -> memref<10240x64xf32, #tpu.memory_space<hbm>>
      tpu.wait_indirect_dma semaphore(%arg13 : memref<!tpu.dma_semaphore, #tpu.memory_space<semaphore_mem>>) src(%dma_wait3A_176 : memref<10240x64xf32, #tpu.memory_space<hbm>>) dst(%arg8 : memref<128x64xf32, #tpu.memory_space<vmem>>)
      "tpu.region"() ({
        %run_scoped3A_231 = tpu.sem_alloc : memref<!tpu.dma_semaphore, #tpu.memory_space<semaphore_mem>>
        %dma_start3A_232 = arith.constant 0 : i32
        %dma_start3A_233 = tpu.memref_slice %arg7[%add3A_162, %dma_start3A_232] : memref<80x128xi32, #tpu.memory_space<vmem>> -> memref<1x128xi32, #tpu.memory_space<vmem>>
        %dma_start3A_234 = tpu.memref_squeeze %dma_start3A_233 : memref<1x128xi32, #tpu.memory_space<vmem>> -> memref<128xi32, #tpu.memory_space<vmem>>
        %dma_start3A_235 = arith.constant 0 : i32
        %dma_start3A_236 = arith.constant 0 : i32
        %dma_start3A_237 = tpu.memref_slice %arg12[%dma_start3A_235, %dma_start3A_236] : memref<10240x64xf32, #tpu.memory_space<vmem_shared>> -> memref<10240x64xf32, #tpu.memory_space<vmem_shared>>
        tpu.enqueue_indirect_dma source(%arg8 : memref<128x64xf32, #tpu.memory_space<vmem>>) target(%dma_start3A_237 : memref<10240x64xf32, #tpu.memory_space<vmem_shared>>) offsets(%dma_start3A_234 : memref<128xi32, #tpu.memory_space<vmem>>) semaphore(%run_scoped3A_231 : memref<!tpu.dma_semaphore, #tpu.memory_space<semaphore_mem>>) {add = true}
        %dma_wait3A_238 = arith.constant 0 : i32
        %dma_wait3A_239 = tpu.memref_slice %arg7[%add3A_162, %dma_wait3A_238] : memref<80x128xi32, #tpu.memory_space<vmem>> -> memref<1x128xi32, #tpu.memory_space<vmem>>
        %dma_wait3A_240 = tpu.memref_squeeze %dma_wait3A_239 : memref<1x128xi32, #tpu.memory_space<vmem>> -> memref<128xi32, #tpu.memory_space<vmem>>
        %dma_wait3A_241 = arith.constant 0 : i32
        %dma_wait3A_242 = arith.constant 0 : i32
        %dma_wait3A_243 = tpu.memref_slice %arg12[%dma_wait3A_241, %dma_wait3A_242] : memref<10240x64xf32, #tpu.memory_space<vmem_shared>> -> memref<10240x64xf32, #tpu.memory_space<vmem_shared>>
        tpu.wait_indirect_dma semaphore(%run_scoped3A_231 : memref<!tpu.dma_semaphore, #tpu.memory_space<semaphore_mem>>) src(%arg8 : memref<128x64xf32, #tpu.memory_space<vmem>>) dst(%dma_wait3A_243 : memref<10240x64xf32, #tpu.memory_space<vmem_shared>>)
        tpu.yield
      }) : () -> ()
      %mul3A_177 = arith.constant 4 : i32
      %mul3A_178 = arith.muli %mul3A_177, %scan3A_158 : i32
      %add3A_179 = arith.constant 1 : i32
      %add3A_180 = arith.addi %mul3A_178, %add3A_179 : i32
      %add3A_181 = arith.constant 3 : i32
      %add3A_182 = arith.addi %add3A_180, %add3A_181 : i32
      %dma_start3A_183 = arith.constant 0 : i32
      %dma_start3A_184 = tpu.memref_slice %arg6[%add3A_182, %dma_start3A_183] : memref<80x128xi32, #tpu.memory_space<vmem>> -> memref<1x128xi32, #tpu.memory_space<vmem>>
      %dma_start3A_185 = tpu.memref_squeeze %dma_start3A_184 : memref<1x128xi32, #tpu.memory_space<vmem>> -> memref<128xi32, #tpu.memory_space<vmem>>
      %dma_start3A_186 = arith.constant 0 : i32
      %dma_start3A_187 = arith.constant 0 : i32
      %dma_start3A_188 = tpu.memref_slice %arg2[%dma_start3A_186, %dma_start3A_187] : memref<10240x64xf32, #tpu.memory_space<hbm>> -> memref<10240x64xf32, #tpu.memory_space<hbm>>
      tpu.enqueue_indirect_dma source(%dma_start3A_188 : memref<10240x64xf32, #tpu.memory_space<hbm>>) target(%arg8 : memref<128x64xf32, #tpu.memory_space<vmem>>) offsets(%dma_start3A_185 : memref<128xi32, #tpu.memory_space<vmem>>) semaphore(%arg13 : memref<!tpu.dma_semaphore, #tpu.memory_space<semaphore_mem>>)
      %dma_wait3A_189 = arith.constant 0 : i32
      %dma_wait3A_190 = tpu.memref_slice %arg6[%add3A_180, %dma_wait3A_189] : memref<80x128xi32, #tpu.memory_space<vmem>> -> memref<1x128xi32, #tpu.memory_space<vmem>>
      %dma_wait3A_191 = tpu.memref_squeeze %dma_wait3A_190 : memref<1x128xi32, #tpu.memory_space<vmem>> -> memref<128xi32, #tpu.memory_space<vmem>>
      %dma_wait3A_192 = arith.constant 0 : i32
      %dma_wait3A_193 = arith.constant 0 : i32
      %dma_wait3A_194 = tpu.memref_slice %arg2[%dma_wait3A_192, %dma_wait3A_193] : memref<10240x64xf32, #tpu.memory_space<hbm>> -> memref<10240x64xf32, #tpu.memory_space<hbm>>
      tpu.wait_indirect_dma semaphore(%arg14 : memref<!tpu.dma_semaphore, #tpu.memory_space<semaphore_mem>>) src(%dma_wait3A_194 : memref<10240x64xf32, #tpu.memory_space<hbm>>) dst(%arg9 : memref<128x64xf32, #tpu.memory_space<vmem>>)
      "tpu.region"() ({
        %run_scoped3A_231 = tpu.sem_alloc : memref<!tpu.dma_semaphore, #tpu.memory_space<semaphore_mem>>
        %dma_start3A_232 = arith.constant 0 : i32
        %dma_start3A_233 = tpu.memref_slice %arg7[%add3A_180, %dma_start3A_232] : memref<80x128xi32, #tpu.memory_space<vmem>> -> memref<1x128xi32, #tpu.memory_space<vmem>>
        %dma_start3A_234 = tpu.memref_squeeze %dma_start3A_233 : memref<1x128xi32, #tpu.memory_space<vmem>> -> memref<128xi32, #tpu.memory_space<vmem>>
        %dma_start3A_235 = arith.constant 0 : i32
        %dma_start3A_236 = arith.constant 0 : i32
        %dma_start3A_237 = tpu.memref_slice %arg12[%dma_start3A_235, %dma_start3A_236] : memref<10240x64xf32, #tpu.memory_space<vmem_shared>> -> memref<10240x64xf32, #tpu.memory_space<vmem_shared>>
        tpu.enqueue_indirect_dma source(%arg9 : memref<128x64xf32, #tpu.memory_space<vmem>>) target(%dma_start3A_237 : memref<10240x64xf32, #tpu.memory_space<vmem_shared>>) offsets(%dma_start3A_234 : memref<128xi32, #tpu.memory_space<vmem>>) semaphore(%run_scoped3A_231 : memref<!tpu.dma_semaphore, #tpu.memory_space<semaphore_mem>>) {add = true}
        %dma_wait3A_238 = arith.constant 0 : i32
        %dma_wait3A_239 = tpu.memref_slice %arg7[%add3A_180, %dma_wait3A_238] : memref<80x128xi32, #tpu.memory_space<vmem>> -> memref<1x128xi32, #tpu.memory_space<vmem>>
        %dma_wait3A_240 = tpu.memref_squeeze %dma_wait3A_239 : memref<1x128xi32, #tpu.memory_space<vmem>> -> memref<128xi32, #tpu.memory_space<vmem>>
        %dma_wait3A_241 = arith.constant 0 : i32
        %dma_wait3A_242 = arith.constant 0 : i32
        %dma_wait3A_243 = tpu.memref_slice %arg12[%dma_wait3A_241, %dma_wait3A_242] : memref<10240x64xf32, #tpu.memory_space<vmem_shared>> -> memref<10240x64xf32, #tpu.memory_space<vmem_shared>>
        tpu.wait_indirect_dma semaphore(%run_scoped3A_231 : memref<!tpu.dma_semaphore, #tpu.memory_space<semaphore_mem>>) src(%arg9 : memref<128x64xf32, #tpu.memory_space<vmem>>) dst(%dma_wait3A_243 : memref<10240x64xf32, #tpu.memory_space<vmem_shared>>)
        tpu.yield
      }) : () -> ()
      %mul3A_195 = arith.constant 4 : i32
      %mul3A_196 = arith.muli %mul3A_195, %scan3A_158 : i32
      %add3A_197 = arith.constant 2 : i32
      %add3A_198 = arith.addi %mul3A_196, %add3A_197 : i32
      %add3A_199 = arith.constant 3 : i32
      %add3A_200 = arith.addi %add3A_198, %add3A_199 : i32
      %dma_start3A_201 = arith.constant 0 : i32
      %dma_start3A_202 = tpu.memref_slice %arg6[%add3A_200, %dma_start3A_201] : memref<80x128xi32, #tpu.memory_space<vmem>> -> memref<1x128xi32, #tpu.memory_space<vmem>>
      %dma_start3A_203 = tpu.memref_squeeze %dma_start3A_202 : memref<1x128xi32, #tpu.memory_space<vmem>> -> memref<128xi32, #tpu.memory_space<vmem>>
      %dma_start3A_204 = arith.constant 0 : i32
      %dma_start3A_205 = arith.constant 0 : i32
      %dma_start3A_206 = tpu.memref_slice %arg2[%dma_start3A_204, %dma_start3A_205] : memref<10240x64xf32, #tpu.memory_space<hbm>> -> memref<10240x64xf32, #tpu.memory_space<hbm>>
      tpu.enqueue_indirect_dma source(%dma_start3A_206 : memref<10240x64xf32, #tpu.memory_space<hbm>>) target(%arg9 : memref<128x64xf32, #tpu.memory_space<vmem>>) offsets(%dma_start3A_203 : memref<128xi32, #tpu.memory_space<vmem>>) semaphore(%arg14 : memref<!tpu.dma_semaphore, #tpu.memory_space<semaphore_mem>>)
      %dma_wait3A_207 = arith.constant 0 : i32
      %dma_wait3A_208 = tpu.memref_slice %arg6[%add3A_198, %dma_wait3A_207] : memref<80x128xi32, #tpu.memory_space<vmem>> -> memref<1x128xi32, #tpu.memory_space<vmem>>
      %dma_wait3A_209 = tpu.memref_squeeze %dma_wait3A_208 : memref<1x128xi32, #tpu.memory_space<vmem>> -> memref<128xi32, #tpu.memory_space<vmem>>
      %dma_wait3A_210 = arith.constant 0 : i32
      %dma_wait3A_211 = arith.constant 0 : i32
      %dma_wait3A_212 = tpu.memref_slice %arg2[%dma_wait3A_210, %dma_wait3A_211] : memref<10240x64xf32, #tpu.memory_space<hbm>> -> memref<10240x64xf32, #tpu.memory_space<hbm>>
      tpu.wait_indirect_dma semaphore(%arg15 : memref<!tpu.dma_semaphore, #tpu.memory_space<semaphore_mem>>) src(%dma_wait3A_212 : memref<10240x64xf32, #tpu.memory_space<hbm>>) dst(%arg10 : memref<128x64xf32, #tpu.memory_space<vmem>>)
      "tpu.region"() ({
        %run_scoped3A_231 = tpu.sem_alloc : memref<!tpu.dma_semaphore, #tpu.memory_space<semaphore_mem>>
        %dma_start3A_232 = arith.constant 0 : i32
        %dma_start3A_233 = tpu.memref_slice %arg7[%add3A_198, %dma_start3A_232] : memref<80x128xi32, #tpu.memory_space<vmem>> -> memref<1x128xi32, #tpu.memory_space<vmem>>
        %dma_start3A_234 = tpu.memref_squeeze %dma_start3A_233 : memref<1x128xi32, #tpu.memory_space<vmem>> -> memref<128xi32, #tpu.memory_space<vmem>>
        %dma_start3A_235 = arith.constant 0 : i32
        %dma_start3A_236 = arith.constant 0 : i32
        %dma_start3A_237 = tpu.memref_slice %arg12[%dma_start3A_235, %dma_start3A_236] : memref<10240x64xf32, #tpu.memory_space<vmem_shared>> -> memref<10240x64xf32, #tpu.memory_space<vmem_shared>>
        tpu.enqueue_indirect_dma source(%arg10 : memref<128x64xf32, #tpu.memory_space<vmem>>) target(%dma_start3A_237 : memref<10240x64xf32, #tpu.memory_space<vmem_shared>>) offsets(%dma_start3A_234 : memref<128xi32, #tpu.memory_space<vmem>>) semaphore(%run_scoped3A_231 : memref<!tpu.dma_semaphore, #tpu.memory_space<semaphore_mem>>) {add = true}
        %dma_wait3A_238 = arith.constant 0 : i32
        %dma_wait3A_239 = tpu.memref_slice %arg7[%add3A_198, %dma_wait3A_238] : memref<80x128xi32, #tpu.memory_space<vmem>> -> memref<1x128xi32, #tpu.memory_space<vmem>>
        %dma_wait3A_240 = tpu.memref_squeeze %dma_wait3A_239 : memref<1x128xi32, #tpu.memory_space<vmem>> -> memref<128xi32, #tpu.memory_space<vmem>>
        %dma_wait3A_241 = arith.constant 0 : i32
        %dma_wait3A_242 = arith.constant 0 : i32
        %dma_wait3A_243 = tpu.memref_slice %arg12[%dma_wait3A_241, %dma_wait3A_242] : memref<10240x64xf32, #tpu.memory_space<vmem_shared>> -> memref<10240x64xf32, #tpu.memory_space<vmem_shared>>
        tpu.wait_indirect_dma semaphore(%run_scoped3A_231 : memref<!tpu.dma_semaphore, #tpu.memory_space<semaphore_mem>>) src(%arg10 : memref<128x64xf32, #tpu.memory_space<vmem>>) dst(%dma_wait3A_243 : memref<10240x64xf32, #tpu.memory_space<vmem_shared>>)
        tpu.yield
      }) : () -> ()
      %mul3A_213 = arith.constant 4 : i32
      %mul3A_214 = arith.muli %mul3A_213, %scan3A_158 : i32
      %add3A_215 = arith.constant 3 : i32
      %add3A_216 = arith.addi %mul3A_214, %add3A_215 : i32
      %add3A_217 = arith.constant 3 : i32
      %add3A_218 = arith.addi %add3A_216, %add3A_217 : i32
      %dma_start3A_219 = arith.constant 0 : i32
      %dma_start3A_220 = tpu.memref_slice %arg6[%add3A_218, %dma_start3A_219] : memref<80x128xi32, #tpu.memory_space<vmem>> -> memref<1x128xi32, #tpu.memory_space<vmem>>
      %dma_start3A_221 = tpu.memref_squeeze %dma_start3A_220 : memref<1x128xi32, #tpu.memory_space<vmem>> -> memref<128xi32, #tpu.memory_space<vmem>>
      %dma_start3A_222 = arith.constant 0 : i32
      %dma_start3A_223 = arith.constant 0 : i32
      %dma_start3A_224 = tpu.memref_slice %arg2[%dma_start3A_222, %dma_start3A_223] : memref<10240x64xf32, #tpu.memory_space<hbm>> -> memref<10240x64xf32, #tpu.memory_space<hbm>>
      tpu.enqueue_indirect_dma source(%dma_start3A_224 : memref<10240x64xf32, #tpu.memory_space<hbm>>) target(%arg10 : memref<128x64xf32, #tpu.memory_space<vmem>>) offsets(%dma_start3A_221 : memref<128xi32, #tpu.memory_space<vmem>>) semaphore(%arg15 : memref<!tpu.dma_semaphore, #tpu.memory_space<semaphore_mem>>)
      %dma_wait3A_225 = arith.constant 0 : i32
      %dma_wait3A_226 = tpu.memref_slice %arg6[%add3A_216, %dma_wait3A_225] : memref<80x128xi32, #tpu.memory_space<vmem>> -> memref<1x128xi32, #tpu.memory_space<vmem>>
      %dma_wait3A_227 = tpu.memref_squeeze %dma_wait3A_226 : memref<1x128xi32, #tpu.memory_space<vmem>> -> memref<128xi32, #tpu.memory_space<vmem>>
      %dma_wait3A_228 = arith.constant 0 : i32
      %dma_wait3A_229 = arith.constant 0 : i32
      %dma_wait3A_230 = tpu.memref_slice %arg2[%dma_wait3A_228, %dma_wait3A_229] : memref<10240x64xf32, #tpu.memory_space<hbm>> -> memref<10240x64xf32, #tpu.memory_space<hbm>>
      tpu.wait_indirect_dma semaphore(%arg16 : memref<!tpu.dma_semaphore, #tpu.memory_space<semaphore_mem>>) src(%dma_wait3A_230 : memref<10240x64xf32, #tpu.memory_space<hbm>>) dst(%arg11 : memref<128x64xf32, #tpu.memory_space<vmem>>)
      "tpu.region"() ({
        %run_scoped3A_231 = tpu.sem_alloc : memref<!tpu.dma_semaphore, #tpu.memory_space<semaphore_mem>>
        %dma_start3A_232 = arith.constant 0 : i32
        %dma_start3A_233 = tpu.memref_slice %arg7[%add3A_216, %dma_start3A_232] : memref<80x128xi32, #tpu.memory_space<vmem>> -> memref<1x128xi32, #tpu.memory_space<vmem>>
        %dma_start3A_234 = tpu.memref_squeeze %dma_start3A_233 : memref<1x128xi32, #tpu.memory_space<vmem>> -> memref<128xi32, #tpu.memory_space<vmem>>
        %dma_start3A_235 = arith.constant 0 : i32
        %dma_start3A_236 = arith.constant 0 : i32
        %dma_start3A_237 = tpu.memref_slice %arg12[%dma_start3A_235, %dma_start3A_236] : memref<10240x64xf32, #tpu.memory_space<vmem_shared>> -> memref<10240x64xf32, #tpu.memory_space<vmem_shared>>
        tpu.enqueue_indirect_dma source(%arg11 : memref<128x64xf32, #tpu.memory_space<vmem>>) target(%dma_start3A_237 : memref<10240x64xf32, #tpu.memory_space<vmem_shared>>) offsets(%dma_start3A_234 : memref<128xi32, #tpu.memory_space<vmem>>) semaphore(%run_scoped3A_231 : memref<!tpu.dma_semaphore, #tpu.memory_space<semaphore_mem>>) {add = true}
        %dma_wait3A_238 = arith.constant 0 : i32
        %dma_wait3A_239 = tpu.memref_slice %arg7[%add3A_216, %dma_wait3A_238] : memref<80x128xi32, #tpu.memory_space<vmem>> -> memref<1x128xi32, #tpu.memory_space<vmem>>
        %dma_wait3A_240 = tpu.memref_squeeze %dma_wait3A_239 : memref<1x128xi32, #tpu.memory_space<vmem>> -> memref<128xi32, #tpu.memory_space<vmem>>
        %dma_wait3A_241 = arith.constant 0 : i32
        %dma_wait3A_242 = arith.constant 0 : i32
        %dma_wait3A_243 = tpu.memref_slice %arg12[%dma_wait3A_241, %dma_wait3A_242] : memref<10240x64xf32, #tpu.memory_space<vmem_shared>> -> memref<10240x64xf32, #tpu.memory_space<vmem_shared>>
        tpu.wait_indirect_dma semaphore(%run_scoped3A_231 : memref<!tpu.dma_semaphore, #tpu.memory_space<semaphore_mem>>) src(%arg11 : memref<128x64xf32, #tpu.memory_space<vmem>>) dst(%dma_wait3A_243 : memref<10240x64xf32, #tpu.memory_space<vmem_shared>>)
        tpu.yield
      }) : () -> ()
    }
    %scan3A_113 = arith.constant 18 : i32
    %dma_start3A_114 = arith.constant 79 : i32
    %dma_start3A_115 = arith.constant 0 : i32
    %dma_start3A_116 = tpu.memref_slice %arg6[%dma_start3A_114, %dma_start3A_115] : memref<80x128xi32, #tpu.memory_space<vmem>> -> memref<1x128xi32, #tpu.memory_space<vmem>>
    %dma_start3A_117 = tpu.memref_squeeze %dma_start3A_116 : memref<1x128xi32, #tpu.memory_space<vmem>> -> memref<128xi32, #tpu.memory_space<vmem>>
    %dma_start3A_118 = arith.constant 0 : i32
    %dma_start3A_119 = arith.constant 0 : i32
    %dma_start3A_120 = tpu.memref_slice %arg2[%dma_start3A_118, %dma_start3A_119] : memref<10240x64xf32, #tpu.memory_space<hbm>> -> memref<10240x64xf32, #tpu.memory_space<hbm>>
    tpu.enqueue_indirect_dma source(%dma_start3A_120 : memref<10240x64xf32, #tpu.memory_space<hbm>>) target(%arg11 : memref<128x64xf32, #tpu.memory_space<vmem>>) offsets(%dma_start3A_117 : memref<128xi32, #tpu.memory_space<vmem>>) semaphore(%arg16 : memref<!tpu.dma_semaphore, #tpu.memory_space<semaphore_mem>>)
    %dma_wait3A_121 = arith.constant 76 : i32
    %dma_wait3A_122 = arith.constant 0 : i32
    %dma_wait3A_123 = tpu.memref_slice %arg6[%dma_wait3A_121, %dma_wait3A_122] : memref<80x128xi32, #tpu.memory_space<vmem>> -> memref<1x128xi32, #tpu.memory_space<vmem>>
    %dma_wait3A_124 = tpu.memref_squeeze %dma_wait3A_123 : memref<1x128xi32, #tpu.memory_space<vmem>> -> memref<128xi32, #tpu.memory_space<vmem>>
    %dma_wait3A_125 = arith.constant 0 : i32
    %dma_wait3A_126 = arith.constant 0 : i32
    %dma_wait3A_127 = tpu.memref_slice %arg2[%dma_wait3A_125, %dma_wait3A_126] : memref<10240x64xf32, #tpu.memory_space<hbm>> -> memref<10240x64xf32, #tpu.memory_space<hbm>>
    tpu.wait_indirect_dma semaphore(%arg13 : memref<!tpu.dma_semaphore, #tpu.memory_space<semaphore_mem>>) src(%dma_wait3A_127 : memref<10240x64xf32, #tpu.memory_space<hbm>>) dst(%arg8 : memref<128x64xf32, #tpu.memory_space<vmem>>)
    %run_scoped3A_128 = arith.constant 76 : i32
    "tpu.region"() ({
      %run_scoped3A_158 = tpu.sem_alloc : memref<!tpu.dma_semaphore, #tpu.memory_space<semaphore_mem>>
      %dma_start3A_159 = arith.constant 0 : i32
      %dma_start3A_160 = tpu.memref_slice %arg7[%run_scoped3A_128, %dma_start3A_159] : memref<80x128xi32, #tpu.memory_space<vmem>> -> memref<1x128xi32, #tpu.memory_space<vmem>>
      %dma_start3A_161 = tpu.memref_squeeze %dma_start3A_160 : memref<1x128xi32, #tpu.memory_space<vmem>> -> memref<128xi32, #tpu.memory_space<vmem>>
      %dma_start3A_162 = arith.constant 0 : i32
      %dma_start3A_163 = arith.constant 0 : i32
      %dma_start3A_164 = tpu.memref_slice %arg12[%dma_start3A_162, %dma_start3A_163] : memref<10240x64xf32, #tpu.memory_space<vmem_shared>> -> memref<10240x64xf32, #tpu.memory_space<vmem_shared>>
      tpu.enqueue_indirect_dma source(%arg8 : memref<128x64xf32, #tpu.memory_space<vmem>>) target(%dma_start3A_164 : memref<10240x64xf32, #tpu.memory_space<vmem_shared>>) offsets(%dma_start3A_161 : memref<128xi32, #tpu.memory_space<vmem>>) semaphore(%run_scoped3A_158 : memref<!tpu.dma_semaphore, #tpu.memory_space<semaphore_mem>>) {add = true}
      %dma_wait3A_165 = arith.constant 0 : i32
      %dma_wait3A_166 = tpu.memref_slice %arg7[%run_scoped3A_128, %dma_wait3A_165] : memref<80x128xi32, #tpu.memory_space<vmem>> -> memref<1x128xi32, #tpu.memory_space<vmem>>
      %dma_wait3A_167 = tpu.memref_squeeze %dma_wait3A_166 : memref<1x128xi32, #tpu.memory_space<vmem>> -> memref<128xi32, #tpu.memory_space<vmem>>
      %dma_wait3A_168 = arith.constant 0 : i32
      %dma_wait3A_169 = arith.constant 0 : i32
      %dma_wait3A_170 = tpu.memref_slice %arg12[%dma_wait3A_168, %dma_wait3A_169] : memref<10240x64xf32, #tpu.memory_space<vmem_shared>> -> memref<10240x64xf32, #tpu.memory_space<vmem_shared>>
      tpu.wait_indirect_dma semaphore(%run_scoped3A_158 : memref<!tpu.dma_semaphore, #tpu.memory_space<semaphore_mem>>) src(%arg8 : memref<128x64xf32, #tpu.memory_space<vmem>>) dst(%dma_wait3A_170 : memref<10240x64xf32, #tpu.memory_space<vmem_shared>>)
      tpu.yield
    }) : () -> ()
    %dma_wait3A_129 = arith.constant 77 : i32
    %dma_wait3A_130 = arith.constant 0 : i32
    %dma_wait3A_131 = tpu.memref_slice %arg6[%dma_wait3A_129, %dma_wait3A_130] : memref<80x128xi32, #tpu.memory_space<vmem>> -> memref<1x128xi32, #tpu.memory_space<vmem>>
    %dma_wait3A_132 = tpu.memref_squeeze %dma_wait3A_131 : memref<1x128xi32, #tpu.memory_space<vmem>> -> memref<128xi32, #tpu.memory_space<vmem>>
    %dma_wait3A_133 = arith.constant 0 : i32
    %dma_wait3A_134 = arith.constant 0 : i32
    %dma_wait3A_135 = tpu.memref_slice %arg2[%dma_wait3A_133, %dma_wait3A_134] : memref<10240x64xf32, #tpu.memory_space<hbm>> -> memref<10240x64xf32, #tpu.memory_space<hbm>>
    tpu.wait_indirect_dma semaphore(%arg14 : memref<!tpu.dma_semaphore, #tpu.memory_space<semaphore_mem>>) src(%dma_wait3A_135 : memref<10240x64xf32, #tpu.memory_space<hbm>>) dst(%arg9 : memref<128x64xf32, #tpu.memory_space<vmem>>)
    %run_scoped3A_136 = arith.constant 77 : i32
    "tpu.region"() ({
      %run_scoped3A_158 = tpu.sem_alloc : memref<!tpu.dma_semaphore, #tpu.memory_space<semaphore_mem>>
      %dma_start3A_159 = arith.constant 0 : i32
      %dma_start3A_160 = tpu.memref_slice %arg7[%run_scoped3A_136, %dma_start3A_159] : memref<80x128xi32, #tpu.memory_space<vmem>> -> memref<1x128xi32, #tpu.memory_space<vmem>>
      %dma_start3A_161 = tpu.memref_squeeze %dma_start3A_160 : memref<1x128xi32, #tpu.memory_space<vmem>> -> memref<128xi32, #tpu.memory_space<vmem>>
      %dma_start3A_162 = arith.constant 0 : i32
      %dma_start3A_163 = arith.constant 0 : i32
      %dma_start3A_164 = tpu.memref_slice %arg12[%dma_start3A_162, %dma_start3A_163] : memref<10240x64xf32, #tpu.memory_space<vmem_shared>> -> memref<10240x64xf32, #tpu.memory_space<vmem_shared>>
      tpu.enqueue_indirect_dma source(%arg9 : memref<128x64xf32, #tpu.memory_space<vmem>>) target(%dma_start3A_164 : memref<10240x64xf32, #tpu.memory_space<vmem_shared>>) offsets(%dma_start3A_161 : memref<128xi32, #tpu.memory_space<vmem>>) semaphore(%run_scoped3A_158 : memref<!tpu.dma_semaphore, #tpu.memory_space<semaphore_mem>>) {add = true}
      %dma_wait3A_165 = arith.constant 0 : i32
      %dma_wait3A_166 = tpu.memref_slice %arg7[%run_scoped3A_136, %dma_wait3A_165] : memref<80x128xi32, #tpu.memory_space<vmem>> -> memref<1x128xi32, #tpu.memory_space<vmem>>
      %dma_wait3A_167 = tpu.memref_squeeze %dma_wait3A_166 : memref<1x128xi32, #tpu.memory_space<vmem>> -> memref<128xi32, #tpu.memory_space<vmem>>
      %dma_wait3A_168 = arith.constant 0 : i32
      %dma_wait3A_169 = arith.constant 0 : i32
      %dma_wait3A_170 = tpu.memref_slice %arg12[%dma_wait3A_168, %dma_wait3A_169] : memref<10240x64xf32, #tpu.memory_space<vmem_shared>> -> memref<10240x64xf32, #tpu.memory_space<vmem_shared>>
      tpu.wait_indirect_dma semaphore(%run_scoped3A_158 : memref<!tpu.dma_semaphore, #tpu.memory_space<semaphore_mem>>) src(%arg9 : memref<128x64xf32, #tpu.memory_space<vmem>>) dst(%dma_wait3A_170 : memref<10240x64xf32, #tpu.memory_space<vmem_shared>>)
      tpu.yield
    }) : () -> ()
    %dma_wait3A_137 = arith.constant 78 : i32
    %dma_wait3A_138 = arith.constant 0 : i32
    %dma_wait3A_139 = tpu.memref_slice %arg6[%dma_wait3A_137, %dma_wait3A_138] : memref<80x128xi32, #tpu.memory_space<vmem>> -> memref<1x128xi32, #tpu.memory_space<vmem>>
    %dma_wait3A_140 = tpu.memref_squeeze %dma_wait3A_139 : memref<1x128xi32, #tpu.memory_space<vmem>> -> memref<128xi32, #tpu.memory_space<vmem>>
    %dma_wait3A_141 = arith.constant 0 : i32
    %dma_wait3A_142 = arith.constant 0 : i32
    %dma_wait3A_143 = tpu.memref_slice %arg2[%dma_wait3A_141, %dma_wait3A_142] : memref<10240x64xf32, #tpu.memory_space<hbm>> -> memref<10240x64xf32, #tpu.memory_space<hbm>>
    tpu.wait_indirect_dma semaphore(%arg15 : memref<!tpu.dma_semaphore, #tpu.memory_space<semaphore_mem>>) src(%dma_wait3A_143 : memref<10240x64xf32, #tpu.memory_space<hbm>>) dst(%arg10 : memref<128x64xf32, #tpu.memory_space<vmem>>)
    %run_scoped3A_144 = arith.constant 78 : i32
    "tpu.region"() ({
      %run_scoped3A_158 = tpu.sem_alloc : memref<!tpu.dma_semaphore, #tpu.memory_space<semaphore_mem>>
      %dma_start3A_159 = arith.constant 0 : i32
      %dma_start3A_160 = tpu.memref_slice %arg7[%run_scoped3A_144, %dma_start3A_159] : memref<80x128xi32, #tpu.memory_space<vmem>> -> memref<1x128xi32, #tpu.memory_space<vmem>>
      %dma_start3A_161 = tpu.memref_squeeze %dma_start3A_160 : memref<1x128xi32, #tpu.memory_space<vmem>> -> memref<128xi32, #tpu.memory_space<vmem>>
      %dma_start3A_162 = arith.constant 0 : i32
      %dma_start3A_163 = arith.constant 0 : i32
      %dma_start3A_164 = tpu.memref_slice %arg12[%dma_start3A_162, %dma_start3A_163] : memref<10240x64xf32, #tpu.memory_space<vmem_shared>> -> memref<10240x64xf32, #tpu.memory_space<vmem_shared>>
      tpu.enqueue_indirect_dma source(%arg10 : memref<128x64xf32, #tpu.memory_space<vmem>>) target(%dma_start3A_164 : memref<10240x64xf32, #tpu.memory_space<vmem_shared>>) offsets(%dma_start3A_161 : memref<128xi32, #tpu.memory_space<vmem>>) semaphore(%run_scoped3A_158 : memref<!tpu.dma_semaphore, #tpu.memory_space<semaphore_mem>>) {add = true}
      %dma_wait3A_165 = arith.constant 0 : i32
      %dma_wait3A_166 = tpu.memref_slice %arg7[%run_scoped3A_144, %dma_wait3A_165] : memref<80x128xi32, #tpu.memory_space<vmem>> -> memref<1x128xi32, #tpu.memory_space<vmem>>
      %dma_wait3A_167 = tpu.memref_squeeze %dma_wait3A_166 : memref<1x128xi32, #tpu.memory_space<vmem>> -> memref<128xi32, #tpu.memory_space<vmem>>
      %dma_wait3A_168 = arith.constant 0 : i32
      %dma_wait3A_169 = arith.constant 0 : i32
      %dma_wait3A_170 = tpu.memref_slice %arg12[%dma_wait3A_168, %dma_wait3A_169] : memref<10240x64xf32, #tpu.memory_space<vmem_shared>> -> memref<10240x64xf32, #tpu.memory_space<vmem_shared>>
      tpu.wait_indirect_dma semaphore(%run_scoped3A_158 : memref<!tpu.dma_semaphore, #tpu.memory_space<semaphore_mem>>) src(%arg10 : memref<128x64xf32, #tpu.memory_space<vmem>>) dst(%dma_wait3A_170 : memref<10240x64xf32, #tpu.memory_space<vmem_shared>>)
      tpu.yield
    }) : () -> ()
    %dma_wait3A_145 = arith.constant 79 : i32
    %dma_wait3A_146 = arith.constant 0 : i32
    %dma_wait3A_147 = tpu.memref_slice %arg6[%dma_wait3A_145, %dma_wait3A_146] : memref<80x128xi32, #tpu.memory_space<vmem>> -> memref<1x128xi32, #tpu.memory_space<vmem>>
    %dma_wait3A_148 = tpu.memref_squeeze %dma_wait3A_147 : memref<1x128xi32, #tpu.memory_space<vmem>> -> memref<128xi32, #tpu.memory_space<vmem>>
    %dma_wait3A_149 = arith.constant 0 : i32
    %dma_wait3A_150 = arith.constant 0 : i32
    %dma_wait3A_151 = tpu.memref_slice %arg2[%dma_wait3A_149, %dma_wait3A_150] : memref<10240x64xf32, #tpu.memory_space<hbm>> -> memref<10240x64xf32, #tpu.memory_space<hbm>>
    tpu.wait_indirect_dma semaphore(%arg16 : memref<!tpu.dma_semaphore, #tpu.memory_space<semaphore_mem>>) src(%dma_wait3A_151 : memref<10240x64xf32, #tpu.memory_space<hbm>>) dst(%arg11 : memref<128x64xf32, #tpu.memory_space<vmem>>)
    %run_scoped3A_152 = arith.constant 79 : i32
    "tpu.region"() ({
      %run_scoped3A_158 = tpu.sem_alloc : memref<!tpu.dma_semaphore, #tpu.memory_space<semaphore_mem>>
      %dma_start3A_159 = arith.constant 0 : i32
      %dma_start3A_160 = tpu.memref_slice %arg7[%run_scoped3A_152, %dma_start3A_159] : memref<80x128xi32, #tpu.memory_space<vmem>> -> memref<1x128xi32, #tpu.memory_space<vmem>>
      %dma_start3A_161 = tpu.memref_squeeze %dma_start3A_160 : memref<1x128xi32, #tpu.memory_space<vmem>> -> memref<128xi32, #tpu.memory_space<vmem>>
      %dma_start3A_162 = arith.constant 0 : i32
      %dma_start3A_163 = arith.constant 0 : i32
      %dma_start3A_164 = tpu.memref_slice %arg12[%dma_start3A_162, %dma_start3A_163] : memref<10240x64xf32, #tpu.memory_space<vmem_shared>> -> memref<10240x64xf32, #tpu.memory_space<vmem_shared>>
      tpu.enqueue_indirect_dma source(%arg11 : memref<128x64xf32, #tpu.memory_space<vmem>>) target(%dma_start3A_164 : memref<10240x64xf32, #tpu.memory_space<vmem_shared>>) offsets(%dma_start3A_161 : memref<128xi32, #tpu.memory_space<vmem>>) semaphore(%run_scoped3A_158 : memref<!tpu.dma_semaphore, #tpu.memory_space<semaphore_mem>>) {add = true}
      %dma_wait3A_165 = arith.constant 0 : i32
      %dma_wait3A_166 = tpu.memref_slice %arg7[%run_scoped3A_152, %dma_wait3A_165] : memref<80x128xi32, #tpu.memory_space<vmem>> -> memref<1x128xi32, #tpu.memory_space<vmem>>
      %dma_wait3A_167 = tpu.memref_squeeze %dma_wait3A_166 : memref<1x128xi32, #tpu.memory_space<vmem>> -> memref<128xi32, #tpu.memory_space<vmem>>
      %dma_wait3A_168 = arith.constant 0 : i32
      %dma_wait3A_169 = arith.constant 0 : i32
      %dma_wait3A_170 = tpu.memref_slice %arg12[%dma_wait3A_168, %dma_wait3A_169] : memref<10240x64xf32, #tpu.memory_space<vmem_shared>> -> memref<10240x64xf32, #tpu.memory_space<vmem_shared>>
      tpu.wait_indirect_dma semaphore(%run_scoped3A_158 : memref<!tpu.dma_semaphore, #tpu.memory_space<semaphore_mem>>) src(%arg11 : memref<128x64xf32, #tpu.memory_space<vmem>>) dst(%dma_wait3A_170 : memref<10240x64xf32, #tpu.memory_space<vmem_shared>>)
      tpu.yield
    }) : () -> ()
    %barrier3A_153 = arith.constant 0 : index
    tpu.barrier barrier_id(%barrier3A_153)
    %mul3A_154 = arith.constant 640 : i32
    %mul3A_155 = arith.muli %arg1, %mul3A_154 : i32
    %mul3A_156 = arith.constant 640 : i32
    %mul3A_157 = arith.muli %arg1, %mul3A_156 : i32
    "tpu.region"() ({
      %run_scoped3A_158 = tpu.sem_alloc : memref<!tpu.dma_semaphore, #tpu.memory_space<semaphore_mem>>
      %dma_start3A_159 = arith.constant 0 : i32
      %dma_start3A_160 = tpu.memref_slice %arg5[%arg0, %mul3A_157, %dma_start3A_159] : memref<2x10240x128xf32, #tpu.memory_space<hbm>> -> memref<1x640x64xf32, #tpu.memory_space<hbm>>
      %dma_start3A_161 = tpu.memref_squeeze %dma_start3A_160 : memref<1x640x64xf32, #tpu.memory_space<hbm>> -> memref<640x64xf32, #tpu.memory_space<hbm>>
      %dma_start3A_162 = arith.constant 0 : i32
      %dma_start3A_163 = tpu.memref_slice %arg12[%mul3A_155, %dma_start3A_162] : memref<10240x64xf32, #tpu.memory_space<vmem_shared>> -> memref<640x64xf32, #tpu.memory_space<vmem_shared>>
      tpu.enqueue_dma source(%dma_start3A_163 : memref<640x64xf32, #tpu.memory_space<vmem_shared>>) target(%dma_start3A_161 : memref<640x64xf32, #tpu.memory_space<hbm>>) target_semaphore(%run_scoped3A_158 : memref<!tpu.dma_semaphore, #tpu.memory_space<semaphore_mem>>)
      %dma_wait3A_164 = arith.constant 0 : i32
      %dma_wait3A_165 = tpu.memref_slice %arg5[%arg0, %mul3A_157, %dma_wait3A_164] : memref<2x10240x128xf32, #tpu.memory_space<hbm>> -> memref<1x640x64xf32, #tpu.memory_space<hbm>>
      %dma_wait3A_166 = tpu.memref_squeeze %dma_wait3A_165 : memref<1x640x64xf32, #tpu.memory_space<hbm>> -> memref<640x64xf32, #tpu.memory_space<hbm>>
      %dma_wait3A_167 = arith.constant 0 : i32
      %dma_wait3A_168 = tpu.memref_slice %arg12[%mul3A_155, %dma_wait3A_167] : memref<10240x64xf32, #tpu.memory_space<vmem_shared>> -> memref<640x64xf32, #tpu.memory_space<vmem_shared>>
      tpu.wait_dma2 semaphore(%run_scoped3A_158 : memref<!tpu.dma_semaphore, #tpu.memory_space<semaphore_mem>>) src(%dma_wait3A_168 : memref<640x64xf32, #tpu.memory_space<vmem_shared>>) dst(%dma_wait3A_166 : memref<640x64xf32, #tpu.memory_space<hbm>>)
      tpu.yield
    }) : () -> ()
    return
  }
}

module attributes {stable_mosaic.version = 14 : i64} {
  func.func @_tc1_body(%arg0: i32, %arg1: memref<2000x128xf32, #tpu.memory_space<vmem>>, %arg2: memref<64x128xf32, #tpu.memory_space<vmem>>, %arg3: memref<64x128xf32, #tpu.memory_space<vmem>>, %arg4: memref<2000x64xf32, #tpu.memory_space<vmem>>, %arg5: memref<2000x64xf32, #tpu.memory_space<vmem>>) attributes {dimension_semantics = [#tpu.dimension_semantics<arbitrary>], iteration_bounds = array<i64: 5>, scalar_prefetch = 0 : i64, scratch_operands = 0 : i64, tpu.core_type = #tpu.core_type<tc>, window_params = [{transform_indices = @transform_0, window_bounds = array<i64: 2000, 128>}, {pipeline_mode = #tpu.pipeline_mode<synchronous>, transform_indices = @transform_1, window_bounds = array<i64: 64, 128>}, {pipeline_mode = #tpu.pipeline_mode<synchronous>, transform_indices = @transform_2, window_bounds = array<i64: 64, 128>}, {transform_indices = @transform_3, window_bounds = array<i64: 2000, 64>}, {transform_indices = @transform_4, window_bounds = array<i64: 2000, 64>}]} {
    %get3A = arith.constant 0 : index
    %get3A_0 = arith.constant 0 : index
    %get3A_1 = vector.load %arg1[%get3A, %get3A_0] : memref<2000x128xf32, #tpu.memory_space<vmem>>, vector<2000x128xf32>
    %get3A_2 = arith.constant 0 : index
    %get3A_3 = arith.constant 0 : index
    %get3A_4 = vector.load %arg2[%get3A_2, %get3A_3] : memref<64x128xf32, #tpu.memory_space<vmem>>, vector<64x128xf32>
    %dot_general3A = arith.constant dense<0.000000e+00> : vector<2000x64xf32>
    %dot_general3A_5 = tpu.matmul %get3A_1, %get3A_4, %dot_general3A {dimension_numbers = #tpu.dot_dimension_numbers<[1], [1], [0], [0], [0, 0, 1, 0], [], []>, transpose_lhs_hint = false} : vector<2000x128xf32>, vector<64x128xf32>, vector<2000x64xf32> -> vector<2000x64xf32>
    %swap3A = arith.constant 0 : index
    %swap3A_6 = arith.constant 0 : index
    %swap3A_7 = vector.load %arg4[%swap3A, %swap3A_6] : memref<2000x64xf32, #tpu.memory_space<vmem>>, vector<2000x64xf32>
    tpu.vector_store %arg4[%swap3A, %swap3A_6], %dot_general3A_5 {strides = array<i32>} : memref<2000x64xf32, #tpu.memory_space<vmem>>, vector<2000x64xf32>,
    %get3A_8 = arith.constant 0 : index
    %get3A_9 = arith.constant 0 : index
    %get3A_10 = vector.load %arg3[%get3A_8, %get3A_9] : memref<64x128xf32, #tpu.memory_space<vmem>>, vector<64x128xf32>
    %dot_general3A_11 = arith.constant dense<0.000000e+00> : vector<2000x64xf32>
    %dot_general3A_12 = tpu.matmul %get3A_1, %get3A_10, %dot_general3A_11 {dimension_numbers = #tpu.dot_dimension_numbers<[1], [1], [0], [0], [0, 0, 1, 0], [], []>, transpose_lhs_hint = false} : vector<2000x128xf32>, vector<64x128xf32>, vector<2000x64xf32> -> vector<2000x64xf32>
    %swap3A_13 = arith.constant 0 : index
    %swap3A_14 = arith.constant 0 : index
    %swap3A_15 = vector.load %arg5[%swap3A_13, %swap3A_14] : memref<2000x64xf32, #tpu.memory_space<vmem>>, vector<2000x64xf32>
    tpu.vector_store %arg5[%swap3A_13, %swap3A_14], %dot_general3A_12 {strides = array<i32>} : memref<2000x64xf32, #tpu.memory_space<vmem>>, vector<2000x64xf32>,
    return
  }
  func.func @transform_0(%arg0: i32) -> (i32, i32) {
    %c0_i32 = arith.constant 0 : i32
    %c0_i32_0 = arith.constant 0 : i32
    return %arg0, %c0_i32 : i32, i32
  }
  func.func @transform_1(%arg0: i32) -> (i32, i32) {
    %c0_i32 = arith.constant 0 : i32
    %c0_i32_0 = arith.constant 0 : i32
    %c0_i32_1 = arith.constant 0 : i32
    return %c0_i32, %c0_i32_0 : i32, i32
  }
  func.func @transform_2(%arg0: i32) -> (i32, i32) {
    %c0_i32 = arith.constant 0 : i32
    %c0_i32_0 = arith.constant 0 : i32
    %c0_i32_1 = arith.constant 0 : i32
    return %c0_i32, %c0_i32_0 : i32, i32
  }
  func.func @transform_3(%arg0: i32) -> (i32, i32) {
    %c0_i32 = arith.constant 0 : i32
    %c0_i32_0 = arith.constant 0 : i32
    return %arg0, %c0_i32 : i32, i32
  }
  func.func @transform_4(%arg0: i32) -> (i32, i32) {
    %c0_i32 = arith.constant 0 : i32
    %c0_i32_0 = arith.constant 0 : i32
    return %arg0, %c0_i32 : i32, i32
  }
}

module attributes {stable_mosaic.version = 14 : i64} {
  func.func @_tc2_body(%arg0: i32, %arg1: memref<2x2048x128xf32, #tpu.memory_space<vmem>>, %arg2: memref<2048x64xf32, #tpu.memory_space<vmem>>, %arg3: memref<1x64xf32, #tpu.memory_space<vmem>>, %arg4: memref<2048x64xf32, #tpu.memory_space<vmem>>, %arg5: memref<2048x64xf32, #tpu.memory_space<vmem>>) attributes {dimension_semantics = [#tpu.dimension_semantics<arbitrary>], iteration_bounds = array<i64: 5>, scalar_prefetch = 0 : i64, scratch_operands = 0 : i64, tpu.core_type = #tpu.core_type<tc>, window_params = [{transform_indices = @transform_0, window_bounds = array<i64: 2, 2048, 128>}, {transform_indices = @transform_1, window_bounds = array<i64: 2048, 64>}, {pipeline_mode = #tpu.pipeline_mode<synchronous>, transform_indices = @transform_2, window_bounds = array<i64: 1, 64>}, {transform_indices = @transform_3, window_bounds = array<i64: 2048, 64>}, {transform_indices = @transform_4, window_bounds = array<i64: 2048, 64>}]} {
    %get3A = arith.constant 0 : index
    %get3A_0 = arith.constant 0 : index
    %get3A_1 = arith.constant 0 : index
    %get3A_2 = vector.load %arg1[%get3A, %get3A_0, %get3A_1] : memref<2x2048x128xf32, #tpu.memory_space<vmem>>, vector<1x2048x128xf32>
    %get3A_3 = vector.shape_cast %get3A_2 : vector<1x2048x128xf32> to vector<2048x128xf32>
    %get3A_4 = arith.constant 1 : index
    %get3A_5 = arith.constant 0 : index
    %get3A_6 = arith.constant 0 : index
    %get3A_7 = vector.load %arg1[%get3A_4, %get3A_5, %get3A_6] : memref<2x2048x128xf32, #tpu.memory_space<vmem>>, vector<1x2048x128xf32>
    %get3A_8 = vector.shape_cast %get3A_7 : vector<1x2048x128xf32> to vector<2048x128xf32>
    %slice3A = vector.extract_strided_slice %get3A_3 {offsets = [0, 0], sizes = [2048, 64], strides = [1, 1]} : vector<2048x128xf32> to vector<2048x64xf32>
    %slice3A_9 = vector.extract_strided_slice %get3A_8 {offsets = [0, 0], sizes = [2048, 64], strides = [1, 1]} : vector<2048x128xf32> to vector<2048x64xf32>
    %add3A = arith.addf %slice3A, %slice3A_9 : vector<2048x64xf32>
    %slice3A_10 = vector.extract_strided_slice %get3A_3 {offsets = [0, 64], sizes = [2048, 1], strides = [1, 1]} : vector<2048x128xf32> to vector<2048x1xf32>
    %slice3A_11 = vector.extract_strided_slice %get3A_8 {offsets = [0, 64], sizes = [2048, 1], strides = [1, 1]} : vector<2048x128xf32> to vector<2048x1xf32>
    %add3A_12 = arith.addf %slice3A_10, %slice3A_11 : vector<2048x1xf32>
    %max3A = arith.constant 1.000000e+00 : f32
    %max3A_13 = vector.broadcast %max3A : f32 to vector<2048x1xf32>
    %max3A_14 = arith.maximumf %add3A_12, %max3A_13 : vector<2048x1xf32>
    %div3A = vector.broadcast %max3A_14 : vector<2048x1xf32> to vector<2048x64xf32>
    %div3A_15 = arith.divf %add3A, %div3A : vector<2048x64xf32>
    %get3A_16 = arith.constant 0 : index
    %get3A_17 = arith.constant 0 : index
    %get3A_18 = vector.load %arg3[%get3A_16, %get3A_17] : memref<1x64xf32, #tpu.memory_space<vmem>>, vector<1x64xf32>
    %add3A_19 = vector.broadcast %get3A_18 : vector<1x64xf32> to vector<2048x64xf32>
    %add3A_20 = arith.addf %div3A_15, %add3A_19 : vector<2048x64xf32>
    %get3A_21 = arith.constant 0 : index
    %get3A_22 = arith.constant 0 : index
    %get3A_23 = vector.load %arg2[%get3A_21, %get3A_22] : memref<2048x64xf32, #tpu.memory_space<vmem>>, vector<2048x64xf32>
    %add3A_24 = arith.addf %add3A_20, %get3A_23 : vector<2048x64xf32>
    %max3A_25 = arith.constant 0.000000e+00 : f32
    %max3A_26 = vector.broadcast %max3A_25 : f32 to vector<2048x64xf32>
    %max3A_27 = arith.maximumf %add3A_24, %max3A_26 : vector<2048x64xf32>
    %get3A_28 = arith.constant 0 : index
    %get3A_29 = arith.constant 0 : index
    %get3A_30 = vector.load %arg4[%get3A_28, %get3A_29] : memref<2048x64xf32, #tpu.memory_space<vmem>>, vector<2048x64xf32>
    %mul3A = arith.mulf %max3A_27, %get3A_30 : vector<2048x64xf32>
    %swap3A = arith.constant 0 : index
    %swap3A_31 = arith.constant 0 : index
    %swap3A_32 = vector.load %arg5[%swap3A, %swap3A_31] : memref<2048x64xf32, #tpu.memory_space<vmem>>, vector<2048x64xf32>
    tpu.vector_store %arg5[%swap3A, %swap3A_31], %mul3A {strides = array<i32>} : memref<2048x64xf32, #tpu.memory_space<vmem>>, vector<2048x64xf32>,
    return
  }
  func.func @transform_0(%arg0: i32) -> (i32, i32, i32) {
    %c0_i32 = arith.constant 0 : i32
    %c0_i32_0 = arith.constant 0 : i32
    %c0_i32_1 = arith.constant 0 : i32
    return %c0_i32, %arg0, %c0_i32_0 : i32, i32, i32
  }
  func.func @transform_1(%arg0: i32) -> (i32, i32) {
    %c0_i32 = arith.constant 0 : i32
    %c0_i32_0 = arith.constant 0 : i32
    return %arg0, %c0_i32 : i32, i32
  }
  func.func @transform_2(%arg0: i32) -> (i32, i32) {
    %c0_i32 = arith.constant 0 : i32
    %c0_i32_0 = arith.constant 0 : i32
    %c0_i32_1 = arith.constant 0 : i32
    return %c0_i32, %c0_i32_0 : i32, i32
  }
  func.func @transform_3(%arg0: i32) -> (i32, i32) {
    %c0_i32 = arith.constant 0 : i32
    %c0_i32_0 = arith.constant 0 : i32
    return %arg0, %c0_i32 : i32, i32
  }
  func.func @transform_4(%arg0: i32) -> (i32, i32) {
    %c0_i32 = arith.constant 0 : i32
    %c0_i32_0 = arith.constant 0 : i32
    return %arg0, %c0_i32 : i32, i32
  }
}

module attributes {stable_mosaic.version = 14 : i64} {
  func.func @_tc3_body(%arg0: i32, %arg1: memref<2x2000x128xf32, #tpu.memory_space<vmem>>, %arg2: memref<2000x64xf32, #tpu.memory_space<vmem>>, %arg3: memref<128x64xf32, #tpu.memory_space<vmem>>, %arg4: memref<1x128xf32, #tpu.memory_space<vmem>>, %arg5: memref<128x64xf32, #tpu.memory_space<vmem>>, %arg6: memref<2000x128xf32, #tpu.memory_space<vmem>>) attributes {dimension_semantics = [#tpu.dimension_semantics<arbitrary>], iteration_bounds = array<i64: 5>, scalar_prefetch = 0 : i64, scratch_operands = 0 : i64, tpu.core_type = #tpu.core_type<tc>, window_params = [{transform_indices = @transform_0, window_bounds = array<i64: 2, 2000, 128>}, {transform_indices = @transform_1, window_bounds = array<i64: 2000, 64>}, {pipeline_mode = #tpu.pipeline_mode<synchronous>, transform_indices = @transform_2, window_bounds = array<i64: 128, 64>}, {pipeline_mode = #tpu.pipeline_mode<synchronous>, transform_indices = @transform_3, window_bounds = array<i64: 1, 128>}, {pipeline_mode = #tpu.pipeline_mode<synchronous>, transform_indices = @transform_4, window_bounds = array<i64: 128, 64>}, {transform_indices = @transform_5, window_bounds = array<i64: 2000, 128>}]} {
    %get3A = arith.constant 0 : index
    %get3A_0 = arith.constant 0 : index
    %get3A_1 = arith.constant 0 : index
    %get3A_2 = vector.load %arg1[%get3A, %get3A_0, %get3A_1] : memref<2x2000x128xf32, #tpu.memory_space<vmem>>, vector<1x2000x128xf32>
    %get3A_3 = vector.shape_cast %get3A_2 : vector<1x2000x128xf32> to vector<2000x128xf32>
    %slice3A = vector.extract_strided_slice %get3A_3 {offsets = [0, 0], sizes = [2000, 64], strides = [1, 1]} : vector<2000x128xf32> to vector<2000x64xf32>
    %get3A_4 = arith.constant 1 : index
    %get3A_5 = arith.constant 0 : index
    %get3A_6 = arith.constant 0 : index
    %get3A_7 = vector.load %arg1[%get3A_4, %get3A_5, %get3A_6] : memref<2x2000x128xf32, #tpu.memory_space<vmem>>, vector<1x2000x128xf32>
    %get3A_8 = vector.shape_cast %get3A_7 : vector<1x2000x128xf32> to vector<2000x128xf32>
    %slice3A_9 = vector.extract_strided_slice %get3A_8 {offsets = [0, 0], sizes = [2000, 64], strides = [1, 1]} : vector<2000x128xf32> to vector<2000x64xf32>
    %add3A = arith.addf %slice3A, %slice3A_9 : vector<2000x64xf32>
    %get3A_10 = arith.constant 0 : index
    %get3A_11 = arith.constant 0 : index
    %get3A_12 = vector.load %arg3[%get3A_10, %get3A_11] : memref<128x64xf32, #tpu.memory_space<vmem>>, vector<128x64xf32>
    %dot_general3A = arith.constant dense<0.000000e+00> : vector<2000x128xf32>
    %dot_general3A_13 = tpu.matmul %add3A, %get3A_12, %dot_general3A {dimension_numbers = #tpu.dot_dimension_numbers<[1], [1], [0], [0], [0, 0, 1, 0], [], []>, transpose_lhs_hint = false} : vector<2000x64xf32>, vector<128x64xf32>, vector<2000x128xf32> -> vector<2000x128xf32>
    %get3A_14 = arith.constant 0 : index
    %get3A_15 = arith.constant 0 : index
    %get3A_16 = vector.load %arg2[%get3A_14, %get3A_15] : memref<2000x64xf32, #tpu.memory_space<vmem>>, vector<2000x64xf32>
    %get3A_17 = arith.constant 0 : index
    %get3A_18 = arith.constant 0 : index
    %get3A_19 = vector.load %arg5[%get3A_17, %get3A_18] : memref<128x64xf32, #tpu.memory_space<vmem>>, vector<128x64xf32>
    %dot_general3A_20 = arith.constant dense<0.000000e+00> : vector<2000x128xf32>
    %dot_general3A_21 = tpu.matmul %get3A_16, %get3A_19, %dot_general3A_20 {dimension_numbers = #tpu.dot_dimension_numbers<[1], [1], [0], [0], [0, 0, 1, 0], [], []>, transpose_lhs_hint = false} : vector<2000x64xf32>, vector<128x64xf32>, vector<2000x128xf32> -> vector<2000x128xf32>
    %add3A_22 = arith.addf %dot_general3A_13, %dot_general3A_21 : vector<2000x128xf32>
    %get3A_23 = arith.constant 0 : index
    %get3A_24 = arith.constant 0 : index
    %get3A_25 = vector.load %arg4[%get3A_23, %get3A_24] : memref<1x128xf32, #tpu.memory_space<vmem>>, vector<1x128xf32>
    %add3A_26 = vector.broadcast %get3A_25 : vector<1x128xf32> to vector<2000x128xf32>
    %add3A_27 = arith.addf %add3A_22, %add3A_26 : vector<2000x128xf32>
    %swap3A = arith.constant 0 : index
    %swap3A_28 = arith.constant 0 : index
    %swap3A_29 = vector.load %arg6[%swap3A, %swap3A_28] : memref<2000x128xf32, #tpu.memory_space<vmem>>, vector<2000x128xf32>
    tpu.vector_store %arg6[%swap3A, %swap3A_28], %add3A_27 {strides = array<i32>} : memref<2000x128xf32, #tpu.memory_space<vmem>>, vector<2000x128xf32>,
    return
  }
  func.func @transform_0(%arg0: i32) -> (i32, i32, i32) {
    %c0_i32 = arith.constant 0 : i32
    %c0_i32_0 = arith.constant 0 : i32
    %c0_i32_1 = arith.constant 0 : i32
    return %c0_i32, %arg0, %c0_i32_0 : i32, i32, i32
  }
  func.func @transform_1(%arg0: i32) -> (i32, i32) {
    %c0_i32 = arith.constant 0 : i32
    %c0_i32_0 = arith.constant 0 : i32
    return %arg0, %c0_i32 : i32, i32
  }
  func.func @transform_2(%arg0: i32) -> (i32, i32) {
    %c0_i32 = arith.constant 0 : i32
    %c0_i32_0 = arith.constant 0 : i32
    %c0_i32_1 = arith.constant 0 : i32
    return %c0_i32, %c0_i32_0 : i32, i32
  }
  func.func @transform_3(%arg0: i32) -> (i32, i32) {
    %c0_i32 = arith.constant 0 : i32
    %c0_i32_0 = arith.constant 0 : i32
    %c0_i32_1 = arith.constant 0 : i32
    return %c0_i32, %c0_i32_0 : i32, i32
  }
  func.func @transform_4(%arg0: i32) -> (i32, i32) {
    %c0_i32 = arith.constant 0 : i32
    %c0_i32_0 = arith.constant 0 : i32
    %c0_i32_1 = arith.constant 0 : i32
    return %c0_i32, %c0_i32_0 : i32, i32
  }
  func.func @transform_5(%arg0: i32) -> (i32, i32) {
    %c0_i32 = arith.constant 0 : i32
    %c0_i32_0 = arith.constant 0 : i32
    return %arg0, %c0_i32 : i32, i32
  }
}

</mosaic_0001>

<sc_bundles>
// kernel: kernel.10.cloned.1.call-start
scs
__scs_entry_jumppad:
0x0: {  	(pc) =	sbr.rel $0x88, $3  }
0x1: {  	(tag) =	ssettag $0x0;
	lr =	simm.s32 $0x1  }
0x2: {  	[smem:$0x3F99] =	sst lr;
	_ =	strace $0xD0000000  }
0x3: {  	_ = 	snop  }
0x4: {  	_ = 	snop  }
0x5: {  	_ = 	snop  }
0x6: {  	_ = 	snop  }
0x7: {  	_ = 	snop  }
__scs_overlays_trampoline_lowered:
0x8: {  	[smem:$0x3FA8] =	sst s0  }
0x9: {  	[smem:$0x3FA9] =	sst s1  }
0xa: {  	[smem:$0x3FAA] =	sst s2  }
0xb: {  	[smem:$0x3FAB] =	sst s3  }
0xc: {  	[smem:$0x3FAC] =	sst s4  }
0xd: {  	[smem:$0x3FAD] =	sst s5  }
0xe: {  	[smem:$0x3FAE] =	sst s6  }
0xf: {  	[smem:$0x3FAF] =	sst s7  }
0x10: {  	[smem:$0x3FB0] =	sst s8  }
0x11: {  	[smem:$0x3FB1] =	sst s9;
	s0 =	simm.s32 @!p0 $0x0  }
0x12: {  	s1 =	sld [smem:$0x3F97];
	s0 =	simm.s32 @p0 $0x1  }
0x13: {  	[smem:$0x3FB2] =	sst s0;
	s0 =	simm.s32 @!p1 $0x0  }
0x14: {  	s2 =	sld [smem:$0x3F96];
	s0 =	simm.s32 @p1 $0x1  }
0x15: {  	[smem:$0x3FB3] =	sst s0;
	s0 =	simm.s32 @!p2 $0x0  }
0x16: {  	s3 =	sld [smem:$0x3FDB];
	s0 =	simm.s32 @p2 $0x1  }
0x17: {  	s4 =	simm.s32 $0x1BF5;
	[smem:$0x3FB5] =	sst s0  }
0x18: {  	s0 =	sld [smem:$0x3F98];
	_ =	swait.ge [sflag:s4], $0x0  }
0x19: {  	s7 =	sld [smem:$0x3F99]  }
0x1a: {  	s8 =	sadd.s32 $0xFFFFE003, lr  }
0x1b: {  	s9 =	sadd.s32 $0xFFFFFEF7, lr;
	s5 =	simm.s32 $0xFFFFFFFF;
	p2 =	slt.u32 s8, $0xFFFFF086  }
0x1c: {  	p1 =	slt.u32 s9, $0xF7A;
	s5 =	simm.s32 @!p2 $0x0  }
0x1d: {  	s5 =	simm.s32 @p1 $0x1;
	p0 =	seq.s32 s7, s2  }
0x1e: {  	s7 =	smul.u32 @!p0 $0xF7A, s2;
	p2 =	seq.s32 @!p0 s5, $0x0  }
0x1f: {  	s9 =	smul.u32 $0xF7A, s1;
	s8 =	simm.s32 @!p0 $0x1BF5;
	p2 =	por !p2, p0  }
0x20: {  	[sflag:s8] =	ssyncset.s32 @!p0 $0xFFFFF086;
	s6 =	sadd.s32 @!p0 s3, s7;
	s7 =	simm.s32 @!p0 $0x108  }
0x21: {  	s3 =	sadd.s32 s3, s9;
	s6 =	sadd.s32 @!p0 $0x88, s6;
	s7 =	simm.s32 @p2 $0x1082  }
0x22: {  	[simem:s7], [sflag:s8] =	dma.local @!p0 [hbm:s6], $0xF7A  }
0x23: {  	s9 =	sor.u32 $0xD0000000, s2;
	s6 =	simm.s32 $0x108;
	_ =	swait.ge @!p0 [sflag:s8], $0x0  }
0x24: {  	s3 =	sadd.s32 $0x88, s3;
	s6 =	simm.s32 @!p1 $0x1082;
	[sflag:s4] =	ssyncset.s32 $0xFFFFF086  }
0x25: {  	[simem:s6], [sflag:s4] =	dma.local [hbm:s3], $0xF7A  }
0x26: {  	[smem:$0x3F99] =	sst s1;
	(tag) =	ssettag s2;
	_ =	strace s9  }
0x27: {  	s1 =	sld [smem:$0x3FA9]  }
0x28: {  	s2 =	sld [smem:$0x3FAA]  }
0x29: {  	s4 =	sld [smem:$0x3FAC]  }
0x2a: {  	p0 =	seq.s32 s5, $0x0;
	s5 =	sld [smem:$0x3FAD]  }
0x2b: {  	s6 =	sld [smem:$0x3FAE]  }
0x2c: {  	s7 =	sld [smem:$0x3FAF]  }
0x2d: {  	s3 =	simm.s32 $0x108;
	s8 =	sld [smem:$0x3FB0]  }
0x2e: {  	s3 =	simm.s32 @!p0 $0x1082;
	s9 =	sld [smem:$0x3FB1]  }
0x2f: {  	lr =	sadd.s32 s0, s3;
	s0 =	sld [smem:$0x3FA8]  }
0x30: {  	s3 =	sld [smem:$0x3FAB]  }
0x31: {  	[smem:$0x3FB4] =	sst s10  }
0x32: {  	s10 =	sld [smem:$0x3FB2];
	_ =	sdelay $0x3  }
0x33: {  	p0 =	seq.s32 s10, $0x1;
	s10 =	sld [smem:$0x3FB4];
	_ =	sdelay $0x3  }
0x34: {  	[smem:$0x3FB4] =	sst s10  }
0x35: {  	s10 =	sld [smem:$0x3FB3];
	_ =	sdelay $0x3  }
0x36: {  	p1 =	seq.s32 s10, $0x1;
	s10 =	sld [smem:$0x3FB4];
	_ =	sdelay $0x3  }
0x37: {  	[smem:$0x3FB4] =	sst s10  }
0x38: {  	s10 =	sld [smem:$0x3FB5]  }
0x39: {  	_ = 	snop;
	(pc) =	sbr.ind lr, $3  }
0x3a: {  	_ = 	snop  }
0x3b: {  	_ = 	snop  }
0x3c: {  	p2 =	seq.s32 s10, $0x1;
	s10 =	sld [smem:$0x3FB4]  }
0x3d: {  	_ =	shalt  }
0x3e: {  	_ =	shalt  }
0x3f: {  	_ =	shalt  }
0x40: {  	_ =	shalt  }
0x41: {  	_ =	shalt  }
0x42: {  	_ =	shalt  }
0x43: {  	_ =	shalt  }
0x44: {  	_ =	shalt  }
0x45: {  	_ =	shalt  }
0x46: {  	_ =	shalt  }
0x47: {  	_ =	shalt  }
0x48: {  	_ =	shalt  }
0x49: {  	_ =	shalt  }
0x4a: {  	_ =	shalt  }
0x4b: {  	_ =	shalt  }
0x4c: {  	_ =	shalt  }
0x4d: {  	_ =	shalt  }
0x4e: {  	_ =	shalt  }
0x4f: {  	_ =	shalt  }
0x50: {  	_ =	shalt  }
0x51: {  	_ =	shalt  }
0x52: {  	_ =	shalt  }
0x53: {  	_ =	shalt  }
0x54: {  	_ =	shalt  }
0x55: {  	_ =	shalt  }
0x56: {  	_ =	shalt  }
0x57: {  	_ =	shalt  }
0x58: {  	_ =	shalt  }
0x59: {  	_ =	shalt  }
0x5a: {  	_ =	shalt  }
0x5b: {  	_ =	shalt  }
0x5c: {  	_ =	shalt  }
0x5d: {  	_ =	shalt  }
0x5e: {  	_ =	shalt  }
0x5f: {  	_ =	shalt  }
0x60: {  	_ =	shalt  }
0x61: {  	_ =	shalt  }
0x62: {  	_ =	shalt  }
0x63: {  	_ =	shalt  }
0x64: {  	_ =	shalt  }
0x65: {  	_ =	shalt  }
0x66: {  	_ =	shalt  }
0x67: {  	_ =	shalt  }
0x68: {  	_ =	shalt  }
0x69: {  	_ =	shalt  }
0x6a: {  	_ =	shalt  }
0x6b: {  	_ =	shalt  }
0x6c: {  	_ =	shalt  }
0x6d: {  	_ =	shalt  }
0x6e: {  	_ =	shalt  }
0x6f: {  	_ =	shalt  }
0x70: {  	_ =	shalt  }
0x71: {  	_ =	shalt  }
0x72: {  	_ =	shalt  }
0x73: {  	_ =	shalt  }
0x74: {  	_ =	shalt  }
0x75: {  	_ =	shalt  }
0x76: {  	_ =	shalt  }
0x77: {  	_ =	shalt  }
0x78: {  	_ =	shalt  }
0x79: {  	_ =	shalt  }
0x7a: {  	_ =	shalt  }
0x7b: {  	_ =	shalt  }
0x7c: {  	_ =	shalt  }
0x7d: {  	_ =	shalt  }
0x7e: {  	_ =	shalt  }
0x7f: {  	_ =	shalt  }
0x80: {  	_ =	shalt  }
0x81: {  	_ =	shalt  }
0x82: {  	_ =	shalt  }
0x83: {  	_ =	shalt  }
0x84: {  	_ =	shalt  }
0x85: {  	_ =	shalt  }
0x86: {  	_ =	shalt  }
0x87: {  	_ =	shalt  }
.Lfunc_end0:
.L_simem_size_0:
called_computation.1_lowered:
.L_overlay_start_0:
0x88: {  	s2 =	sld [smem:$0x3FD9]  }
0x89: {  	s3 =	sld [smem:$0x3FFE];
	_ =	sdelay $0x1  }
0x8a: {  	s1 =	srdreg.scid  }
0x8b: {  	s0 =	sand.u32 $0x1, s1  }
0x8c: {  	s17 =	sshll.u32 s0, $0xA;
	s2 =	sadd.s32 s3, s2  }
0x8d: {  	s2 =	sadd.s32 s2, s17  }
0x8e: {  	[smem:$0x3FC0] =	sst s2  }
0x8f: {  	_ = 	snop  }
0x90: {  	s2 =	sld [smem:$0x3FD0];
	(tm) =	ssettm $0x1  }
0x91: {  	s18 =	sld [smem:$0x3FFB];
	_ =	sdelay $0x3  }
0x92: {  	_ =	strace s18  }
0x93: {  	s3 =	sld [smem:$0x3FFC];
	_ =	sdelay $0x3  }
0x94: {  	_ =	strace s3  }
0x95: {  	s3 =	sld [smem:$0x3FFD];
	_ =	sdelay $0x3  }
0x96: {  	_ =	strace s3  }
0x97: {  	_ =	strace $0x8FFFFFFF  }
0x98: {  	s19 =	sld [smem:$0x3FDB];
	_ =	sdelay $0x1  }
0x99: {  	s4 =	simm.s32 $_scs_section_size  }
0x9a: {  	s5 =	simm.s32 $_size__tile_overlayer_lowered;
	s6 =	simm.s32 $_tile_overlayer_lowered  }
0x9b: {  	s22 =	simm.s32 $0x1BFF;
	s21 =	sshll.u32 s6, $0x1;
	s3 =	sadd.s32 s4, s19  }
0x9c: {  	s7 =	simm.s32 $0x0;
	s20 =	sshll.u32 s5, $0x1;
	s5 =	sadd.s32 s21, s3  }
0x9d: {  	[timem:s7], [sflag:s22] =	dma.local [hbm:s5], s20  }
0x9e: {  	_ =	swait.ge [sflag:s22], s20  }
0x9f: {  	s4 =	ssub.s32 $0x0, s20;
	[sflag:s22] =	ssyncset.done $0x0  }
0xa0: {  	[sflag:s22] =	ssyncadd.s32 s4;
	_ =	sdelay $0x1  }
0xa1: {  	s23 =	simm.s32 $0x1B8B  }
0xa2: {  	_ =	swait.ge [sflag:s23], $0x1  }
0xa3: {  	[sflag:s23] =	ssyncset.done $0x0  }
0xa4: {  	s25 =	simm.s32 $0x1B8E;
	s24 =	sld [smem:$0x3FFE];
	[sflag:s23] =	ssyncadd.s32 $0xFFFFFFFF  }
0xa5: {  	s26 =	simm.s32 $execute0_lowered;
	[smem:$0x3FD2] =	sst s25  }
0xa6: {  	s5 =	sshll.u32 s26, $0x1;
	_ =	strace $0x80000049;
	[dreg:$0x1] =	wrdreg $0xFFFFFFFF  }
0xa7: {  	s28 =	simm.s32 $_size_execute0_lowered;
	s3 =	sadd.s32 s3, s5;
	[dreg:$0x0] =	wrdreg $0x0  }
0xa8: {  	s5 =	sshll.u32 s28, $0x1;
	[dreg:$0x2] =	wrdreg s3  }
0xa9: {  	[dreg:$0x3] =	wrdreg s5  }
0xaa: {  	[dreg:$0x4] =	wrdreg $0xC0  }
0xab: {  	_ =	task [dreg:s7], $0x5FFFF  }
0xac: {  	[dreg:$0x1] =	wrdreg $0xFFFFFFFF  }
0xad: {  	[dreg:$0x0] =	wrdreg $0x60  }
0xae: {  	[dreg:$0x2] =	wrdreg s2  }
0xaf: {  	[dreg:$0x3] =	wrdreg s24  }
0xb0: {  	[dreg:$0x4] =	wrdreg $0xD0000  }
0xb1: {  	[dreg:$0x5] =	wrdreg $0x9  }
0xb2: {  	_ =	task.clear_ibuf [dreg:s7], $0x6FFFF;
	_ =	strace $0x90000049  }
0xb3: {  	s29 =	simm.s32 $0x9;
	_ =	strace $0x8000004B  }
0xb4: {  	_ =	swait.ge [sflag:s29], $0x1  }
0xb5: {  	[sflag:s29] =	ssyncadd.s32 $0xFFFFFFFF  }
0xb6: {  	_ =	strace $0x9000004B  }
0xb7: {  	_ =	sfence  }
0xb8: {  	s30 =	sld [smem:$0x0];
	_ =	sdelay $0x2  }
0xb9: {  	s31 =	sshll.u32 s1, $0xD;
	s1 =	sshrl.u32 s1, $0x2  }
0xba: {  	s3 =	sand.u32 $0x4000, s31;
	s1 =	sadd.s32 s1, s30  }
0xbb: {  	s0 =	sor.u32 s3, s0;
	s1 =	sshll.u32 s1, $0x11  }
0xbc: {  	s0 =	sor.u32 s1, s0  }
0xbd: {  	s0 =	sadd.s32 $0x8F2B, s0  }
0xbe: {  	[sflag:s0] =	ssyncadd.remote.s32 $0x1  }
0xbf: {  	_ =	sfence.sel $0xFFFF  }
0xc0: {  	[dreg:$0x0] =	wrdreg $0xFFFFFFFF;
	(pc) =	sbr.abs _section_cstart, $3  }
0xc1: {  	[dreg:$0x1] =	wrdreg $0xFFFFFFFF  }
0xc2: {  	_ =	task.clear_ibuf [dreg:s7], $0x2FFFF;
	_ =	strace $0x9FFFFFFF  }
0xc3: {  	(tm) =	ssettm $0x7FFFFFFF  }
tec
execute0_lowered:
.L_overlay_start_1:
0x0: {  	(tag) =	ssettag $0x1  }
0x1: {  	s0 =	srdreg.scid;
	s2 =	rddreg [dreg:$0x0]  }
0x2: {  	s8 =	stileid.u32;
	s6 =	rddreg [dreg:$0x1]  }
0x3: {  	s3 =	rddreg [dreg:$0x2];
	s4 =	simm.s32 $0x0;
	s14 =	simm.s32 $0x5000  }
0x4: {  	s15 =	simm.s32 $0x5;
	s16 =	simm.s32 $0x2800;
	s17 =	simm.s32 $0x80  }
0x5: {  	s18 =	simm.s32 $0x7000;
	s20 =	simm.s32 $0x9000;
	s22 =	simm.s32 $0xB000  }
0x6: {  	s23 =	simm.s32 $0x1;
	s29 =	simm.s32 $0x3;
	s28 =	simm.s32 $0x4F80  }
0x7: {  	s30 =	simm.s32 $0x10;
	s31 =	simm.s32 $0x8;
	s7 =	smul.u32 $0x14000, s8  }
0x8: {  	s0 =	sand.u32 $0x1, s0;
	s1 =	sshll.u32 s8, $0x1;
	s8 =	smul.u32 $0x28000, s8  }
0x9: {  	[smem:$0x7FF] =	sst s4;
	s1 =	sor.u32 s0, s1;
	s5 =	smul.u32 $0x140000, s0  }
0xa: {  	_ =	strace $0x8000004A;
	s0 =	ssub.s32 $0x2, s0;
	s1 =	smul.u32 $0x500, s1  }
0xb: {  	s25 =	sshrl.u32 s8, $0x2;
	s9 =	sshrl.u32 s0, $0x1;
	s5 =	sadd.s32 s7, s5  }
0xc: {  	s0 =	ssub.s32 s0, s9;
	s1 =	sadd.s32 s1, s6;
	s26 =	sshrl.u32 s5, $0x3  }
0xd: {  	s5 =	sadd.s32 s25, s3;
	s13 =	smax.u32 s0, $0x1;
	s25 =	simm.s32 $0x2  }
0xe: {  	s12 =	sadd.s32 s26, s6;
	s6 =	sadd.s32 $0x2000, s5;
	s7 =	sadd.s32 $0x4000, s5  }
0xf: {  	s8 =	sadd.s32 $0x6000, s5;
	s9 =	sadd.s32 $0x8000, s5;
	s10 =	sadd.s32 $0xB600, s1  }
0x10: {  	v0 =	vimm.f32 $0.0e+00;
	s11 =	sadd.s32 $0x1600, s1;
	s1 =	simm.s32 $0x4;
	s12 =	sadd.s32 $0x15600, s12  }
.LBB2_1:
0x11: {  	s19 =	simm.s32 $0x100;
	s0 =	simm.s32 $0x0  }
.LBB2_2:
0x12: {  	p0 =	sne.s32 s19, $0x7F00;
	[tilespmem:s0+$0x5030] =	vst v0;
	s21 =	smov.u32 s19;
	s19 =	sadd.s32 $0x100, s19  }
.Ltmp0:
0x13: {  	[tilespmem:s0+$0x5020] =	vst v0;
	(pc) =	sbr.rel @p0 .LBB2_2-.Ltmp0, $3  }
0x14: {  	[tilespmem:s0+$0x5000] =	vst v0  }
0x15: {  	[tilespmem:s0+$0x5010] =	vst v0;
	_ =	sdelay $0x1  }
0x16: {  	s0 =	sshra.s32 s21, $0x2  }
0x17: {  	[tilespmem:s0+$0x5030] =	vst v0  }
0x18: {  	[tilespmem:s0+$0x5020] =	vst v0  }
0x19: {  	[tilespmem:s0+$0x5000] =	vst v0  }
0x1a: {  	[tilespmem:s0+$0x5010] =	vst v0  }
0x1b: {  	[spmem:s5] =	stream.linear.scatter [tilespmem:s14], [sflag:$0x5], $0x2000, $0x38;
	[tilespmem:$0x17000] =	vst v63  }
0x1c: {  	_ =	swait.ge [sflag:s15], $0x2000  }
0x1d: {  	[sflag:s15] =	ssyncset.done $0x0  }
0x1e: {  	[sflag:s15] =	ssyncadd.s32 $0xFFFFE000  }
0x1f: {  	[spmem:s6] =	stream.linear.scatter [tilespmem:s14], [sflag:$0x5], $0x2000, $0x38;
	[tilespmem:$0x17000] =	vst v63  }
0x20: {  	_ =	swait.ge [sflag:s15], $0x2000  }
0x21: {  	[sflag:s15] =	ssyncset.done $0x0  }
0x22: {  	[sflag:s15] =	ssyncadd.s32 $0xFFFFE000  }
0x23: {  	[spmem:s7] =	stream.linear.scatter [tilespmem:s14], [sflag:$0x5], $0x2000, $0x38;
	[tilespmem:$0x17000] =	vst v63  }
0x24: {  	_ =	swait.ge [sflag:s15], $0x2000  }
0x25: {  	[sflag:s15] =	ssyncset.done $0x0  }
0x26: {  	[sflag:s15] =	ssyncadd.s32 $0xFFFFE000  }
0x27: {  	[spmem:s8] =	stream.linear.scatter [tilespmem:s14], [sflag:$0x5], $0x2000, $0x38;
	[tilespmem:$0x17000] =	vst v63  }
0x28: {  	_ =	swait.ge [sflag:s15], $0x2000  }
0x29: {  	[sflag:s15] =	ssyncset.done $0x0  }
0x2a: {  	[sflag:s15] =	ssyncadd.s32 $0xFFFFE000  }
0x2b: {  	[spmem:s9] =	stream.linear.scatter [tilespmem:s14], [sflag:$0x5], $0x2000, $0x38;
	[tilespmem:$0x17000] =	vst v63  }
0x2c: {  	_ =	swait.ge [sflag:s15], $0x2000  }
0x2d: {  	[sflag:s15] =	ssyncset.done $0x0  }
0x2e: {  	s26 =	simm.s32 $0x0;
	[sflag:s15] =	ssyncadd.s32 $0xFFFFE000  }
0x2f: {  	[tilespmem:s26], [sflag:$0x5] =	stream.linear.gather [hbm4b:s10+s26], $0x2800, $0x38;
	[tilespmem:$0x17000] =	vst v63  }
0x30: {  	_ =	swait.ge [sflag:s15], $0x2800  }
0x31: {  	[sflag:s15] =	ssyncset.done $0x0  }
0x32: {  	[sflag:s15] =	ssyncadd.s32 $0xFFFFD800  }
0x33: {  	[tilespmem:s16], [sflag:$0x5] =	stream.linear.gather [hbm4b:s11+s26], $0x2800, $0x38;
	[tilespmem:$0x17000] =	vst v63  }
0x34: {  	_ =	swait.ge [sflag:s15], $0x2800  }
0x35: {  	[sflag:s15] =	ssyncset.done $0x0  }
0x36: {  	[sflag:s15] =	ssyncadd.s32 $0xFFFFD800  }
0x37: {  	[bflag:$0x0] =	sbarrier.arrive $0xFFFF  }
0x38: {  	[tilespmem:s14], [sflag:$0x1] =	stream.indirect.gather [hbm4b:s2+s17], $0x40, s26, s17, $0xb8;
	[tilespmem:$0x17000] =	vst v63  }
0x39: {  	_ = 	snop  }
0x3a: {  	[tilespmem:s18], [sflag:$0x2] =	stream.indirect.gather [hbm4b:s2+s17], $0x40, s17, s17, $0xb8;
	[tilespmem:$0x17000] =	vst v63  }
0x3b: {  	s19 =	simm.s32 $0x100  }
0x3c: {  	[tilespmem:s20], [sflag:$0x3] =	stream.indirect.gather [hbm4b:s2+s17], $0x40, s19, s17, $0xb8;
	[tilespmem:$0x17000] =	vst v63  }
0x3d: {  	s21 =	simm.s32 $0x180  }
0x3e: {  	[tilespmem:s22], [sflag:$0x4] =	stream.indirect.gather [hbm4b:s2+s17], $0x40, s21, s17, $0xb8;
	[tilespmem:$0x17000] =	vst v63  }
0x3f: {  	_ =	swait.ge [sflag:s23], $0x2000  }
0x40: {  	[sflag:s23] =	ssyncset.done $0x0  }
0x41: {  	[sflag:s23] =	ssyncadd.s32 $0xFFFFE000  }
0x42: {  	[spmem:s3] =	stream.indirect.scatter.add.f32 [tilespmem:s14], [sflag:$0x5], $0x40, s16, s17, $0xb8;
	[tilespmem:$0x17000] =	vst v63  }
0x43: {  	_ =	swait.ge [sflag:s15], $0x2000  }
0x44: {  	[sflag:s15] =	ssyncset.done $0x0  }
0x45: {  	s24 =	simm.s32 $0x200;
	[sflag:s15] =	ssyncadd.s32 $0xFFFFE000  }
0x46: {  	[tilespmem:s14], [sflag:$0x1] =	stream.indirect.gather [hbm4b:s2+s17], $0x40, s24, s17, $0xb8;
	[tilespmem:$0x17000] =	vst v63  }
0x47: {  	_ =	swait.ge [sflag:s25], $0x2000  }
0x48: {  	[sflag:s25] =	ssyncset.done $0x0  }
0x49: {  	s26 =	simm.s32 $0x2880;
	[sflag:s25] =	ssyncadd.s32 $0xFFFFE000  }
0x4a: {  	[spmem:s3] =	stream.indirect.scatter.add.f32 [tilespmem:s18], [sflag:$0x5], $0x40, s26, s17, $0xb8;
	[tilespmem:$0x17000] =	vst v63  }
0x4b: {  	_ =	swait.ge [sflag:s15], $0x2000  }
0x4c: {  	[sflag:s15] =	ssyncset.done $0x0  }
0x4d: {  	s19 =	simm.s32 $0x280;
	[sflag:s15] =	ssyncadd.s32 $0xFFFFE000  }
0x4e: {  	[tilespmem:s18], [sflag:$0x2] =	stream.indirect.gather [hbm4b:s2+s17], $0x40, s19, s17, $0xb8;
	[tilespmem:$0x17000] =	vst v63  }
0x4f: {  	_ =	swait.ge [sflag:s29], $0x2000  }
0x50: {  	[sflag:s29] =	ssyncset.done $0x0  }
0x51: {  	s21 =	simm.s32 $0x2900;
	[sflag:s29] =	ssyncadd.s32 $0xFFFFE000  }
0x52: {  	[spmem:s3] =	stream.indirect.scatter.add.f32 [tilespmem:s20], [sflag:$0x5], $0x40, s21, s17, $0xb8;
	[tilespmem:$0x17000] =	vst v63  }
0x53: {  	_ =	swait.ge [sflag:s15], $0x2000  }
0x54: {  	[sflag:s15] =	ssyncset.done $0x0  }
0x55: {  	s24 =	simm.s32 $0x300;
	[sflag:s15] =	ssyncadd.s32 $0xFFFFE000  }
0x56: {  	[tilespmem:s20], [sflag:$0x3] =	stream.indirect.gather [hbm4b:s2+s17], $0x40, s24, s17, $0xb8;
	[tilespmem:$0x17000] =	vst v63  }
0x57: {  	_ =	swait.ge [sflag:s1], $0x2000  }
0x58: {  	[sflag:s1] =	ssyncset.done $0x0  }
0x59: {  	s26 =	simm.s32 $0x2980;
	[sflag:s1] =	ssyncadd.s32 $0xFFFFE000  }
0x5a: {  	[spmem:s3] =	stream.indirect.scatter.add.f32 [tilespmem:s22], [sflag:$0x5], $0x40, s26, s17, $0xb8;
	[tilespmem:$0x17000] =	vst v63  }
0x5b: {  	_ =	swait.ge [sflag:s15], $0x2000  }
0x5c: {  	[sflag:s15] =	ssyncset.done $0x0  }
0x5d: {  	s19 =	simm.s32 $0x380;
	[sflag:s15] =	ssyncadd.s32 $0xFFFFE000  }
0x5e: {  	[tilespmem:s22], [sflag:$0x4] =	stream.indirect.gather [hbm4b:s2+s17], $0x40, s19, s17, $0xb8;
	[tilespmem:$0x17000] =	vst v63  }
0x5f: {  	_ =	swait.ge [sflag:s23], $0x2000  }
0x60: {  	[sflag:s23] =	ssyncset.done $0x0  }
0x61: {  	s21 =	simm.s32 $0x2A00;
	[sflag:s23] =	ssyncadd.s32 $0xFFFFE000  }
0x62: {  	[spmem:s3] =	stream.indirect.scatter.add.f32 [tilespmem:s14], [sflag:$0x5], $0x40, s21, s17, $0xb8;
	[tilespmem:$0x17000] =	vst v63  }
0x63: {  	_ =	swait.ge [sflag:s15], $0x2000  }
0x64: {  	[sflag:s15] =	ssyncset.done $0x0  }
0x65: {  	s24 =	simm.s32 $0x400;
	[sflag:s15] =	ssyncadd.s32 $0xFFFFE000  }
0x66: {  	[tilespmem:s14], [sflag:$0x1] =	stream.indirect.gather [hbm4b:s2+s17], $0x40, s24, s17, $0xb8;
	[tilespmem:$0x17000] =	vst v63  }
0x67: {  	_ =	swait.ge [sflag:s25], $0x2000  }
0x68: {  	[sflag:s25] =	ssyncset.done $0x0  }
0x69: {  	s26 =	simm.s32 $0x2A80;
	[sflag:s25] =	ssyncadd.s32 $0xFFFFE000  }
0x6a: {  	[spmem:s3] =	stream.indirect.scatter.add.f32 [tilespmem:s18], [sflag:$0x5], $0x40, s26, s17, $0xb8;
	[tilespmem:$0x17000] =	vst v63  }
0x6b: {  	_ =	swait.ge [sflag:s15], $0x2000  }
0x6c: {  	[sflag:s15] =	ssyncset.done $0x0  }
0x6d: {  	s19 =	simm.s32 $0x480;
	[sflag:s15] =	ssyncadd.s32 $0xFFFFE000  }
0x6e: {  	[tilespmem:s18], [sflag:$0x2] =	stream.indirect.gather [hbm4b:s2+s17], $0x40, s19, s17, $0xb8;
	[tilespmem:$0x17000] =	vst v63  }
0x6f: {  	_ =	swait.ge [sflag:s29], $0x2000  }
0x70: {  	[sflag:s29] =	ssyncset.done $0x0  }
0x71: {  	s21 =	simm.s32 $0x2B00;
	[sflag:s29] =	ssyncadd.s32 $0xFFFFE000  }
0x72: {  	[spmem:s3] =	stream.indirect.scatter.add.f32 [tilespmem:s20], [sflag:$0x5], $0x40, s21, s17, $0xb8;
	[tilespmem:$0x17000] =	vst v63  }
0x73: {  	_ =	swait.ge [sflag:s15], $0x2000  }
0x74: {  	[sflag:s15] =	ssyncset.done $0x0  }
0x75: {  	s24 =	simm.s32 $0x500;
	[sflag:s15] =	ssyncadd.s32 $0xFFFFE000  }
0x76: {  	[tilespmem:s20], [sflag:$0x3] =	stream.indirect.gather [hbm4b:s2+s17], $0x40, s24, s17, $0xb8;
	[tilespmem:$0x17000] =	vst v63  }
0x77: {  	_ =	swait.ge [sflag:s1], $0x2000  }
0x78: {  	[sflag:s1] =	ssyncset.done $0x0  }
0x79: {  	s26 =	simm.s32 $0x2B80;
	[sflag:s1] =	ssyncadd.s32 $0xFFFFE000  }
0x7a: {  	[spmem:s3] =	stream.indirect.scatter.add.f32 [tilespmem:s22], [sflag:$0x5], $0x40, s26, s17, $0xb8;
	[tilespmem:$0x17000] =	vst v63  }
0x7b: {  	_ =	swait.ge [sflag:s15], $0x2000  }
0x7c: {  	s0 =	simm.s32 $0x1000;
	s19 =	simm.s32 $0x200;
	[sflag:s15] =	ssyncset.done $0x0  }
.LBB2_4:
0x7d: {  	s26 =	sadd.s32 $0x380, s19  }
0x7e: {  	[sflag:s15] =	ssyncadd.s32 $0xFFFFE000;
	s21 =	smov.u32 s0;
	s24 =	sadd.s32 $0x800, s0  }
0x7f: {  	[tilespmem:s22], [sflag:$0x4] =	stream.indirect.gather [hbm4b:s2+s17], $0x40, s26, s17, $0xb8;
	[tilespmem:$0x17000] =	vst v63  }
0x80: {  	p0 =	sne.s32 s0, $0x8800;
	_ =	swait.ge [sflag:s23], $0x2000  }
0x81: {  	[sflag:s23] =	ssyncset.done $0x0  }
0x82: {  	s0 =	sadd.s32 $0x2A00, s19;
	[sflag:s23] =	ssyncadd.s32 $0xFFFFE000  }
0x83: {  	[spmem:s3] =	stream.indirect.scatter.add.f32 [tilespmem:s14], [sflag:$0x5], $0x40, s0, s17, $0xb8;
	[tilespmem:$0x17000] =	vst v63  }
0x84: {  	_ =	swait.ge [sflag:s15], $0x2000  }
0x85: {  	[sflag:s15] =	ssyncset.done $0x0  }
0x86: {  	s0 =	sadd.s32 $0x400, s19;
	[sflag:s15] =	ssyncadd.s32 $0xFFFFE000  }
0x87: {  	[tilespmem:s14], [sflag:$0x1] =	stream.indirect.gather [hbm4b:s2+s17], $0x40, s0, s17, $0xb8;
	[tilespmem:$0x17000] =	vst v63  }
0x88: {  	_ =	swait.ge [sflag:s25], $0x2000  }
0x89: {  	[sflag:s25] =	ssyncset.done $0x0  }
0x8a: {  	s0 =	sadd.s32 $0x2A80, s19;
	[sflag:s25] =	ssyncadd.s32 $0xFFFFE000  }
0x8b: {  	[spmem:s3] =	stream.indirect.scatter.add.f32 [tilespmem:s18], [sflag:$0x5], $0x40, s0, s17, $0xb8;
	[tilespmem:$0x17000] =	vst v63  }
0x8c: {  	_ =	swait.ge [sflag:s15], $0x2000  }
0x8d: {  	[sflag:s15] =	ssyncset.done $0x0  }
0x8e: {  	s0 =	sadd.s32 $0x480, s19;
	[sflag:s15] =	ssyncadd.s32 $0xFFFFE000  }
0x8f: {  	[tilespmem:s18], [sflag:$0x2] =	stream.indirect.gather [hbm4b:s2+s17], $0x40, s0, s17, $0xb8;
	[tilespmem:$0x17000] =	vst v63  }
0x90: {  	_ =	swait.ge [sflag:s29], $0x2000  }
0x91: {  	[sflag:s29] =	ssyncset.done $0x0  }
0x92: {  	s0 =	sadd.s32 $0x2B00, s19;
	[sflag:s29] =	ssyncadd.s32 $0xFFFFE000  }
0x93: {  	[spmem:s3] =	stream.indirect.scatter.add.f32 [tilespmem:s20], [sflag:$0x5], $0x40, s0, s17, $0xb8;
	[tilespmem:$0x17000] =	vst v63  }
0x94: {  	_ =	swait.ge [sflag:s15], $0x2000  }
0x95: {  	[sflag:s15] =	ssyncset.done $0x0  }
0x96: {  	s0 =	sadd.s32 $0x500, s19;
	[sflag:s15] =	ssyncadd.s32 $0xFFFFE000  }
0x97: {  	[tilespmem:s20], [sflag:$0x3] =	stream.indirect.gather [hbm4b:s2+s17], $0x40, s0, s17, $0xb8;
	[tilespmem:$0x17000] =	vst v63  }
0x98: {  	_ =	swait.ge [sflag:s1], $0x2000  }
.Ltmp1:
0x99: {  	[sflag:s1] =	ssyncset.done $0x0;
	(pc) =	sbr.rel @p0 .LBB2_4-.Ltmp1, $4  }
0x9a: {  	s0 =	sadd.s32 $0x2B80, s19;
	[sflag:s1] =	ssyncadd.s32 $0xFFFFE000  }
0x9b: {  	[spmem:s3] =	stream.indirect.scatter.add.f32 [tilespmem:s22], [sflag:$0x5], $0x40, s0, s17, $0xb8;
	[tilespmem:$0x17000] =	vst v63  }
0x9c: {  	_ =	swait.ge [sflag:s15], $0x2000  }
0x9d: {  	s19 =	sshra.s32 s21, $0x2;
	s0 =	smov.u32 s24;
	[sflag:s15] =	ssyncset.done $0x0  }
0x9e: {  	s0 =	sadd.s32 $0x380, s19;
	[sflag:s15] =	ssyncadd.s32 $0xFFFFE000  }
0x9f: {  	[tilespmem:s22], [sflag:$0x4] =	stream.indirect.gather [hbm4b:s2+s17], $0x40, s0, s17, $0xb8;
	[tilespmem:$0x17000] =	vst v63  }
0xa0: {  	_ =	swait.ge [sflag:s23], $0x2000  }
0xa1: {  	[sflag:s23] =	ssyncset.done $0x0  }
0xa2: {  	s21 =	sadd.s32 $0x2A00, s19;
	[sflag:s23] =	ssyncadd.s32 $0xFFFFE000  }
0xa3: {  	[spmem:s3] =	stream.indirect.scatter.add.f32 [tilespmem:s14], [sflag:$0x5], $0x40, s21, s17, $0xb8;
	[tilespmem:$0x17000] =	vst v63  }
0xa4: {  	_ =	swait.ge [sflag:s15], $0x2000  }
0xa5: {  	[sflag:s15] =	ssyncset.done $0x0  }
0xa6: {  	s24 =	sadd.s32 $0x400, s19;
	[sflag:s15] =	ssyncadd.s32 $0xFFFFE000  }
0xa7: {  	[tilespmem:s14], [sflag:$0x1] =	stream.indirect.gather [hbm4b:s2+s17], $0x40, s24, s17, $0xb8;
	[tilespmem:$0x17000] =	vst v63  }
0xa8: {  	_ =	swait.ge [sflag:s25], $0x2000  }
0xa9: {  	[sflag:s25] =	ssyncset.done $0x0  }
0xaa: {  	s26 =	sadd.s32 $0x2A80, s19;
	[sflag:s25] =	ssyncadd.s32 $0xFFFFE000  }
0xab: {  	[spmem:s3] =	stream.indirect.scatter.add.f32 [tilespmem:s18], [sflag:$0x5], $0x40, s26, s17, $0xb8;
	[tilespmem:$0x17000] =	vst v63  }
0xac: {  	_ =	swait.ge [sflag:s15], $0x2000  }
0xad: {  	[sflag:s15] =	ssyncset.done $0x0  }
0xae: {  	s21 =	sadd.s32 $0x480, s19;
	[sflag:s15] =	ssyncadd.s32 $0xFFFFE000  }
0xaf: {  	[tilespmem:s18], [sflag:$0x2] =	stream.indirect.gather [hbm4b:s2+s17], $0x40, s21, s17, $0xb8;
	[tilespmem:$0x17000] =	vst v63  }
0xb0: {  	_ =	swait.ge [sflag:s29], $0x2000  }
0xb1: {  	[sflag:s29] =	ssyncset.done $0x0  }
0xb2: {  	s24 =	sadd.s32 $0x2B00, s19;
	[sflag:s29] =	ssyncadd.s32 $0xFFFFE000  }
0xb3: {  	[spmem:s3] =	stream.indirect.scatter.add.f32 [tilespmem:s20], [sflag:$0x5], $0x40, s24, s17, $0xb8;
	[tilespmem:$0x17000] =	vst v63  }
0xb4: {  	_ =	swait.ge [sflag:s15], $0x2000  }
0xb5: {  	[sflag:s15] =	ssyncset.done $0x0  }
0xb6: {  	s26 =	sadd.s32 $0x500, s19;
	[sflag:s15] =	ssyncadd.s32 $0xFFFFE000  }
0xb7: {  	[tilespmem:s20], [sflag:$0x3] =	stream.indirect.gather [hbm4b:s2+s17], $0x40, s26, s17, $0xb8;
	[tilespmem:$0x17000] =	vst v63  }
0xb8: {  	_ =	swait.ge [sflag:s1], $0x2000  }
0xb9: {  	[sflag:s1] =	ssyncset.done $0x0  }
0xba: {  	s21 =	sadd.s32 $0x2B80, s19;
	[sflag:s1] =	ssyncadd.s32 $0xFFFFE000  }
0xbb: {  	[spmem:s3] =	stream.indirect.scatter.add.f32 [tilespmem:s22], [sflag:$0x5], $0x40, s21, s17, $0xb8;
	[tilespmem:$0x17000] =	vst v63  }
0xbc: {  	_ =	swait.ge [sflag:s15], $0x2000  }
0xbd: {  	[sflag:s15] =	ssyncset.done $0x0  }
0xbe: {  	s24 =	simm.s32 $0x2780;
	[sflag:s15] =	ssyncadd.s32 $0xFFFFE000  }
0xbf: {  	[tilespmem:s22], [sflag:$0x4] =	stream.indirect.gather [hbm4b:s2+s17], $0x40, s24, s17, $0xb8;
	[tilespmem:$0x17000] =	vst v63  }
0xc0: {  	_ =	swait.ge [sflag:s23], $0x2000  }
0xc1: {  	[sflag:s23] =	ssyncset.done $0x0  }
0xc2: {  	s26 =	simm.s32 $0x4E00;
	[sflag:s23] =	ssyncadd.s32 $0xFFFFE000  }
0xc3: {  	[spmem:s3] =	stream.indirect.scatter.add.f32 [tilespmem:s14], [sflag:$0x5], $0x40, s26, s17, $0xb8;
	[tilespmem:$0x17000] =	vst v63  }
0xc4: {  	_ =	swait.ge [sflag:s15], $0x2000  }
0xc5: {  	[sflag:s15] =	ssyncset.done $0x0  }
0xc6: {  	[sflag:s15] =	ssyncadd.s32 $0xFFFFE000  }
0xc7: {  	_ =	swait.ge [sflag:s25], $0x2000  }
0xc8: {  	[sflag:s25] =	ssyncset.done $0x0  }
0xc9: {  	s19 =	simm.s32 $0x4E80;
	[sflag:s25] =	ssyncadd.s32 $0xFFFFE000  }
0xca: {  	[spmem:s3] =	stream.indirect.scatter.add.f32 [tilespmem:s18], [sflag:$0x5], $0x40, s19, s17, $0xb8;
	[tilespmem:$0x17000] =	vst v63  }
0xcb: {  	_ =	swait.ge [sflag:s15], $0x2000  }
0xcc: {  	[sflag:s15] =	ssyncset.done $0x0  }
0xcd: {  	[sflag:s15] =	ssyncadd.s32 $0xFFFFE000  }
0xce: {  	_ =	swait.ge [sflag:s29], $0x2000  }
0xcf: {  	[sflag:s29] =	ssyncset.done $0x0  }
0xd0: {  	s21 =	simm.s32 $0x4F00;
	[sflag:s29] =	ssyncadd.s32 $0xFFFFE000  }
0xd1: {  	[spmem:s3] =	stream.indirect.scatter.add.f32 [tilespmem:s20], [sflag:$0x5], $0x40, s21, s17, $0xb8;
	[tilespmem:$0x17000] =	vst v63  }
0xd2: {  	_ =	swait.ge [sflag:s15], $0x2000  }
0xd3: {  	[sflag:s15] =	ssyncset.done $0x0  }
0xd4: {  	[sflag:s15] =	ssyncadd.s32 $0xFFFFE000  }
0xd5: {  	_ =	swait.ge [sflag:s1], $0x2000  }
0xd6: {  	[sflag:s1] =	ssyncset.done $0x0  }
0xd7: {  	[sflag:s1] =	ssyncadd.s32 $0xFFFFE000  }
0xd8: {  	[spmem:s3] =	stream.indirect.scatter.add.f32 [tilespmem:s22], [sflag:$0x5], $0x40, s28, s17, $0xb8;
	[tilespmem:$0x17000] =	vst v63  }
0xd9: {  	s24 =	stileid.u32;
	_ =	swait.ge [sflag:s15], $0x2000  }
0xda: {  	s4 =	sadd.s32 $0x1, s4;
	s0 =	sshll.u32 s24, $0x6;
	[sflag:s15] =	ssyncset.done $0x0  }
0xdb: {  	p0 =	sne.s32 s4, s13;
	s0 =	sor.u32 $0x1C05, s0;
	[sflag:s15] =	ssyncadd.s32 $0xFFFFE000  }
.Ltmp2:
0xdc: {  	s26 =	sshrl.u32 s5, $0x3;
	[bflag:$0x0] =	sbarrier.arrive $0xFFFF;
	(pc) =	sbr.rel @p0 .LBB2_1-.Ltmp2, $4  }
0xdd: {  	[hbm:s12@s30], [sflag:s0] =	dma.strided [spmem:s26@s31], $0x1400, s23, $0x8   }
0xde: {  	_ =	swait.ge [sflag:s15], $0x1400  }
0xdf: {  	[sflag:s15] =	ssyncset.done $0x0  }
0xe0: {  	[sflag:s15] =	ssyncadd.s32 $0xFFFFEC00  }
0xe1: {  	_ =	sfence.sel $0x180000  }
0xe2: {  	[bflag:$0x0] =	sbarrier.arrive $0xFFFF  }
0xe3: {  	_ =	strace $0x9000004A  }
0xe4: {  	s0 =	stileid.u32;
	[bflag:$0x2] =	sbarrier.arrive $0xFFFF  }
0xe5: {  	p0 =	sne.s32 s0, $0x0;
	s0 =	rddreg [dreg:$0x3]  }
0xe6: {  	s0 =	sadd.s32 @!p0 $0x100000, s0  }
0xe7: {  	[sflag:s0] =	ssyncadd.tile.s32 @!p0 $0x1;
	_ =	shalt  }
.Lfunc_end2:
_tile_overlayer_lowered:
.L_overlay_start_2:
0xe8: {  	(tag) =	ssettag $0x2  }
0xe9: {  	s0 =	rddreg [dreg:$0x0];
	s2 =	stileid.u32  }
0xea: {  	s1 =	rddreg [dreg:$0x1];
	p0 =	sne.s32 s2, $0x0  }
0xeb: {  	s3 =	rddreg [dreg:$0x2];
	[bflag:$0x3] =	sbarrier.arrive $0xFFFF;
	s2 =	simm.s32 @!p0 $0x1C05  }
0xec: {  	[timem:s3], [sflag:s2] =	dma.local @!p0 [hbm:s0], s1  }
0xed: {  	s0 =	simm.s32 @!p0 $0x5  }
0xee: {  	_ =	swait.ge @!p0 [sflag:s0], s1  }
0xef: {  	s1 =	ssub.s32 @!p0 $0x0, s1;
	[sflag:s0] =	ssyncset.done @!p0 $0x0  }
0xf0: {  	[sflag:s0] =	ssyncadd.s32 @!p0 s1  }
0xf1: {  	[bflag:$0x3] =	sbarrier.arrive $0xFFFF  }
0xf2: {  	_ =	shalt  }

// kernel: kernel.7.cloned.1.call-start
scs
__scs_entry_jumppad:
0x0: {  	(pc) =	sbr.rel $0x88, $3  }
0x1: {  	(tag) =	ssettag $0x0;
	lr =	simm.s32 $0x1  }
0x2: {  	[smem:$0x3F99] =	sst lr;
	_ =	strace $0xD0000000  }
0x3: {  	_ = 	snop  }
0x4: {  	_ = 	snop  }
0x5: {  	_ = 	snop  }
0x6: {  	_ = 	snop  }
0x7: {  	_ = 	snop  }
__scs_overlays_trampoline_lowered:
0x8: {  	[smem:$0x3FA8] =	sst s0  }
0x9: {  	[smem:$0x3FA9] =	sst s1  }
0xa: {  	[smem:$0x3FAA] =	sst s2  }
0xb: {  	[smem:$0x3FAB] =	sst s3  }
0xc: {  	[smem:$0x3FAC] =	sst s4  }
0xd: {  	[smem:$0x3FAD] =	sst s5  }
0xe: {  	[smem:$0x3FAE] =	sst s6  }
0xf: {  	[smem:$0x3FAF] =	sst s7  }
0x10: {  	[smem:$0x3FB0] =	sst s8  }
0x11: {  	[smem:$0x3FB1] =	sst s9;
	s0 =	simm.s32 @!p0 $0x0  }
0x12: {  	s1 =	sld [smem:$0x3F97];
	s0 =	simm.s32 @p0 $0x1  }
0x13: {  	[smem:$0x3FB2] =	sst s0;
	s0 =	simm.s32 @!p1 $0x0  }
0x14: {  	s2 =	sld [smem:$0x3F96];
	s0 =	simm.s32 @p1 $0x1  }
0x15: {  	[smem:$0x3FB3] =	sst s0;
	s0 =	simm.s32 @!p2 $0x0  }
0x16: {  	s3 =	sld [smem:$0x3FDB];
	s0 =	simm.s32 @p2 $0x1  }
0x17: {  	s4 =	simm.s32 $0x1BF5;
	[smem:$0x3FB5] =	sst s0  }
0x18: {  	s0 =	sld [smem:$0x3F98];
	_ =	swait.ge [sflag:s4], $0x0  }
0x19: {  	s7 =	sld [smem:$0x3F99]  }
0x1a: {  	s8 =	sadd.s32 $0xFFFFE003, lr  }
0x1b: {  	s9 =	sadd.s32 $0xFFFFFEF7, lr;
	s5 =	simm.s32 $0xFFFFFFFF;
	p2 =	slt.u32 s8, $0xFFFFF086  }
0x1c: {  	p1 =	slt.u32 s9, $0xF7A;
	s5 =	simm.s32 @!p2 $0x0  }
0x1d: {  	s5 =	simm.s32 @p1 $0x1;
	p0 =	seq.s32 s7, s2  }
0x1e: {  	s7 =	smul.u32 @!p0 $0xF7A, s2;
	p2 =	seq.s32 @!p0 s5, $0x0  }
0x1f: {  	s9 =	smul.u32 $0xF7A, s1;
	s8 =	simm.s32 @!p0 $0x1BF5;
	p2 =	por !p2, p0  }
0x20: {  	[sflag:s8] =	ssyncset.s32 @!p0 $0xFFFFF086;
	s6 =	sadd.s32 @!p0 s3, s7;
	s7 =	simm.s32 @!p0 $0x108  }
0x21: {  	s3 =	sadd.s32 s3, s9;
	s6 =	sadd.s32 @!p0 $0x88, s6;
	s7 =	simm.s32 @p2 $0x1082  }
0x22: {  	[simem:s7], [sflag:s8] =	dma.local @!p0 [hbm:s6], $0xF7A  }
0x23: {  	s9 =	sor.u32 $0xD0000000, s2;
	s6 =	simm.s32 $0x108;
	_ =	swait.ge @!p0 [sflag:s8], $0x0  }
0x24: {  	s3 =	sadd.s32 $0x88, s3;
	s6 =	simm.s32 @!p1 $0x1082;
	[sflag:s4] =	ssyncset.s32 $0xFFFFF086  }
0x25: {  	[simem:s6], [sflag:s4] =	dma.local [hbm:s3], $0xF7A  }
0x26: {  	[smem:$0x3F99] =	sst s1;
	(tag) =	ssettag s2;
	_ =	strace s9  }
0x27: {  	s1 =	sld [smem:$0x3FA9]  }
0x28: {  	s2 =	sld [smem:$0x3FAA]  }
0x29: {  	s4 =	sld [smem:$0x3FAC]  }
0x2a: {  	p0 =	seq.s32 s5, $0x0;
	s5 =	sld [smem:$0x3FAD]  }
0x2b: {  	s6 =	sld [smem:$0x3FAE]  }
0x2c: {  	s7 =	sld [smem:$0x3FAF]  }
0x2d: {  	s3 =	simm.s32 $0x108;
	s8 =	sld [smem:$0x3FB0]  }
0x2e: {  	s3 =	simm.s32 @!p0 $0x1082;
	s9 =	sld [smem:$0x3FB1]  }
0x2f: {  	lr =	sadd.s32 s0, s3;
	s0 =	sld [smem:$0x3FA8]  }
0x30: {  	s3 =	sld [smem:$0x3FAB]  }
0x31: {  	[smem:$0x3FB4] =	sst s10  }
0x32: {  	s10 =	sld [smem:$0x3FB2];
	_ =	sdelay $0x3  }
0x33: {  	p0 =	seq.s32 s10, $0x1;
	s10 =	sld [smem:$0x3FB4];
	_ =	sdelay $0x3  }
0x34: {  	[smem:$0x3FB4] =	sst s10  }
0x35: {  	s10 =	sld [smem:$0x3FB3];
	_ =	sdelay $0x3  }
0x36: {  	p1 =	seq.s32 s10, $0x1;
	s10 =	sld [smem:$0x3FB4];
	_ =	sdelay $0x3  }
0x37: {  	[smem:$0x3FB4] =	sst s10  }
0x38: {  	s10 =	sld [smem:$0x3FB5]  }
0x39: {  	_ = 	snop;
	(pc) =	sbr.ind lr, $3  }
0x3a: {  	_ = 	snop  }
0x3b: {  	_ = 	snop  }
0x3c: {  	p2 =	seq.s32 s10, $0x1;
	s10 =	sld [smem:$0x3FB4]  }
0x3d: {  	_ =	shalt  }
0x3e: {  	_ =	shalt  }
0x3f: {  	_ =	shalt  }
0x40: {  	_ =	shalt  }
0x41: {  	_ =	shalt  }
0x42: {  	_ =	shalt  }
0x43: {  	_ =	shalt  }
0x44: {  	_ =	shalt  }
0x45: {  	_ =	shalt  }
0x46: {  	_ =	shalt  }
0x47: {  	_ =	shalt  }
0x48: {  	_ =	shalt  }
0x49: {  	_ =	shalt  }
0x4a: {  	_ =	shalt  }
0x4b: {  	_ =	shalt  }
0x4c: {  	_ =	shalt  }
0x4d: {  	_ =	shalt  }
0x4e: {  	_ =	shalt  }
0x4f: {  	_ =	shalt  }
0x50: {  	_ =	shalt  }
0x51: {  	_ =	shalt  }
0x52: {  	_ =	shalt  }
0x53: {  	_ =	shalt  }
0x54: {  	_ =	shalt  }
0x55: {  	_ =	shalt  }
0x56: {  	_ =	shalt  }
0x57: {  	_ =	shalt  }
0x58: {  	_ =	shalt  }
0x59: {  	_ =	shalt  }
0x5a: {  	_ =	shalt  }
0x5b: {  	_ =	shalt  }
0x5c: {  	_ =	shalt  }
0x5d: {  	_ =	shalt  }
0x5e: {  	_ =	shalt  }
0x5f: {  	_ =	shalt  }
0x60: {  	_ =	shalt  }
0x61: {  	_ =	shalt  }
0x62: {  	_ =	shalt  }
0x63: {  	_ =	shalt  }
0x64: {  	_ =	shalt  }
0x65: {  	_ =	shalt  }
0x66: {  	_ =	shalt  }
0x67: {  	_ =	shalt  }
0x68: {  	_ =	shalt  }
0x69: {  	_ =	shalt  }
0x6a: {  	_ =	shalt  }
0x6b: {  	_ =	shalt  }
0x6c: {  	_ =	shalt  }
0x6d: {  	_ =	shalt  }
0x6e: {  	_ =	shalt  }
0x6f: {  	_ =	shalt  }
0x70: {  	_ =	shalt  }
0x71: {  	_ =	shalt  }
0x72: {  	_ =	shalt  }
0x73: {  	_ =	shalt  }
0x74: {  	_ =	shalt  }
0x75: {  	_ =	shalt  }
0x76: {  	_ =	shalt  }
0x77: {  	_ =	shalt  }
0x78: {  	_ =	shalt  }
0x79: {  	_ =	shalt  }
0x7a: {  	_ =	shalt  }
0x7b: {  	_ =	shalt  }
0x7c: {  	_ =	shalt  }
0x7d: {  	_ =	shalt  }
0x7e: {  	_ =	shalt  }
0x7f: {  	_ =	shalt  }
0x80: {  	_ =	shalt  }
0x81: {  	_ =	shalt  }
0x82: {  	_ =	shalt  }
0x83: {  	_ =	shalt  }
0x84: {  	_ =	shalt  }
0x85: {  	_ =	shalt  }
0x86: {  	_ =	shalt  }
0x87: {  	_ =	shalt  }
.Lfunc_end0:
.L_simem_size_0:
called_computation_lowered:
.L_overlay_start_0:
0x88: {  	s2 =	sld [smem:$0x3FD9]  }
0x89: {  	s3 =	sld [smem:$0x3FFE];
	_ =	sdelay $0x1  }
0x8a: {  	s1 =	srdreg.scid  }
0x8b: {  	s0 =	sand.u32 $0x1, s1  }
0x8c: {  	s17 =	sshll.u32 s0, $0xA;
	s2 =	sadd.s32 s3, s2  }
0x8d: {  	s2 =	sadd.s32 s2, s17  }
0x8e: {  	[smem:$0x3FC0] =	sst s2  }
0x8f: {  	_ = 	snop  }
0x90: {  	s2 =	sld [smem:$0x3FD0];
	(tm) =	ssettm $0x1  }
0x91: {  	s18 =	sld [smem:$0x3FFB];
	_ =	sdelay $0x3  }
0x92: {  	_ =	strace s18  }
0x93: {  	s3 =	sld [smem:$0x3FFC];
	_ =	sdelay $0x3  }
0x94: {  	_ =	strace s3  }
0x95: {  	s3 =	sld [smem:$0x3FFD];
	_ =	sdelay $0x3  }
0x96: {  	_ =	strace s3  }
0x97: {  	_ =	strace $0x8FFFFFFF  }
0x98: {  	s19 =	sld [smem:$0x3FDB];
	_ =	sdelay $0x1  }
0x99: {  	s4 =	simm.s32 $_scs_section_size  }
0x9a: {  	s5 =	simm.s32 $_size__tile_overlayer_lowered;
	s6 =	simm.s32 $_tile_overlayer_lowered  }
0x9b: {  	s22 =	simm.s32 $0x1BFF;
	s21 =	sshll.u32 s6, $0x1;
	s3 =	sadd.s32 s4, s19  }
0x9c: {  	s7 =	simm.s32 $0x0;
	s20 =	sshll.u32 s5, $0x1;
	s5 =	sadd.s32 s21, s3  }
0x9d: {  	[timem:s7], [sflag:s22] =	dma.local [hbm:s5], s20  }
0x9e: {  	_ =	swait.ge [sflag:s22], s20  }
0x9f: {  	s4 =	ssub.s32 $0x0, s20;
	[sflag:s22] =	ssyncset.done $0x0  }
0xa0: {  	[sflag:s22] =	ssyncadd.s32 s4;
	_ =	sdelay $0x1  }
0xa1: {  	s23 =	simm.s32 $0x1B8B  }
0xa2: {  	_ =	swait.ge [sflag:s23], $0x1  }
0xa3: {  	[sflag:s23] =	ssyncset.done $0x0  }
0xa4: {  	s25 =	simm.s32 $0x1B8E;
	s24 =	sld [smem:$0x3FFE];
	[sflag:s23] =	ssyncadd.s32 $0xFFFFFFFF  }
0xa5: {  	s26 =	simm.s32 $execute0_lowered;
	[smem:$0x3FD2] =	sst s25  }
0xa6: {  	s5 =	sshll.u32 s26, $0x1;
	_ =	strace $0x80000046;
	[dreg:$0x1] =	wrdreg $0xFFFFFFFF  }
0xa7: {  	s28 =	simm.s32 $_size_execute0_lowered;
	s3 =	sadd.s32 s3, s5;
	[dreg:$0x0] =	wrdreg $0x0  }
0xa8: {  	s5 =	sshll.u32 s28, $0x1;
	[dreg:$0x2] =	wrdreg s3  }
0xa9: {  	[dreg:$0x3] =	wrdreg s5  }
0xaa: {  	[dreg:$0x4] =	wrdreg $0xC0  }
0xab: {  	_ =	task [dreg:s7], $0x5FFFF  }
0xac: {  	[dreg:$0x1] =	wrdreg $0xFFFFFFFF  }
0xad: {  	[dreg:$0x0] =	wrdreg $0x60  }
0xae: {  	[dreg:$0x2] =	wrdreg s2  }
0xaf: {  	[dreg:$0x3] =	wrdreg s24  }
0xb0: {  	[dreg:$0x4] =	wrdreg $0xD0000  }
0xb1: {  	[dreg:$0x5] =	wrdreg $0x178000  }
0xb2: {  	[dreg:$0x6] =	wrdreg $0x9  }
0xb3: {  	_ =	task.clear_ibuf [dreg:s7], $0x7FFFF;
	_ =	strace $0x90000046  }
0xb4: {  	s29 =	simm.s32 $0x9;
	_ =	strace $0x80000048  }
0xb5: {  	_ =	swait.ge [sflag:s29], $0x1  }
0xb6: {  	[sflag:s29] =	ssyncadd.s32 $0xFFFFFFFF  }
0xb7: {  	_ =	strace $0x90000048  }
0xb8: {  	_ =	sfence  }
0xb9: {  	s30 =	sld [smem:$0x0];
	_ =	sdelay $0x2  }
0xba: {  	s31 =	sshll.u32 s1, $0xD;
	s1 =	sshrl.u32 s1, $0x2  }
0xbb: {  	s3 =	sand.u32 $0x4000, s31;
	s1 =	sadd.s32 s1, s30  }
0xbc: {  	s0 =	sor.u32 s3, s0;
	s1 =	sshll.u32 s1, $0x11  }
0xbd: {  	s0 =	sor.u32 s1, s0  }
0xbe: {  	s0 =	sadd.s32 $0x8F2B, s0  }
0xbf: {  	[sflag:s0] =	ssyncadd.remote.s32 $0x1  }
0xc0: {  	_ =	sfence.sel $0xFFFF  }
0xc1: {  	[dreg:$0x0] =	wrdreg $0xFFFFFFFF;
	(pc) =	sbr.abs _section_cstart, $3  }
0xc2: {  	[dreg:$0x1] =	wrdreg $0xFFFFFFFF  }
0xc3: {  	_ =	task.clear_ibuf [dreg:s7], $0x2FFFF;
	_ =	strace $0x9FFFFFFF  }
0xc4: {  	(tm) =	ssettm $0x7FFFFFFF  }
0xc5: {  	_ =	shalt  }
tec
execute0_lowered:
.L_overlay_start_1:
0x0: {  	(tag) =	ssettag $0x1  }
0x1: {  	s1 =	rddreg [dreg:$0x0]  }
0x2: {  	s0 =	srdreg.scid;
	s2 =	rddreg [dreg:$0x1]  }
0x3: {  	s10 =	stileid.u32;
	s3 =	rddreg [dreg:$0x2];
	s29 =	simm.s32 $0x9000  }
0x4: {  	s31 =	simm.s32 $0xB000;
	s30 =	simm.s32 $0x2;
	s8 =	smul.u32 $0x14000, s10  }
0x5: {  	s0 =	sand.u32 $0x1, s0;
	s4 =	sshll.u32 s10, $0x1;
	s11 =	smul.u32 $0xA000, s10  }
0x6: {  	s28 =	simm.s32 $0x2880;
	s5 =	sor.u32 s0, s4;
	s7 =	smul.u32 $0x140000, s0  }
0x7: {  	s4 =	rddreg [dreg:$0x3];
	s0 =	ssub.s32 $0x2, s0;
	s6 =	smul.u32 $0x500, s5  }
0x8: {  	s5 =	simm.s32 $0x0;
	s12 =	sshrl.u32 s0, $0x1;
	s14 =	sshrl.u32 s11, $0x2  }
0x9: {  	[smem:$0x7FF] =	sst s5;
	s7 =	sadd.s32 s8, s7;
	s8 =	smul.u32 $0x28000, s10  }
0xa: {  	s10 =	smul.u32 $0x280, s10;
	s0 =	ssub.s32 s0, s12;
	_ =	strace $0x80000047  }
0xb: {  	s9 =	sadd.s32 s6, s2;
	s6 =	sshrl.u32 s7, $0x3;
	s7 =	sadd.s32 s14, s4  }
0xc: {  	s0 =	smax.u32 s0, $0x1;
	s14 =	simm.s32 $0x4F80;
	s2 =	sadd.s32 s6, s2  }
0xd: {  	s13 =	sshrl.u32 s8, $0x2;
	s15 =	sadd.s32 $0x80, s10;
	s12 =	sadd.s32 $0x100, s10  }
0xe: {  	s18 =	sadd.s32 $0x180, s10;
	s10 =	sadd.s32 $0x200, s10;
	s24 =	sadd.s32 $0xB600, s9  }
0xf: {  	s25 =	sadd.s32 $0x1600, s9;
	[dreg:$0x11] =	wrdreg s0;
	s0 =	simm.s32 $0x3  }
0x10: {  	s9 =	simm.s32 $0x4;
	s6 =	sadd.s32 s13, s3;
	s11 =	sshll.u32 s15, $0x6  }
0x11: {  	s8 =	sshll.u32 s15, $0x4;
	s16 =	sshll.u32 s12, $0x6;
	s17 =	sshll.u32 s12, $0x4  }
0x12: {  	s19 =	sshll.u32 s18, $0x6;
	s20 =	sshll.u32 s18, $0x4;
	[dreg:$0xd] =	wrdreg s24  }
0x13: {  	s21 =	sshll.u32 s10, $0x6;
	s23 =	sshll.u32 s10, $0x4;
	[dreg:$0xe] =	wrdreg s25  }
0x14: {  	s26 =	sadd.s32 $0x15600, s2;
	s2 =	sadd.s32 $0x15608, s2;
	s24 =	simm.s32 $0x2800  }
0x15: {  	s25 =	simm.s32 $0x80;
	s10 =	simm.s32 $0x2980;
	[dreg:$0xf] =	wrdreg s26  }
0x16: {  	s12 =	simm.s32 $0x4E80;
	s11 =	sadd.s32 s11, s3;
	[dreg:$0x10] =	wrdreg s2  }
0x17: {  	s13 =	simm.s32 $0x4F00;
	s8 =	sadd.s32 s8, s4;
	[dreg:$0x5] =	wrdreg s11  }
0x18: {  	s15 =	simm.s32 $0x10;
	s22 =	sadd.s32 s21, s3;
	[dreg:$0x6] =	wrdreg s8  }
0x19: {  	s21 =	simm.s32 $0x5000;
	s8 =	sadd.s32 s16, s3;
	[dreg:$0xb] =	wrdreg s22  }
0x1a: {  	s26 =	simm.s32 $0x7000;
	[dreg:$0x7] =	wrdreg s8;
	s8 =	sadd.s32 s17, s4  }
0x1b: {  	s2 =	simm.s32 $0x1;
	[dreg:$0x8] =	wrdreg s8;
	s8 =	sadd.s32 s19, s3  }
0x1c: {  	s22 =	simm.s32 $0x5;
	[dreg:$0x9] =	wrdreg s8;
	s8 =	sadd.s32 s20, s4  }
0x1d: {  	s11 =	simm.s32 $0x4E00;
	[dreg:$0xa] =	wrdreg s8;
	s8 =	sadd.s32 s23, s4  }
0x1e: {  	v0 =	vimm.f32 $0.0e+00;
	v1 =	vimm.f32 $1.000000000e+00;
	s23 =	simm.s32 $0x17000;
	[dreg:$0xc] =	wrdreg s8;
	s8 =	simm.s32 $0x2900  }
.LBB2_1:
0x1f: {  	s16 =	simm.s32 $0x5020  }
0x20: {  	[tilespmem:s16+$0x0] =	vst v0  }
0x21: {  	[tilespmem:s16+$0xFFFFFFE0] =	vst v0  }
0x22: {  	[tilespmem:s16+$0x10] =	vst v0  }
0x23: {  	s17 =	simm.s32 $0x40;
	s18 =	simm.s32 $0x0;
	[tilespmem:s16+$0xFFFFFFF0] =	vst v0  }
.LBB2_2:
0x24: {  	p0 =	sne.s32 s17, $0x1FC0  }
0x25: {  	[tilespmem:s18+$0x17000] =	vst v0;
	s16 =	sadd.s32 $0x40, s16;
	s18 =	smov.u32 s17;
	s17 =	sadd.s32 $0x40, s17  }
.Ltmp0:
0x26: {  	[tilespmem:s16+$0x0] =	vst v0;
	(pc) =	sbr.rel @p0 .LBB2_2-.Ltmp0, $4  }
0x27: {  	_ = 	snop  }
0x28: {  	[tilespmem:s16+$0xFFFFFFE0] =	vst v0  }
0x29: {  	[tilespmem:s16+$0x10] =	vst v0  }
0x2a: {  	s18 =	sshra.s32 s18, $0x2;
	[tilespmem:s16+$0xFFFFFFF0] =	vst v0  }
0x2b: {  	[tilespmem:s18+$0x17000] =	vst v0  }
0x2c: {  	[spmem:s6] =	stream.linear.scatter [tilespmem:s21], [sflag:$0x5], $0x2000, $0x38;
	[tilespmem:$0x1A000] =	vst v63  }
0x2d: {  	_ =	swait.ge [sflag:s22], $0x2000  }
0x2e: {  	[sflag:s22] =	ssyncset.done $0x0  }
0x2f: {  	[sflag:s22] =	ssyncadd.s32 $0xFFFFE000  }
0x30: {  	[spmem:s7] =	stream.linear.scatter [tilespmem:s23], [sflag:$0x5], $0x800, $0x38;
	[tilespmem:$0x1A000] =	vst v63  }
0x31: {  	_ =	swait.ge [sflag:s22], $0x800  }
0x32: {  	[sflag:s22] =	ssyncset.done $0x0  }
0x33: {  	s16 =	rddreg [dreg:$0x5];
	[sflag:s22] =	ssyncadd.s32 $0xFFFFF800  }
0x34: {  	[spmem:s16] =	stream.linear.scatter [tilespmem:s21], [sflag:$0x5], $0x2000, $0x38;
	[tilespmem:$0x1A000] =	vst v63  }
0x35: {  	_ =	swait.ge [sflag:s22], $0x2000  }
0x36: {  	[sflag:s22] =	ssyncset.done $0x0  }
0x37: {  	s18 =	rddreg [dreg:$0x6];
	[sflag:s22] =	ssyncadd.s32 $0xFFFFE000  }
0x38: {  	[spmem:s18] =	stream.linear.scatter [tilespmem:s23], [sflag:$0x5], $0x800, $0x38;
	[tilespmem:$0x1A000] =	vst v63  }
0x39: {  	_ =	swait.ge [sflag:s22], $0x800  }
0x3a: {  	[sflag:s22] =	ssyncset.done $0x0  }
0x3b: {  	s19 =	rddreg [dreg:$0x7];
	[sflag:s22] =	ssyncadd.s32 $0xFFFFF800  }
0x3c: {  	[spmem:s19] =	stream.linear.scatter [tilespmem:s21], [sflag:$0x5], $0x2000, $0x38;
	[tilespmem:$0x1A000] =	vst v63  }
0x3d: {  	_ =	swait.ge [sflag:s22], $0x2000  }
0x3e: {  	[sflag:s22] =	ssyncset.done $0x0  }
0x3f: {  	s20 =	rddreg [dreg:$0x8];
	[sflag:s22] =	ssyncadd.s32 $0xFFFFE000  }
0x40: {  	[spmem:s20] =	stream.linear.scatter [tilespmem:s23], [sflag:$0x5], $0x800, $0x38;
	[tilespmem:$0x1A000] =	vst v63  }
0x41: {  	_ =	swait.ge [sflag:s22], $0x800  }
0x42: {  	[sflag:s22] =	ssyncset.done $0x0  }
0x43: {  	s17 =	rddreg [dreg:$0x9];
	[sflag:s22] =	ssyncadd.s32 $0xFFFFF800  }
0x44: {  	[spmem:s17] =	stream.linear.scatter [tilespmem:s21], [sflag:$0x5], $0x2000, $0x38;
	[tilespmem:$0x1A000] =	vst v63  }
0x45: {  	_ =	swait.ge [sflag:s22], $0x2000  }
0x46: {  	[sflag:s22] =	ssyncset.done $0x0  }
0x47: {  	s18 =	rddreg [dreg:$0xa];
	[sflag:s22] =	ssyncadd.s32 $0xFFFFE000  }
0x48: {  	[spmem:s18] =	stream.linear.scatter [tilespmem:s23], [sflag:$0x5], $0x800, $0x38;
	[tilespmem:$0x1A000] =	vst v63  }
0x49: {  	_ =	swait.ge [sflag:s22], $0x800  }
0x4a: {  	[sflag:s22] =	ssyncset.done $0x0  }
0x4b: {  	s19 =	rddreg [dreg:$0xb];
	[sflag:s22] =	ssyncadd.s32 $0xFFFFF800  }
0x4c: {  	[spmem:s19] =	stream.linear.scatter [tilespmem:s21], [sflag:$0x5], $0x2000, $0x38;
	[tilespmem:$0x1A000] =	vst v63  }
0x4d: {  	_ =	swait.ge [sflag:s22], $0x2000  }
0x4e: {  	[sflag:s22] =	ssyncset.done $0x0  }
0x4f: {  	s20 =	rddreg [dreg:$0xc];
	[sflag:s22] =	ssyncadd.s32 $0xFFFFE000  }
0x50: {  	[spmem:s20] =	stream.linear.scatter [tilespmem:s23], [sflag:$0x5], $0x800, $0x38;
	[tilespmem:$0x1A000] =	vst v63  }
0x51: {  	_ =	swait.ge [sflag:s22], $0x800  }
0x52: {  	[sflag:s22] =	ssyncset.done $0x0  }
0x53: {  	s16 =	simm.s32 $0x40;
	s17 =	simm.s32 $0x0;
	[sflag:s22] =	ssyncadd.s32 $0xFFFFF800  }
.LBB2_4:
0x54: {  	p0 =	sne.s32 s16, $0x1FC0;
	[tilespmem:s17+$0x17000] =	vst v1;
	s17 =	smov.u32 s16;
	s16 =	sadd.s32 $0x40, s16  }
.Ltmp1:
0x55: {  	(pc) =	sbr.rel @p0 .LBB2_4-.Ltmp1, $2  }
0x56: {  	_ =	sdelay $0x2  }
0x57: {  	s17 =	sshra.s32 s17, $0x2  }
0x58: {  	[tilespmem:s17+$0x17000] =	vst v1;
	s16 =	simm.s32 $0x0;
	s18 =	rddreg [dreg:$0xd]  }
0x59: {  	[tilespmem:s16], [sflag:$0x5] =	stream.linear.gather [hbm4b:s18+s16], $0x2800, $0x38;
	[tilespmem:$0x1A000] =	vst v63  }
0x5a: {  	_ =	swait.ge [sflag:s22], $0x2800  }
0x5b: {  	[sflag:s22] =	ssyncset.done $0x0  }
0x5c: {  	s19 =	rddreg [dreg:$0xe];
	[sflag:s22] =	ssyncadd.s32 $0xFFFFD800  }
0x5d: {  	[tilespmem:s24], [sflag:$0x5] =	stream.linear.gather [hbm4b:s19+s16], $0x2800, $0x38;
	[tilespmem:$0x1A000] =	vst v63  }
0x5e: {  	_ =	swait.ge [sflag:s22], $0x2800  }
0x5f: {  	[sflag:s22] =	ssyncset.done $0x0  }
0x60: {  	[sflag:s22] =	ssyncadd.s32 $0xFFFFD800  }
0x61: {  	[bflag:$0x0] =	sbarrier.arrive $0xFFFF  }
0x62: {  	[tilespmem:s21], [sflag:$0x1] =	stream.indirect.gather [hbm4b:s1+s25], $0x40, s16, s25, $0xb8;
	[tilespmem:$0x1A000] =	vst v63  }
0x63: {  	_ = 	snop  }
0x64: {  	[tilespmem:s26], [sflag:$0x2] =	stream.indirect.gather [hbm4b:s1+s25], $0x40, s25, s25, $0xb8;
	[tilespmem:$0x1A000] =	vst v63  }
0x65: {  	s20 =	simm.s32 $0x100  }
0x66: {  	[tilespmem:s29], [sflag:$0x3] =	stream.indirect.gather [hbm4b:s1+s25], $0x40, s20, s25, $0xb8;
	[tilespmem:$0x1A000] =	vst v63  }
0x67: {  	s17 =	simm.s32 $0x180  }
0x68: {  	[tilespmem:s31], [sflag:$0x4] =	stream.indirect.gather [hbm4b:s1+s25], $0x40, s17, s25, $0xb8;
	[tilespmem:$0x1A000] =	vst v63  }
0x69: {  	_ =	swait.ge [sflag:s2], $0x2000  }
0x6a: {  	[sflag:s2] =	ssyncset.done $0x0  }
0x6b: {  	[sflag:s2] =	ssyncadd.s32 $0xFFFFE000  }
0x6c: {  	[spmem:s3] =	stream.indirect.scatter.add.f32 [tilespmem:s21], [sflag:$0x5], $0x40, s24, s25, $0xb8;
	[tilespmem:$0x1A000] =	vst v63  }
0x6d: {  	_ =	swait.ge [sflag:s22], $0x2000  }
0x6e: {  	[sflag:s22] =	ssyncset.done $0x0  }
0x6f: {  	[sflag:s22] =	ssyncadd.s32 $0xFFFFE000  }
0x70: {  	[spmem:s4] =	stream.indirect.scatter.add.f32 [tilespmem:s23], [sflag:$0x5], $0x10, s24, s25, $0xb8;
	[tilespmem:$0x1A000] =	vst v63  }
0x71: {  	_ =	swait.ge [sflag:s22], $0x800  }
0x72: {  	[sflag:s22] =	ssyncset.done $0x0  }
0x73: {  	s18 =	simm.s32 $0x200;
	[sflag:s22] =	ssyncadd.s32 $0xFFFFF800  }
0x74: {  	[tilespmem:s21], [sflag:$0x1] =	stream.indirect.gather [hbm4b:s1+s25], $0x40, s18, s25, $0xb8;
	[tilespmem:$0x1A000] =	vst v63  }
0x75: {  	_ =	swait.ge [sflag:s30], $0x2000  }
0x76: {  	[sflag:s30] =	ssyncset.done $0x0  }
0x77: {  	[sflag:s30] =	ssyncadd.s32 $0xFFFFE000  }
0x78: {  	[spmem:s3] =	stream.indirect.scatter.add.f32 [tilespmem:s26], [sflag:$0x5], $0x40, s28, s25, $0xb8;
	[tilespmem:$0x1A000] =	vst v63  }
0x79: {  	_ =	swait.ge [sflag:s22], $0x2000  }
0x7a: {  	[sflag:s22] =	ssyncset.done $0x0  }
0x7b: {  	[sflag:s22] =	ssyncadd.s32 $0xFFFFE000  }
0x7c: {  	[spmem:s4] =	stream.indirect.scatter.add.f32 [tilespmem:s23], [sflag:$0x5], $0x10, s28, s25, $0xb8;
	[tilespmem:$0x1A000] =	vst v63  }
0x7d: {  	_ =	swait.ge [sflag:s22], $0x800  }
0x7e: {  	[sflag:s22] =	ssyncset.done $0x0  }
0x7f: {  	s19 =	simm.s32 $0x280;
	[sflag:s22] =	ssyncadd.s32 $0xFFFFF800  }
0x80: {  	[tilespmem:s26], [sflag:$0x2] =	stream.indirect.gather [hbm4b:s1+s25], $0x40, s19, s25, $0xb8;
	[tilespmem:$0x1A000] =	vst v63  }
0x81: {  	_ =	swait.ge [sflag:s0], $0x2000  }
0x82: {  	[sflag:s0] =	ssyncset.done $0x0  }
0x83: {  	[sflag:s0] =	ssyncadd.s32 $0xFFFFE000  }
0x84: {  	[spmem:s3] =	stream.indirect.scatter.add.f32 [tilespmem:s29], [sflag:$0x5], $0x40, s8, s25, $0xb8;
	[tilespmem:$0x1A000] =	vst v63  }
0x85: {  	_ =	swait.ge [sflag:s22], $0x2000  }
0x86: {  	[sflag:s22] =	ssyncset.done $0x0  }
0x87: {  	[sflag:s22] =	ssyncadd.s32 $0xFFFFE000  }
0x88: {  	[spmem:s4] =	stream.indirect.scatter.add.f32 [tilespmem:s23], [sflag:$0x5], $0x10, s8, s25, $0xb8;
	[tilespmem:$0x1A000] =	vst v63  }
0x89: {  	_ =	swait.ge [sflag:s22], $0x800  }
0x8a: {  	[sflag:s22] =	ssyncset.done $0x0  }
0x8b: {  	s20 =	simm.s32 $0x300;
	[sflag:s22] =	ssyncadd.s32 $0xFFFFF800  }
0x8c: {  	[tilespmem:s29], [sflag:$0x3] =	stream.indirect.gather [hbm4b:s1+s25], $0x40, s20, s25, $0xb8;
	[tilespmem:$0x1A000] =	vst v63  }
0x8d: {  	_ =	swait.ge [sflag:s9], $0x2000  }
0x8e: {  	[sflag:s9] =	ssyncset.done $0x0  }
0x8f: {  	[sflag:s9] =	ssyncadd.s32 $0xFFFFE000  }
0x90: {  	[spmem:s3] =	stream.indirect.scatter.add.f32 [tilespmem:s31], [sflag:$0x5], $0x40, s10, s25, $0xb8;
	[tilespmem:$0x1A000] =	vst v63  }
0x91: {  	_ =	swait.ge [sflag:s22], $0x2000  }
0x92: {  	[sflag:s22] =	ssyncset.done $0x0  }
0x93: {  	[sflag:s22] =	ssyncadd.s32 $0xFFFFE000  }
0x94: {  	[spmem:s4] =	stream.indirect.scatter.add.f32 [tilespmem:s23], [sflag:$0x5], $0x10, s10, s25, $0xb8;
	[tilespmem:$0x1A000] =	vst v63  }
0x95: {  	_ =	swait.ge [sflag:s22], $0x800  }
0x96: {  	[sflag:s22] =	ssyncset.done $0x0  }
0x97: {  	s17 =	simm.s32 $0x380;
	[sflag:s22] =	ssyncadd.s32 $0xFFFFF800  }
0x98: {  	[tilespmem:s31], [sflag:$0x4] =	stream.indirect.gather [hbm4b:s1+s25], $0x40, s17, s25, $0xb8;
	[tilespmem:$0x1A000] =	vst v63  }
0x99: {  	_ =	swait.ge [sflag:s2], $0x2000  }
0x9a: {  	[sflag:s2] =	ssyncset.done $0x0  }
0x9b: {  	s18 =	simm.s32 $0x2A00;
	[sflag:s2] =	ssyncadd.s32 $0xFFFFE000  }
0x9c: {  	[spmem:s3] =	stream.indirect.scatter.add.f32 [tilespmem:s21], [sflag:$0x5], $0x40, s18, s25, $0xb8;
	[tilespmem:$0x1A000] =	vst v63  }
0x9d: {  	_ =	swait.ge [sflag:s22], $0x2000  }
0x9e: {  	[sflag:s22] =	ssyncset.done $0x0  }
0x9f: {  	[sflag:s22] =	ssyncadd.s32 $0xFFFFE000  }
0xa0: {  	[spmem:s4] =	stream.indirect.scatter.add.f32 [tilespmem:s23], [sflag:$0x5], $0x10, s18, s25, $0xb8;
	[tilespmem:$0x1A000] =	vst v63  }
0xa1: {  	_ =	swait.ge [sflag:s22], $0x800  }
0xa2: {  	[sflag:s22] =	ssyncset.done $0x0  }
0xa3: {  	s19 =	simm.s32 $0x400;
	[sflag:s22] =	ssyncadd.s32 $0xFFFFF800  }
0xa4: {  	[tilespmem:s21], [sflag:$0x1] =	stream.indirect.gather [hbm4b:s1+s25], $0x40, s19, s25, $0xb8;
	[tilespmem:$0x1A000] =	vst v63  }
0xa5: {  	_ =	swait.ge [sflag:s30], $0x2000  }
0xa6: {  	[sflag:s30] =	ssyncset.done $0x0  }
0xa7: {  	s20 =	simm.s32 $0x2A80;
	[sflag:s30] =	ssyncadd.s32 $0xFFFFE000  }
0xa8: {  	[spmem:s3] =	stream.indirect.scatter.add.f32 [tilespmem:s26], [sflag:$0x5], $0x40, s20, s25, $0xb8;
	[tilespmem:$0x1A000] =	vst v63  }
0xa9: {  	_ =	swait.ge [sflag:s22], $0x2000  }
0xaa: {  	[sflag:s22] =	ssyncset.done $0x0  }
0xab: {  	[sflag:s22] =	ssyncadd.s32 $0xFFFFE000  }
0xac: {  	[spmem:s4] =	stream.indirect.scatter.add.f32 [tilespmem:s23], [sflag:$0x5], $0x10, s20, s25, $0xb8;
	[tilespmem:$0x1A000] =	vst v63  }
0xad: {  	_ =	swait.ge [sflag:s22], $0x800  }
0xae: {  	[sflag:s22] =	ssyncset.done $0x0  }
0xaf: {  	s17 =	simm.s32 $0x480;
	[sflag:s22] =	ssyncadd.s32 $0xFFFFF800  }
0xb0: {  	[tilespmem:s26], [sflag:$0x2] =	stream.indirect.gather [hbm4b:s1+s25], $0x40, s17, s25, $0xb8;
	[tilespmem:$0x1A000] =	vst v63  }
0xb1: {  	_ =	swait.ge [sflag:s0], $0x2000  }
0xb2: {  	[sflag:s0] =	ssyncset.done $0x0  }
0xb3: {  	s18 =	simm.s32 $0x2B00;
	[sflag:s0] =	ssyncadd.s32 $0xFFFFE000  }
0xb4: {  	[spmem:s3] =	stream.indirect.scatter.add.f32 [tilespmem:s29], [sflag:$0x5], $0x40, s18, s25, $0xb8;
	[tilespmem:$0x1A000] =	vst v63  }
0xb5: {  	_ =	swait.ge [sflag:s22], $0x2000  }
0xb6: {  	[sflag:s22] =	ssyncset.done $0x0  }
0xb7: {  	[sflag:s22] =	ssyncadd.s32 $0xFFFFE000  }
0xb8: {  	[spmem:s4] =	stream.indirect.scatter.add.f32 [tilespmem:s23], [sflag:$0x5], $0x10, s18, s25, $0xb8;
	[tilespmem:$0x1A000] =	vst v63  }
0xb9: {  	_ =	swait.ge [sflag:s22], $0x800  }
0xba: {  	[sflag:s22] =	ssyncset.done $0x0  }
0xbb: {  	s19 =	simm.s32 $0x500;
	[sflag:s22] =	ssyncadd.s32 $0xFFFFF800  }
0xbc: {  	[tilespmem:s29], [sflag:$0x3] =	stream.indirect.gather [hbm4b:s1+s25], $0x40, s19, s25, $0xb8;
	[tilespmem:$0x1A000] =	vst v63  }
0xbd: {  	_ =	swait.ge [sflag:s9], $0x2000  }
0xbe: {  	[sflag:s9] =	ssyncset.done $0x0  }
0xbf: {  	s20 =	simm.s32 $0x2B80;
	[sflag:s9] =	ssyncadd.s32 $0xFFFFE000  }
0xc0: {  	[spmem:s3] =	stream.indirect.scatter.add.f32 [tilespmem:s31], [sflag:$0x5], $0x40, s20, s25, $0xb8;
	[tilespmem:$0x1A000] =	vst v63  }
0xc1: {  	_ =	swait.ge [sflag:s22], $0x2000  }
0xc2: {  	[sflag:s22] =	ssyncset.done $0x0  }
0xc3: {  	[sflag:s22] =	ssyncadd.s32 $0xFFFFE000  }
0xc4: {  	[spmem:s4] =	stream.indirect.scatter.add.f32 [tilespmem:s23], [sflag:$0x5], $0x10, s20, s25, $0xb8;
	[tilespmem:$0x1A000] =	vst v63  }
0xc5: {  	_ =	swait.ge [sflag:s22], $0x800  }
0xc6: {  	s16 =	simm.s32 $0x200;
	s17 =	simm.s32 $0x1000;
	[sflag:s22] =	ssyncset.done $0x0  }
.LBB2_6:
0xc7: {  	s20 =	sadd.s32 $0x380, s16  }
0xc8: {  	[sflag:s22] =	ssyncadd.s32 $0xFFFFF800;
	s18 =	smov.u32 s17;
	s19 =	sadd.s32 $0x800, s17  }
0xc9: {  	[tilespmem:s31], [sflag:$0x4] =	stream.indirect.gather [hbm4b:s1+s25], $0x40, s20, s25, $0xb8;
	[tilespmem:$0x1A000] =	vst v63  }
0xca: {  	p0 =	sne.s32 s17, $0x8800;
	_ =	swait.ge [sflag:s2], $0x2000  }
0xcb: {  	[sflag:s2] =	ssyncset.done $0x0  }
0xcc: {  	s17 =	sadd.s32 $0x2A00, s16;
	[sflag:s2] =	ssyncadd.s32 $0xFFFFE000  }
0xcd: {  	[spmem:s3] =	stream.indirect.scatter.add.f32 [tilespmem:s21], [sflag:$0x5], $0x40, s17, s25, $0xb8;
	[tilespmem:$0x1A000] =	vst v63  }
0xce: {  	_ =	swait.ge [sflag:s22], $0x2000  }
0xcf: {  	[sflag:s22] =	ssyncset.done $0x0  }
0xd0: {  	[sflag:s22] =	ssyncadd.s32 $0xFFFFE000  }
0xd1: {  	[spmem:s4] =	stream.indirect.scatter.add.f32 [tilespmem:s23], [sflag:$0x5], $0x10, s17, s25, $0xb8;
	[tilespmem:$0x1A000] =	vst v63  }
0xd2: {  	_ =	swait.ge [sflag:s22], $0x800  }
0xd3: {  	[sflag:s22] =	ssyncset.done $0x0  }
0xd4: {  	s17 =	sadd.s32 $0x400, s16;
	[sflag:s22] =	ssyncadd.s32 $0xFFFFF800  }
0xd5: {  	[tilespmem:s21], [sflag:$0x1] =	stream.indirect.gather [hbm4b:s1+s25], $0x40, s17, s25, $0xb8;
	[tilespmem:$0x1A000] =	vst v63  }
0xd6: {  	_ =	swait.ge [sflag:s30], $0x2000  }
0xd7: {  	[sflag:s30] =	ssyncset.done $0x0  }
0xd8: {  	s17 =	sadd.s32 $0x2A80, s16;
	[sflag:s30] =	ssyncadd.s32 $0xFFFFE000  }
0xd9: {  	[spmem:s3] =	stream.indirect.scatter.add.f32 [tilespmem:s26], [sflag:$0x5], $0x40, s17, s25, $0xb8;
	[tilespmem:$0x1A000] =	vst v63  }
0xda: {  	_ =	swait.ge [sflag:s22], $0x2000  }
0xdb: {  	[sflag:s22] =	ssyncset.done $0x0  }
0xdc: {  	[sflag:s22] =	ssyncadd.s32 $0xFFFFE000  }
0xdd: {  	[spmem:s4] =	stream.indirect.scatter.add.f32 [tilespmem:s23], [sflag:$0x5], $0x10, s17, s25, $0xb8;
	[tilespmem:$0x1A000] =	vst v63  }
0xde: {  	_ =	swait.ge [sflag:s22], $0x800  }
0xdf: {  	[sflag:s22] =	ssyncset.done $0x0  }
0xe0: {  	s17 =	sadd.s32 $0x480, s16;
	[sflag:s22] =	ssyncadd.s32 $0xFFFFF800  }
0xe1: {  	[tilespmem:s26], [sflag:$0x2] =	stream.indirect.gather [hbm4b:s1+s25], $0x40, s17, s25, $0xb8;
	[tilespmem:$0x1A000] =	vst v63  }
0xe2: {  	_ =	swait.ge [sflag:s0], $0x2000  }
0xe3: {  	[sflag:s0] =	ssyncset.done $0x0  }
0xe4: {  	s17 =	sadd.s32 $0x2B00, s16;
	[sflag:s0] =	ssyncadd.s32 $0xFFFFE000  }
0xe5: {  	[spmem:s3] =	stream.indirect.scatter.add.f32 [tilespmem:s29], [sflag:$0x5], $0x40, s17, s25, $0xb8;
	[tilespmem:$0x1A000] =	vst v63  }
0xe6: {  	_ =	swait.ge [sflag:s22], $0x2000  }
0xe7: {  	[sflag:s22] =	ssyncset.done $0x0  }
0xe8: {  	[sflag:s22] =	ssyncadd.s32 $0xFFFFE000  }
0xe9: {  	[spmem:s4] =	stream.indirect.scatter.add.f32 [tilespmem:s23], [sflag:$0x5], $0x10, s17, s25, $0xb8;
	[tilespmem:$0x1A000] =	vst v63  }
0xea: {  	_ =	swait.ge [sflag:s22], $0x800  }
0xeb: {  	[sflag:s22] =	ssyncset.done $0x0  }
0xec: {  	s17 =	sadd.s32 $0x500, s16;
	[sflag:s22] =	ssyncadd.s32 $0xFFFFF800  }
0xed: {  	[tilespmem:s29], [sflag:$0x3] =	stream.indirect.gather [hbm4b:s1+s25], $0x40, s17, s25, $0xb8;
	[tilespmem:$0x1A000] =	vst v63  }
0xee: {  	_ =	swait.ge [sflag:s9], $0x2000  }
0xef: {  	[sflag:s9] =	ssyncset.done $0x0  }
0xf0: {  	s16 =	sadd.s32 $0x2B80, s16;
	[sflag:s9] =	ssyncadd.s32 $0xFFFFE000  }
0xf1: {  	[spmem:s3] =	stream.indirect.scatter.add.f32 [tilespmem:s31], [sflag:$0x5], $0x40, s16, s25, $0xb8;
	[tilespmem:$0x1A000] =	vst v63  }
0xf2: {  	_ =	swait.ge [sflag:s22], $0x2000  }
.Ltmp2:
0xf3: {  	[sflag:s22] =	ssyncset.done $0x0;
	(pc) =	sbr.rel @p0 .LBB2_6-.Ltmp2, $4  }
0xf4: {  	[sflag:s22] =	ssyncadd.s32 $0xFFFFE000  }
0xf5: {  	[spmem:s4] =	stream.indirect.scatter.add.f32 [tilespmem:s23], [sflag:$0x5], $0x10, s16, s25, $0xb8;
	[tilespmem:$0x1A000] =	vst v63  }
0xf6: {  	_ =	swait.ge [sflag:s22], $0x800  }
0xf7: {  	s17 =	smov.u32 s19;
	s16 =	sshra.s32 s18, $0x2;
	[sflag:s22] =	ssyncset.done $0x0  }
0xf8: {  	s17 =	sadd.s32 $0x380, s16;
	[sflag:s22] =	ssyncadd.s32 $0xFFFFF800  }
0xf9: {  	[tilespmem:s31], [sflag:$0x4] =	stream.indirect.gather [hbm4b:s1+s25], $0x40, s17, s25, $0xb8;
	[tilespmem:$0x1A000] =	vst v63  }
0xfa: {  	_ =	swait.ge [sflag:s2], $0x2000  }
0xfb: {  	[sflag:s2] =	ssyncset.done $0x0  }
0xfc: {  	s18 =	sadd.s32 $0x2A00, s16;
	[sflag:s2] =	ssyncadd.s32 $0xFFFFE000  }
0xfd: {  	[spmem:s3] =	stream.indirect.scatter.add.f32 [tilespmem:s21], [sflag:$0x5], $0x40, s18, s25, $0xb8;
	[tilespmem:$0x1A000] =	vst v63  }
0xfe: {  	_ =	swait.ge [sflag:s22], $0x2000  }
0xff: {  	[sflag:s22] =	ssyncset.done $0x0  }
0x100: {  	[sflag:s22] =	ssyncadd.s32 $0xFFFFE000  }
0x101: {  	[spmem:s4] =	stream.indirect.scatter.add.f32 [tilespmem:s23], [sflag:$0x5], $0x10, s18, s25, $0xb8;
	[tilespmem:$0x1A000] =	vst v63  }
0x102: {  	_ =	swait.ge [sflag:s22], $0x800  }
0x103: {  	[sflag:s22] =	ssyncset.done $0x0  }
0x104: {  	s19 =	sadd.s32 $0x400, s16;
	[sflag:s22] =	ssyncadd.s32 $0xFFFFF800  }
0x105: {  	[tilespmem:s21], [sflag:$0x1] =	stream.indirect.gather [hbm4b:s1+s25], $0x40, s19, s25, $0xb8;
	[tilespmem:$0x1A000] =	vst v63  }
0x106: {  	_ =	swait.ge [sflag:s30], $0x2000  }
0x107: {  	[sflag:s30] =	ssyncset.done $0x0  }
0x108: {  	s20 =	sadd.s32 $0x2A80, s16;
	[sflag:s30] =	ssyncadd.s32 $0xFFFFE000  }
0x109: {  	[spmem:s3] =	stream.indirect.scatter.add.f32 [tilespmem:s26], [sflag:$0x5], $0x40, s20, s25, $0xb8;
	[tilespmem:$0x1A000] =	vst v63  }
0x10a: {  	_ =	swait.ge [sflag:s22], $0x2000  }
0x10b: {  	[sflag:s22] =	ssyncset.done $0x0  }
0x10c: {  	[sflag:s22] =	ssyncadd.s32 $0xFFFFE000  }
0x10d: {  	[spmem:s4] =	stream.indirect.scatter.add.f32 [tilespmem:s23], [sflag:$0x5], $0x10, s20, s25, $0xb8;
	[tilespmem:$0x1A000] =	vst v63  }
0x10e: {  	_ =	swait.ge [sflag:s22], $0x800  }
0x10f: {  	[sflag:s22] =	ssyncset.done $0x0  }
0x110: {  	s18 =	sadd.s32 $0x480, s16;
	[sflag:s22] =	ssyncadd.s32 $0xFFFFF800  }
0x111: {  	[tilespmem:s26], [sflag:$0x2] =	stream.indirect.gather [hbm4b:s1+s25], $0x40, s18, s25, $0xb8;
	[tilespmem:$0x1A000] =	vst v63  }
0x112: {  	_ =	swait.ge [sflag:s0], $0x2000  }
0x113: {  	[sflag:s0] =	ssyncset.done $0x0  }
0x114: {  	s19 =	sadd.s32 $0x2B00, s16;
	[sflag:s0] =	ssyncadd.s32 $0xFFFFE000  }
0x115: {  	[spmem:s3] =	stream.indirect.scatter.add.f32 [tilespmem:s29], [sflag:$0x5], $0x40, s19, s25, $0xb8;
	[tilespmem:$0x1A000] =	vst v63  }
0x116: {  	_ =	swait.ge [sflag:s22], $0x2000  }
0x117: {  	[sflag:s22] =	ssyncset.done $0x0  }
0x118: {  	[sflag:s22] =	ssyncadd.s32 $0xFFFFE000  }
0x119: {  	[spmem:s4] =	stream.indirect.scatter.add.f32 [tilespmem:s23], [sflag:$0x5], $0x10, s19, s25, $0xb8;
	[tilespmem:$0x1A000] =	vst v63  }
0x11a: {  	_ =	swait.ge [sflag:s22], $0x800  }
0x11b: {  	[sflag:s22] =	ssyncset.done $0x0  }
0x11c: {  	s20 =	sadd.s32 $0x500, s16;
	[sflag:s22] =	ssyncadd.s32 $0xFFFFF800  }
0x11d: {  	[tilespmem:s29], [sflag:$0x3] =	stream.indirect.gather [hbm4b:s1+s25], $0x40, s20, s25, $0xb8;
	[tilespmem:$0x1A000] =	vst v63  }
0x11e: {  	_ =	swait.ge [sflag:s9], $0x2000  }
0x11f: {  	[sflag:s9] =	ssyncset.done $0x0  }
0x120: {  	s17 =	sadd.s32 $0x2B80, s16;
	[sflag:s9] =	ssyncadd.s32 $0xFFFFE000  }
0x121: {  	[spmem:s3] =	stream.indirect.scatter.add.f32 [tilespmem:s31], [sflag:$0x5], $0x40, s17, s25, $0xb8;
	[tilespmem:$0x1A000] =	vst v63  }
0x122: {  	_ =	swait.ge [sflag:s22], $0x2000  }
0x123: {  	[sflag:s22] =	ssyncset.done $0x0  }
0x124: {  	[sflag:s22] =	ssyncadd.s32 $0xFFFFE000  }
0x125: {  	[spmem:s4] =	stream.indirect.scatter.add.f32 [tilespmem:s23], [sflag:$0x5], $0x10, s17, s25, $0xb8;
	[tilespmem:$0x1A000] =	vst v63  }
0x126: {  	_ =	swait.ge [sflag:s22], $0x800  }
0x127: {  	[sflag:s22] =	ssyncset.done $0x0  }
0x128: {  	s18 =	simm.s32 $0x2780;
	[sflag:s22] =	ssyncadd.s32 $0xFFFFF800  }
0x129: {  	[tilespmem:s31], [sflag:$0x4] =	stream.indirect.gather [hbm4b:s1+s25], $0x40, s18, s25, $0xb8;
	[tilespmem:$0x1A000] =	vst v63  }
0x12a: {  	_ =	swait.ge [sflag:s2], $0x2000  }
0x12b: {  	[sflag:s2] =	ssyncset.done $0x0  }
0x12c: {  	[sflag:s2] =	ssyncadd.s32 $0xFFFFE000  }
0x12d: {  	[spmem:s3] =	stream.indirect.scatter.add.f32 [tilespmem:s21], [sflag:$0x5], $0x40, s11, s25, $0xb8;
	[tilespmem:$0x1A000] =	vst v63  }
0x12e: {  	_ =	swait.ge [sflag:s22], $0x2000  }
0x12f: {  	[sflag:s22] =	ssyncset.done $0x0  }
0x130: {  	[sflag:s22] =	ssyncadd.s32 $0xFFFFE000  }
0x131: {  	[spmem:s4] =	stream.indirect.scatter.add.f32 [tilespmem:s23], [sflag:$0x5], $0x10, s11, s25, $0xb8;
	[tilespmem:$0x1A000] =	vst v63  }
0x132: {  	_ =	swait.ge [sflag:s22], $0x800  }
0x133: {  	[sflag:s22] =	ssyncset.done $0x0  }
0x134: {  	[sflag:s22] =	ssyncadd.s32 $0xFFFFF800  }
0x135: {  	_ =	swait.ge [sflag:s30], $0x2000  }
0x136: {  	[sflag:s30] =	ssyncset.done $0x0  }
0x137: {  	[sflag:s30] =	ssyncadd.s32 $0xFFFFE000  }
0x138: {  	[spmem:s3] =	stream.indirect.scatter.add.f32 [tilespmem:s26], [sflag:$0x5], $0x40, s12, s25, $0xb8;
	[tilespmem:$0x1A000] =	vst v63  }
0x139: {  	_ =	swait.ge [sflag:s22], $0x2000  }
0x13a: {  	[sflag:s22] =	ssyncset.done $0x0  }
0x13b: {  	[sflag:s22] =	ssyncadd.s32 $0xFFFFE000  }
0x13c: {  	[spmem:s4] =	stream.indirect.scatter.add.f32 [tilespmem:s23], [sflag:$0x5], $0x10, s12, s25, $0xb8;
	[tilespmem:$0x1A000] =	vst v63  }
0x13d: {  	_ =	swait.ge [sflag:s22], $0x800  }
0x13e: {  	[sflag:s22] =	ssyncset.done $0x0  }
0x13f: {  	[sflag:s22] =	ssyncadd.s32 $0xFFFFF800  }
0x140: {  	_ =	swait.ge [sflag:s0], $0x2000  }
0x141: {  	[sflag:s0] =	ssyncset.done $0x0  }
0x142: {  	[sflag:s0] =	ssyncadd.s32 $0xFFFFE000  }
0x143: {  	[spmem:s3] =	stream.indirect.scatter.add.f32 [tilespmem:s29], [sflag:$0x5], $0x40, s13, s25, $0xb8;
	[tilespmem:$0x1A000] =	vst v63  }
0x144: {  	_ =	swait.ge [sflag:s22], $0x2000  }
0x145: {  	[sflag:s22] =	ssyncset.done $0x0  }
0x146: {  	[sflag:s22] =	ssyncadd.s32 $0xFFFFE000  }
0x147: {  	[spmem:s4] =	stream.indirect.scatter.add.f32 [tilespmem:s23], [sflag:$0x5], $0x10, s13, s25, $0xb8;
	[tilespmem:$0x1A000] =	vst v63  }
0x148: {  	_ =	swait.ge [sflag:s22], $0x800  }
0x149: {  	[sflag:s22] =	ssyncset.done $0x0  }
0x14a: {  	[sflag:s22] =	ssyncadd.s32 $0xFFFFF800  }
0x14b: {  	_ =	swait.ge [sflag:s9], $0x2000  }
0x14c: {  	[sflag:s9] =	ssyncset.done $0x0  }
0x14d: {  	[sflag:s9] =	ssyncadd.s32 $0xFFFFE000  }
0x14e: {  	[spmem:s3] =	stream.indirect.scatter.add.f32 [tilespmem:s31], [sflag:$0x5], $0x40, s14, s25, $0xb8;
	[tilespmem:$0x1A000] =	vst v63  }
0x14f: {  	_ =	swait.ge [sflag:s22], $0x2000  }
0x150: {  	[sflag:s22] =	ssyncset.done $0x0  }
0x151: {  	[sflag:s22] =	ssyncadd.s32 $0xFFFFE000  }
0x152: {  	[spmem:s4] =	stream.indirect.scatter.add.f32 [tilespmem:s23], [sflag:$0x5], $0x10, s14, s25, $0xb8;
	[tilespmem:$0x1A000] =	vst v63  }
0x153: {  	_ =	swait.ge [sflag:s22], $0x800  }
0x154: {  	[sflag:s22] =	ssyncset.done $0x0  }
0x155: {  	s19 =	stileid.u32;
	[sflag:s22] =	ssyncadd.s32 $0xFFFFF800  }
0x156: {  	s16 =	sshll.u32 s19, $0x6;
	s19 =	simm.s32 $0x8;
	[bflag:$0x0] =	sbarrier.arrive $0xFFFF  }
0x157: {  	s16 =	sor.u32 $0x1C05, s16;
	s20 =	sshrl.u32 s6, $0x3;
	s18 =	rddreg [dreg:$0xf]  }
0x158: {  	[hbm:s18@s15], [sflag:s16] =	dma.strided [spmem:s20@s19], $0x1400, s2, $0x8   }
0x159: {  	_ =	swait.ge [sflag:s22], $0x1400  }
0x15a: {  	[sflag:s22] =	ssyncset.done $0x0  }
0x15b: {  	s18 =	sshrl.u32 s7, $0x3;
	s19 =	rddreg [dreg:$0x10];
	[sflag:s22] =	ssyncadd.s32 $0xFFFFEC00  }
0x15c: {  	[hbm:s19@s15], [sflag:s16] =	dma.strided [spmem:s18@s30], $0x500, s2, $0x2   }
0x15d: {  	_ =	swait.ge [sflag:s22], $0x500  }
0x15e: {  	s5 =	sadd.s32 $0x1, s5;
	s20 =	rddreg [dreg:$0x11]  }
0x15f: {  	p0 =	sne.s32 s5, s20  }
.Ltmp3:
0x160: {  	_ = 	snop;
	(pc) =	sbr.rel @p0 .LBB2_1-.Ltmp3, $3  }
0x161: {  	_ =	sdelay $0x1  }
0x162: {  	[sflag:s22] =	ssyncset.done $0x0  }
0x163: {  	[sflag:s22] =	ssyncadd.s32 $0xFFFFFB00  }
0x164: {  	_ =	sfence.sel $0x180000  }
0x165: {  	[bflag:$0x0] =	sbarrier.arrive $0xFFFF  }
0x166: {  	_ =	strace $0x90000047  }
0x167: {  	s0 =	stileid.u32;
	[bflag:$0x2] =	sbarrier.arrive $0xFFFF  }
0x168: {  	p0 =	sne.s32 s0, $0x0;
	s0 =	rddreg [dreg:$0x4]  }
0x169: {  	s0 =	sadd.s32 @!p0 $0x100000, s0  }
0x16a: {  	[sflag:s0] =	ssyncadd.tile.s32 @!p0 $0x1;
	_ =	shalt  }
.Lfunc_end2:
_tile_overlayer_lowered:
.L_overlay_start_2:
0x16b: {  	(tag) =	ssettag $0x2  }
0x16c: {  	s0 =	rddreg [dreg:$0x0];
	s2 =	stileid.u32  }
0x16d: {  	s1 =	rddreg [dreg:$0x1];
	p0 =	sne.s32 s2, $0x0  }
0x16e: {  	s3 =	rddreg [dreg:$0x2];
	[bflag:$0x3] =	sbarrier.arrive $0xFFFF;
	s2 =	simm.s32 @!p0 $0x1C05  }
0x16f: {  	[timem:s3], [sflag:s2] =	dma.local @!p0 [hbm:s0], s1  }
0x170: {  	s0 =	simm.s32 @!p0 $0x5  }
0x171: {  	_ =	swait.ge @!p0 [sflag:s0], s1  }
0x172: {  	s1 =	ssub.s32 @!p0 $0x0, s1;
	[sflag:s0] =	ssyncset.done @!p0 $0x0  }
0x173: {  	[sflag:s0] =	ssyncadd.s32 @!p0 s1  }
0x174: {  	[bflag:$0x3] =	sbarrier.arrive $0xFFFF  }
0x175: {  	_ =	shalt  }

</sc_bundles>
